<compile_context>
chip_gen: v7x
topology: tpu7x:2x2x1
jax: 0.10.2.dev20260603
libtpu: 0.0.44.dev20260713+nightly
codegen_flags: <defaults>
</compile_context>

<pallas_src>
import functools

import jax
import jax.numpy as jnp
from jax import lax
from jax.experimental import pallas as pl
from jax.experimental.pallas import tpu as pltpu
from jax.experimental.pallas import tpu_sc as plsc

NC = 2
NS = 16
EDGE_BLK = 80

_SC_PARAMS = pltpu.CompilerParams(use_tc_tiling_on_sc=False)


def _sc_mesh():
    return plsc.VectorSubcoreMesh(core_axis_name="c", subcore_axis_name="s")


ROWS_MAIN = 624


def _tile_rowcopy(s, n_nodes, copy_fn):
    tail = n_nodes - NS * ROWS_MAIN
    copy_fn(s * ROWS_MAIN, ROWS_MAIN)
    if tail > 0:
        @pl.when(s == 0)
        def _():
            copy_fn(NS * ROWS_MAIN, tail)


DEG_NBUF = 5
PROP_NBUF = 10


def _deg_pass(ei, ones_blk, zeros16, n_nodes):
    n_edges = ei.shape[1]
    ept = n_edges // (NC * NS)
    n_outer = ept // (DEG_NBUF * EDGE_BLK)

    @functools.partial(
        pl.kernel,
        out_type=jax.ShapeDtypeStruct((NC, n_nodes, 16), jnp.float32),
        mesh=_sc_mesh(),
        scratch_types=[
            pltpu.VMEM((ept,), jnp.int32),
            pltpu.VMEM((EDGE_BLK, 16), jnp.float32),
            pltpu.VMEM_SHARED((n_nodes, 16), jnp.float32),
            pltpu.SemaphoreType.DMA,
            pltpu.SemaphoreType.DMA,
        ],
        compiler_params=_SC_PARAMS,
    )
    def k(ei_hbm, ones_hbm, z_hbm, out_hbm, idx_v, ones_v, acc, isem, ssem):
        c = lax.axis_index("c")
        s = lax.axis_index("s")
        w = c * NS + s
        ld = pltpu.async_copy(ei_hbm.at[1].at[pl.ds(w * ept, ept)], idx_v, isem)
        pltpu.sync_copy(ones_hbm, ones_v)
        _tile_rowcopy(s, n_nodes, lambda r0, nr: pltpu.sync_copy(
            z_hbm.at[pl.ds(r0, nr)], acc.at[pl.ds(r0, nr)]))
        ld.wait()
        plsc.subcore_barrier()

        @pl.loop(0, n_outer)
        def _(i):
            b0 = i * DEG_NBUF * EDGE_BLK
            descs = [pltpu.async_copy(
                ones_v, acc.at[idx_v.at[pl.ds(b0 + j * EDGE_BLK, EDGE_BLK)]],
                ssem, add=True) for j in range(DEG_NBUF)]
            for d in descs:
                d.wait()

        plsc.subcore_barrier()
        _tile_rowcopy(s, n_nodes, lambda r0, nr: pltpu.sync_copy(
            acc.at[pl.ds(r0, nr)], out_hbm.at[c].at[pl.ds(r0, nr)]))

    return k(ei, ones_blk, zeros16)


PROP_BLK = 80
PROP_NBUF = 4


def _prop_pass(g, zeros_feat, ei, n_nodes, n_ch):
    n_edges = ei.shape[1]
    ept = n_edges // (NC * NS)
    chunk = PROP_NBUF * PROP_BLK
    n_outer = ept // chunk
    tail = ept - n_outer * chunk

    @functools.partial(
        pl.kernel,
        out_type=jax.ShapeDtypeStruct((NC, n_nodes, n_ch), jnp.float32),
        mesh=_sc_mesh(),
        scratch_types=(
            [pltpu.VMEM((2, 2, chunk), jnp.int32),
             pltpu.VMEM((2, max(tail, 8)), jnp.int32)]
            + [pltpu.VMEM((PROP_BLK, n_ch), jnp.float32)
               for _ in range(PROP_NBUF)]
            + [pltpu.VMEM_SHARED((n_nodes, n_ch), jnp.float32),
               pltpu.SemaphoreType.DMA,
               pltpu.SemaphoreType.DMA]
            + [pltpu.SemaphoreType.DMA for _ in range(PROP_NBUF)]
        ),
        compiler_params=_SC_PARAMS,
    )
    def k(g_hbm, z_hbm, ei_hbm, out_hbm, eidx, tidx, *rest):
        rows = rest[:PROP_NBUF]
        acc, isem, gsem = rest[PROP_NBUF:PROP_NBUF + 3]
        ssems = rest[PROP_NBUF + 3:]
        c = lax.axis_index("c")
        s = lax.axis_index("s")
        base = (c * NS + s) * ept

        def load_idx(i, p):
            b = base + i * chunk
            return [pltpu.async_copy(ei_hbm.at[d].at[pl.ds(b, chunk)],
                                     eidx.at[d].at[p], isem)
                    for d in (0, 1)]

        first = load_idx(0, 0)
        @pl.when(c == 0)
        def _():
            _tile_rowcopy(s, n_nodes, lambda r0, nr: pltpu.sync_copy(
                g_hbm.at[pl.ds(r0, nr)], acc.at[pl.ds(r0, nr)]))

        @pl.when(c != 0)
        def _():
            _tile_rowcopy(s, n_nodes, lambda r0, nr: pltpu.sync_copy(
                z_hbm.at[pl.ds(r0, nr)], acc.at[pl.ds(r0, nr)]))

        for d in first:
            d.wait()
        plsc.subcore_barrier()

        def consume_scatter(j, p):
            pltpu.make_async_copy(
                rows[j],
                acc.at[eidx.at[1].at[p].at[pl.ds(j * PROP_BLK, PROP_BLK)]],
                ssems[j]).wait()

        @pl.loop(0, n_outer)
        def _(i):
            p = lax.rem(i, 2)
            gds = []
            for j in range(PROP_NBUF):
                @pl.when(i > 0)
                def _():
                    consume_scatter(j, p)
                gds.append(pltpu.async_copy(
                    g_hbm.at[eidx.at[0].at[p].at[pl.ds(j * PROP_BLK,
                                                       PROP_BLK)]],
                    rows[j], gsem))

            @pl.when(i + 1 < n_outer)
            def _():
                load_idx(i + 1, 1 - p)
            for j in range(PROP_NBUF):
                gds[j].wait()
                pltpu.async_copy(
                    rows[j],
                    acc.at[eidx.at[1].at[p].at[pl.ds(j * PROP_BLK, PROP_BLK)]],
                    ssems[j], add=True)

            @pl.when(i + 1 < n_outer)
            def _():
                for d in (0, 1):
                    pltpu.make_async_copy(
                        ei_hbm.at[d].at[pl.ds(base, chunk)],
                        eidx.at[d].at[1 - p], isem).wait()

        for j in range(PROP_NBUF):
            consume_scatter(j, 0)

        if tail:
            bt = base + n_outer * chunk
            for d in (0, 1):
                pltpu.sync_copy(ei_hbm.at[d].at[pl.ds(bt, tail)], tidx.at[d])
            pltpu.async_copy(g_hbm.at[tidx.at[0]], rows[0].at[pl.ds(0, tail)],
                             gsem).wait()
            pltpu.sync_copy(rows[0].at[pl.ds(0, tail)], acc.at[tidx.at[1]],
                            add=True)

        plsc.subcore_barrier()
        _tile_rowcopy(s, n_nodes, lambda r0, nr: pltpu.sync_copy(
            acc.at[pl.ds(r0, nr)], out_hbm.at[c].at[pl.ds(r0, nr)]))

    return k(g, zeros_feat, ei)


def _tc_stage1(cnt, x, W1):
    n = x.shape[0]

    def body(cnt_ref, x_ref, w_ref, g_ref, dinv_ref):
        deg = cnt_ref[0, :, 0:1] + cnt_ref[1, :, 0:1] + 1.0
        dinv = lax.rsqrt(deg)
        dinv_ref[...] = dinv
        g_ref[...] = dinv * jnp.dot(x_ref[...], w_ref[...],
                                    preferred_element_type=jnp.float32)

    return pl.pallas_call(
        body,
        out_shape=(jax.ShapeDtypeStruct((n, W1.shape[1]), jnp.float32),
                   jax.ShapeDtypeStruct((n, 1), jnp.float32)),
    )(cnt, x, W1)


def _tc_stage2(part1, dinv, b1, W_cat):
    n = dinv.shape[0]

    def body(p_ref, dinv_ref, b_ref, w_ref, g2_ref):
        dinv = dinv_ref[...]
        h = dinv * (p_ref[0] + p_ref[1]) + b_ref[...]
        g2_ref[...] = dinv * jnp.dot(h, w_ref[...],
                                     preferred_element_type=jnp.float32)

    return pl.pallas_call(
        body,
        out_shape=jax.ShapeDtypeStruct((n, W_cat.shape[1]), jnp.float32),
    )(part1, dinv, b1, W_cat)


def _tc_stage3(part2, dinv, b_cat, init_dist):
    n, oc = init_dist.shape

    def body(p_ref, dinv_ref, b_ref, init_ref, z_ref):
        o = dinv_ref[...] * (p_ref[0] + p_ref[1]) + b_ref[...]
        mu = o[:, :oc]
        logstd = o[:, oc:]
        z_ref[...] = mu + init_ref[...] * jnp.exp(logstd)

    return pl.pallas_call(
        body,
        out_shape=jax.ShapeDtypeStruct((n, oc), jnp.float32),
    )(part2, dinv, b_cat, init_dist)


def kernel(x, edge_index, init_dist, W1, b1, W_mu, b_mu, W_ls, b_ls):
    n, _ = x.shape
    ei = edge_index
    if ei.dtype != jnp.int32:
        ei = ei.astype(jnp.int32)
    W_cat = jnp.concatenate([W_mu, W_ls], axis=1)
    b1r = b1[None, :]
    b_catr = jnp.concatenate([b_mu, b_ls])[None, :]

    c1 = W1.shape[1]
    c2 = W_cat.shape[1]
    zeros16 = jnp.zeros((n, 16), jnp.float32)
    ones_blk = jnp.ones((EDGE_BLK, 16), jnp.float32)
    zeros_c1 = jnp.zeros((n, c1), jnp.float32)
    zeros_c2 = jnp.zeros((n, c2), jnp.float32)

    cnt = _deg_pass(ei, ones_blk, zeros16, n)
    g1, dinv = _tc_stage1(cnt, x, W1)
    part1 = _prop_pass(g1, zeros_c1, ei, n, c1)
    g2 = _tc_stage2(part1, dinv, b1r, W_cat)
    part2 = _prop_pass(g2, zeros_c2, ei, n, c2)
    z = _tc_stage3(part2, dinv, b_catr, init_dist)
    return z

# --- scband reference (transcript-rebuilt; emitter-appended) ---
"""Pipeline reference for scband-genc-opt-56401510531402 (READ-ONLY COPY).

The authoritative reference and input builder live on the scoring server;
editing this copy changes nothing except your own understanding.
"""

import jax, jax.numpy as jnp
import numpy as np

N_NODES = 10000
N_EDGES = 320000
IN_CH = 128
OUT_CH = 64


def gcn_conv(x, edge_index, W, b):
    # PyG GCNConv: add self-loops, symmetric normalization D^-1/2 (A+I) D^-1/2, then X W + b
    N = x.shape[0]
    loop = jnp.arange(N, dtype=edge_index.dtype)
    src = jnp.concatenate([edge_index[0], loop])
    dst = jnp.concatenate([edge_index[1], loop])
    deg = jax.ops.segment_sum(jnp.ones_like(dst, dtype=x.dtype), dst, num_segments=N)
    dinv = jnp.where(deg > 0, 1.0 / jnp.sqrt(deg), 0.0)
    norm = dinv[src] * dinv[dst]
    h = x @ W
    msg = h[src] * norm[:, None]
    out = jax.ops.segment_sum(msg, dst, num_segments=N)
    return out + b


def setup_inputs(seed: int = 0) -> dict:
    key = jax.random.key(seed)
    ks = jax.random.split(key, 10)
    x = jax.random.normal(ks[0], (N_NODES, IN_CH), dtype=jnp.float32)
    edge_index = jax.random.randint(ks[1], (2, N_EDGES), 0, N_NODES, dtype=jnp.int64)
    init_dist = jax.random.normal(ks[2], (N_NODES, OUT_CH), dtype=jnp.float32)
    # GCNConv weights (glorot-style scale)
    s1 = 1.0 / np.sqrt(IN_CH)
    s2 = 1.0 / np.sqrt(2 * OUT_CH)
    W1 = jax.random.uniform(ks[3], (IN_CH, 2 * OUT_CH), minval=-s1, maxval=s1, dtype=jnp.float32)
    b1 = jnp.zeros((2 * OUT_CH,), dtype=jnp.float32)
    W_mu = jax.random.uniform(ks[4], (2 * OUT_CH, OUT_CH), minval=-s2, maxval=s2, dtype=jnp.float32)
    b_mu = jnp.zeros((OUT_CH,), dtype=jnp.float32)
    W_ls = jax.random.uniform(ks[5], (2 * OUT_CH, OUT_CH), minval=-s2, maxval=s2, dtype=jnp.float32)
    b_ls = jnp.zeros((OUT_CH,), dtype=jnp.float32)
    return {"x": x, "edge_index": edge_index, "init_dist": init_dist,
            "W1": W1, "b1": b1, "W_mu": W_mu, "b_mu": b_mu, "W_ls": W_ls, "b_ls": b_ls}


def reference(x, edge_index, init_dist, W1, b1, W_mu, b_mu, W_ls, b_ls):
    h = gcn_conv(x, edge_index, W1, b1)
    mu = gcn_conv(h, edge_index, W_mu, b_mu)
    logstd = gcn_conv(h, edge_index, W_ls, b_ls)
    z = mu + init_dist * jnp.exp(logstd)
    return z

if __name__ == "__main__":
    import jax
    _d = setup_inputs()
    print(jax.jit(kernel)(*tuple(_d.values())))

</pallas_src>

<mosaic_0001>
#map = affine_map<(d0, d1) -> (0, 0)>
#map1 = affine_map<(d0, d1) -> (0, 0, 0)>
module attributes {stable_mosaic.version = 14 : i64} {
  func.func @k(%arg0: i32, %arg1: i32, %arg2: memref<2x320000xi32, #tpu.memory_space<hbm>>, %arg3: memref<80x16xf32, #tpu.memory_space<hbm>>, %arg4: memref<10000x16xf32, #tpu.memory_space<hbm>>, %arg5: memref<2x10000x16xf32, #tpu.memory_space<hbm>>, %arg6: memref<10000xi32, #tpu.memory_space<vmem>>, %arg7: memref<80x16xf32, #tpu.memory_space<vmem>>, %arg8: memref<10000x16xf32, #tpu.memory_space<vmem_shared>>, %arg9: memref<!tpu.dma_semaphore, #tpu.memory_space<semaphore_mem>>, %arg10: memref<!tpu.dma_semaphore, #tpu.memory_space<semaphore_mem>>) attributes {dimension_semantics = [#tpu.dimension_semantics<core_parallel>, #tpu.dimension_semantics<subcore_parallel>], iteration_bounds = array<i64: 2, 16>, scalar_prefetch = 0 : i64, scratch_operands = 5 : i64, tpu.core_type = #tpu.core_type<sc_vector_subcore>, window_params = [{transform_indices = #map}, {transform_indices = #map}, {transform_indices = #map}, {transform_indices = #map1}]} {
    %mul3A = arith.constant 16 : i32
    %mul3A_0 = arith.muli %arg0, %mul3A : i32
    %add3A = arith.addi %mul3A_0, %arg1 : i32
    %mul3A_1 = arith.constant 10000 : i32
    %mul3A_2 = arith.muli %add3A, %mul3A_1 : i32
    %dma_start3A = arith.constant 1 : i32
    %dma_start3A_3 = arith.constant 0 : i32
    %dma_start3A_4 = tpu.memref_slice %arg2[%dma_start3A, %dma_start3A_3] : memref<2x320000xi32, #tpu.memory_space<hbm>> -> memref<1x320000xi32, #tpu.memory_space<hbm>>
    %dma_start3A_5 = tpu.memref_squeeze %dma_start3A_4 : memref<1x320000xi32, #tpu.memory_space<hbm>> -> memref<320000xi32, #tpu.memory_space<hbm>>
    %dma_start3A_6 = tpu.memref_slice %dma_start3A_5[%mul3A_2] : memref<320000xi32, #tpu.memory_space<hbm>> -> memref<10000xi32, #tpu.memory_space<hbm>>
    %dma_start3A_7 = arith.constant 0 : i32
    %dma_start3A_8 = tpu.memref_slice %arg2[%dma_start3A, %dma_start3A_7] : memref<2x320000xi32, #tpu.memory_space<hbm>> -> memref<1x320000xi32, #tpu.memory_space<hbm>>
    %dma_start3A_9 = tpu.memref_squeeze %dma_start3A_8 : memref<1x320000xi32, #tpu.memory_space<hbm>> -> memref<320000xi32, #tpu.memory_space<hbm>>
    %dma_start3A_10 = tpu.memref_slice %dma_start3A_9[%mul3A_2] : memref<320000xi32, #tpu.memory_space<hbm>> -> memref<10000xi32, #tpu.memory_space<hbm>>
    tpu.enqueue_dma source(%dma_start3A_10 : memref<10000xi32, #tpu.memory_space<hbm>>) target(%arg6 : memref<10000xi32, #tpu.memory_space<vmem>>) target_semaphore(%arg9 : memref<!tpu.dma_semaphore, #tpu.memory_space<semaphore_mem>>)
    "tpu.region"() ({
      %run_scoped3A = tpu.sem_alloc : memref<!tpu.dma_semaphore, #tpu.memory_space<semaphore_mem>>
      tpu.enqueue_dma source(%arg3 : memref<80x16xf32, #tpu.memory_space<hbm>>) target(%arg7 : memref<80x16xf32, #tpu.memory_space<vmem>>) target_semaphore(%run_scoped3A : memref<!tpu.dma_semaphore, #tpu.memory_space<semaphore_mem>>)
      tpu.wait_dma2 semaphore(%run_scoped3A : memref<!tpu.dma_semaphore, #tpu.memory_space<semaphore_mem>>) src(%arg3 : memref<80x16xf32, #tpu.memory_space<hbm>>) dst(%arg7 : memref<80x16xf32, #tpu.memory_space<vmem>>)
      tpu.yield
    }) : () -> ()
    %mul3A_11 = arith.constant 624 : i32
    %mul3A_12 = arith.muli %arg1, %mul3A_11 : i32
    "tpu.region"() ({
      %run_scoped3A = tpu.sem_alloc : memref<!tpu.dma_semaphore, #tpu.memory_space<semaphore_mem>>
      %dma_start3A_35 = arith.constant 0 : i32
      %dma_start3A_36 = tpu.memref_slice %arg8[%mul3A_12, %dma_start3A_35] : memref<10000x16xf32, #tpu.memory_space<vmem_shared>> -> memref<624x16xf32, #tpu.memory_space<vmem_shared>>
      %dma_start3A_37 = arith.constant 0 : i32
      %dma_start3A_38 = tpu.memref_slice %arg4[%mul3A_12, %dma_start3A_37] : memref<10000x16xf32, #tpu.memory_space<hbm>> -> memref<624x16xf32, #tpu.memory_space<hbm>>
      tpu.enqueue_dma source(%dma_start3A_38 : memref<624x16xf32, #tpu.memory_space<hbm>>) target(%dma_start3A_36 : memref<624x16xf32, #tpu.memory_space<vmem_shared>>) target_semaphore(%run_scoped3A : memref<!tpu.dma_semaphore, #tpu.memory_space<semaphore_mem>>)
      %dma_wait3A_39 = arith.constant 0 : i32
      %dma_wait3A_40 = tpu.memref_slice %arg8[%mul3A_12, %dma_wait3A_39] : memref<10000x16xf32, #tpu.memory_space<vmem_shared>> -> memref<624x16xf32, #tpu.memory_space<vmem_shared>>
      %dma_wait3A_41 = arith.constant 0 : i32
      %dma_wait3A_42 = tpu.memref_slice %arg4[%mul3A_12, %dma_wait3A_41] : memref<10000x16xf32, #tpu.memory_space<hbm>> -> memref<624x16xf32, #tpu.memory_space<hbm>>
      tpu.wait_dma2 semaphore(%run_scoped3A : memref<!tpu.dma_semaphore, #tpu.memory_space<semaphore_mem>>) src(%dma_wait3A_42 : memref<624x16xf32, #tpu.memory_space<hbm>>) dst(%dma_wait3A_40 : memref<624x16xf32, #tpu.memory_space<vmem_shared>>)
      tpu.yield
    }) : () -> ()
    %eq3A = arith.constant 0 : i32
    %eq3A_13 = arith.cmpi eq, %arg1, %eq3A : i32
    %convert_element_type3A = arith.extui %eq3A_13 : i1 to i32
    %cond3A = arith.constant 0 : i32
    %cond3A_14 = arith.cmpi ne, %convert_element_type3A, %cond3A : i32
    scf.if %cond3A_14 {
      "tpu.region"() ({
        %run_scoped3A = tpu.sem_alloc : memref<!tpu.dma_semaphore, #tpu.memory_space<semaphore_mem>>
        %dma_start3A_35 = arith.constant 9984 : i32
        %dma_start3A_36 = arith.constant 0 : i32
        %dma_start3A_37 = tpu.memref_slice %arg8[%dma_start3A_35, %dma_start3A_36] : memref<10000x16xf32, #tpu.memory_space<vmem_shared>> -> memref<16x16xf32, #tpu.memory_space<vmem_shared>>
        %dma_start3A_38 = arith.constant 9984 : i32
        %dma_start3A_39 = arith.constant 0 : i32
        %dma_start3A_40 = tpu.memref_slice %arg4[%dma_start3A_38, %dma_start3A_39] : memref<10000x16xf32, #tpu.memory_space<hbm>> -> memref<16x16xf32, #tpu.memory_space<hbm>>
        tpu.enqueue_dma source(%dma_start3A_40 : memref<16x16xf32, #tpu.memory_space<hbm>>) target(%dma_start3A_37 : memref<16x16xf32, #tpu.memory_space<vmem_shared>>) target_semaphore(%run_scoped3A : memref<!tpu.dma_semaphore, #tpu.memory_space<semaphore_mem>>)
        %dma_wait3A_41 = arith.constant 9984 : i32
        %dma_wait3A_42 = arith.constant 0 : i32
        %dma_wait3A_43 = tpu.memref_slice %arg8[%dma_wait3A_41, %dma_wait3A_42] : memref<10000x16xf32, #tpu.memory_space<vmem_shared>> -> memref<16x16xf32, #tpu.memory_space<vmem_shared>>
        %dma_wait3A_44 = arith.constant 9984 : i32
        %dma_wait3A_45 = arith.constant 0 : i32
        %dma_wait3A_46 = tpu.memref_slice %arg4[%dma_wait3A_44, %dma_wait3A_45] : memref<10000x16xf32, #tpu.memory_space<hbm>> -> memref<16x16xf32, #tpu.memory_space<hbm>>
        tpu.wait_dma2 semaphore(%run_scoped3A : memref<!tpu.dma_semaphore, #tpu.memory_space<semaphore_mem>>) src(%dma_wait3A_46 : memref<16x16xf32, #tpu.memory_space<hbm>>) dst(%dma_wait3A_43 : memref<16x16xf32, #tpu.memory_space<vmem_shared>>)
        tpu.yield
      }) : () -> ()
    } else {
    }
    %dma_wait3A = arith.constant 1 : i32
    %dma_wait3A_15 = arith.constant 0 : i32
    %dma_wait3A_16 = tpu.memref_slice %arg2[%dma_wait3A, %dma_wait3A_15] : memref<2x320000xi32, #tpu.memory_space<hbm>> -> memref<1x320000xi32, #tpu.memory_space<hbm>>
    %dma_wait3A_17 = tpu.memref_squeeze %dma_wait3A_16 : memref<1x320000xi32, #tpu.memory_space<hbm>> -> memref<320000xi32, #tpu.memory_space<hbm>>
    %dma_wait3A_18 = tpu.memref_slice %dma_wait3A_17[%mul3A_2] : memref<320000xi32, #tpu.memory_space<hbm>> -> memref<10000xi32, #tpu.memory_space<hbm>>
    %dma_wait3A_19 = arith.constant 0 : i32
    %dma_wait3A_20 = tpu.memref_slice %arg2[%dma_wait3A, %dma_wait3A_19] : memref<2x320000xi32, #tpu.memory_space<hbm>> -> memref<1x320000xi32, #tpu.memory_space<hbm>>
    %dma_wait3A_21 = tpu.memref_squeeze %dma_wait3A_20 : memref<1x320000xi32, #tpu.memory_space<hbm>> -> memref<320000xi32, #tpu.memory_space<hbm>>
    %dma_wait3A_22 = tpu.memref_slice %dma_wait3A_21[%mul3A_2] : memref<320000xi32, #tpu.memory_space<hbm>> -> memref<10000xi32, #tpu.memory_space<hbm>>
    tpu.wait_dma2 semaphore(%arg9 : memref<!tpu.dma_semaphore, #tpu.memory_space<semaphore_mem>>) src(%dma_wait3A_22 : memref<10000xi32, #tpu.memory_space<hbm>>) dst(%arg6 : memref<10000xi32, #tpu.memory_space<vmem>>)
    %barrier3A = arith.constant 0 : index
    tpu.barrier barrier_id(%barrier3A)
    %scan3A = arith.constant 0 : i32
    %scan3A_23 = arith.constant 25 : i32
    %scan3A_24 = arith.addi %scan3A, %scan3A_23 : i32
    %scan3A_25 = arith.constant 1 : i32
    scf.for %scan3A_35 = %scan3A to %scan3A_24 step %scan3A_25  : i32 {
      %mul3A_36 = arith.constant 1 : i32
      %mul3A_37 = arith.muli %scan3A_35, %mul3A_36 : i32
      %add3A_38 = arith.constant 0 : i32
      %add3A_39 = arith.addi %add3A_38, %mul3A_37 : i32
      %mul3A_40 = arith.constant 5 : i32
      %mul3A_41 = arith.muli %add3A_39, %mul3A_40 : i32
      %mul3A_42 = arith.constant 80 : i32
      %mul3A_43 = arith.muli %mul3A_41, %mul3A_42 : i32
      %add3A_44 = arith.constant 0 : i32
      %add3A_45 = arith.addi %mul3A_43, %add3A_44 : i32
      %dma_start3A_46 = tpu.memref_slice %arg6[%add3A_45] : memref<10000xi32, #tpu.memory_space<vmem>> -> memref<80xi32, #tpu.memory_space<vmem>>
      %dma_start3A_47 = arith.constant 0 : i32
      %dma_start3A_48 = arith.constant 0 : i32
      %dma_start3A_49 = tpu.memref_slice %arg8[%dma_start3A_47, %dma_start3A_48] : memref<10000x16xf32, #tpu.memory_space<vmem_shared>> -> memref<10000x16xf32, #tpu.memory_space<vmem_shared>>
      tpu.enqueue_indirect_dma source(%arg7 : memref<80x16xf32, #tpu.memory_space<vmem>>) target(%dma_start3A_49 : memref<10000x16xf32, #tpu.memory_space<vmem_shared>>) offsets(%dma_start3A_46 : memref<80xi32, #tpu.memory_space<vmem>>) semaphore(%arg10 : memref<!tpu.dma_semaphore, #tpu.memory_space<semaphore_mem>>) {add = true}
      %add3A_50 = arith.constant 80 : i32
      %add3A_51 = arith.addi %mul3A_43, %add3A_50 : i32
      %dma_start3A_52 = tpu.memref_slice %arg6[%add3A_51] : memref<10000xi32, #tpu.memory_space<vmem>> -> memref<80xi32, #tpu.memory_space<vmem>>
      %dma_start3A_53 = arith.constant 0 : i32
      %dma_start3A_54 = arith.constant 0 : i32
      %dma_start3A_55 = tpu.memref_slice %arg8[%dma_start3A_53, %dma_start3A_54] : memref<10000x16xf32, #tpu.memory_space<vmem_shared>> -> memref<10000x16xf32, #tpu.memory_space<vmem_shared>>
      tpu.enqueue_indirect_dma source(%arg7 : memref<80x16xf32, #tpu.memory_space<vmem>>) target(%dma_start3A_55 : memref<10000x16xf32, #tpu.memory_space<vmem_shared>>) offsets(%dma_start3A_52 : memref<80xi32, #tpu.memory_space<vmem>>) semaphore(%arg10 : memref<!tpu.dma_semaphore, #tpu.memory_space<semaphore_mem>>) {add = true}
      %add3A_56 = arith.constant 160 : i32
      %add3A_57 = arith.addi %mul3A_43, %add3A_56 : i32
      %dma_start3A_58 = tpu.memref_slice %arg6[%add3A_57] : memref<10000xi32, #tpu.memory_space<vmem>> -> memref<80xi32, #tpu.memory_space<vmem>>
      %dma_start3A_59 = arith.constant 0 : i32
      %dma_start3A_60 = arith.constant 0 : i32
      %dma_start3A_61 = tpu.memref_slice %arg8[%dma_start3A_59, %dma_start3A_60] : memref<10000x16xf32, #tpu.memory_space<vmem_shared>> -> memref<10000x16xf32, #tpu.memory_space<vmem_shared>>
      tpu.enqueue_indirect_dma source(%arg7 : memref<80x16xf32, #tpu.memory_space<vmem>>) target(%dma_start3A_61 : memref<10000x16xf32, #tpu.memory_space<vmem_shared>>) offsets(%dma_start3A_58 : memref<80xi32, #tpu.memory_space<vmem>>) semaphore(%arg10 : memref<!tpu.dma_semaphore, #tpu.memory_space<semaphore_mem>>) {add = true}
      %add3A_62 = arith.constant 240 : i32
      %add3A_63 = arith.addi %mul3A_43, %add3A_62 : i32
      %dma_start3A_64 = tpu.memref_slice %arg6[%add3A_63] : memref<10000xi32, #tpu.memory_space<vmem>> -> memref<80xi32, #tpu.memory_space<vmem>>
      %dma_start3A_65 = arith.constant 0 : i32
      %dma_start3A_66 = arith.constant 0 : i32
      %dma_start3A_67 = tpu.memref_slice %arg8[%dma_start3A_65, %dma_start3A_66] : memref<10000x16xf32, #tpu.memory_space<vmem_shared>> -> memref<10000x16xf32, #tpu.memory_space<vmem_shared>>
      tpu.enqueue_indirect_dma source(%arg7 : memref<80x16xf32, #tpu.memory_space<vmem>>) target(%dma_start3A_67 : memref<10000x16xf32, #tpu.memory_space<vmem_shared>>) offsets(%dma_start3A_64 : memref<80xi32, #tpu.memory_space<vmem>>) semaphore(%arg10 : memref<!tpu.dma_semaphore, #tpu.memory_space<semaphore_mem>>) {add = true}
      %add3A_68 = arith.constant 320 : i32
      %add3A_69 = arith.addi %mul3A_43, %add3A_68 : i32
      %dma_start3A_70 = tpu.memref_slice %arg6[%add3A_69] : memref<10000xi32, #tpu.memory_space<vmem>> -> memref<80xi32, #tpu.memory_space<vmem>>
      %dma_start3A_71 = arith.constant 0 : i32
      %dma_start3A_72 = arith.constant 0 : i32
      %dma_start3A_73 = tpu.memref_slice %arg8[%dma_start3A_71, %dma_start3A_72] : memref<10000x16xf32, #tpu.memory_space<vmem_shared>> -> memref<10000x16xf32, #tpu.memory_space<vmem_shared>>
      tpu.enqueue_indirect_dma source(%arg7 : memref<80x16xf32, #tpu.memory_space<vmem>>) target(%dma_start3A_73 : memref<10000x16xf32, #tpu.memory_space<vmem_shared>>) offsets(%dma_start3A_70 : memref<80xi32, #tpu.memory_space<vmem>>) semaphore(%arg10 : memref<!tpu.dma_semaphore, #tpu.memory_space<semaphore_mem>>) {add = true}
      %dma_wait3A_74 = tpu.memref_slice %arg6[%add3A_45] : memref<10000xi32, #tpu.memory_space<vmem>> -> memref<80xi32, #tpu.memory_space<vmem>>
      %dma_wait3A_75 = arith.constant 0 : i32
      %dma_wait3A_76 = arith.constant 0 : i32
      %dma_wait3A_77 = tpu.memref_slice %arg8[%dma_wait3A_75, %dma_wait3A_76] : memref<10000x16xf32, #tpu.memory_space<vmem_shared>> -> memref<10000x16xf32, #tpu.memory_space<vmem_shared>>
      tpu.wait_indirect_dma semaphore(%arg10 : memref<!tpu.dma_semaphore, #tpu.memory_space<semaphore_mem>>) src(%arg7 : memref<80x16xf32, #tpu.memory_space<vmem>>) dst(%dma_wait3A_77 : memref<10000x16xf32, #tpu.memory_space<vmem_shared>>)
      %dma_wait3A_78 = tpu.memref_slice %arg6[%add3A_51] : memref<10000xi32, #tpu.memory_space<vmem>> -> memref<80xi32, #tpu.memory_space<vmem>>
      %dma_wait3A_79 = arith.constant 0 : i32
      %dma_wait3A_80 = arith.constant 0 : i32
      %dma_wait3A_81 = tpu.memref_slice %arg8[%dma_wait3A_79, %dma_wait3A_80] : memref<10000x16xf32, #tpu.memory_space<vmem_shared>> -> memref<10000x16xf32, #tpu.memory_space<vmem_shared>>
      tpu.wait_indirect_dma semaphore(%arg10 : memref<!tpu.dma_semaphore, #tpu.memory_space<semaphore_mem>>) src(%arg7 : memref<80x16xf32, #tpu.memory_space<vmem>>) dst(%dma_wait3A_81 : memref<10000x16xf32, #tpu.memory_space<vmem_shared>>)
      %dma_wait3A_82 = tpu.memref_slice %arg6[%add3A_57] : memref<10000xi32, #tpu.memory_space<vmem>> -> memref<80xi32, #tpu.memory_space<vmem>>
      %dma_wait3A_83 = arith.constant 0 : i32
      %dma_wait3A_84 = arith.constant 0 : i32
      %dma_wait3A_85 = tpu.memref_slice %arg8[%dma_wait3A_83, %dma_wait3A_84] : memref<10000x16xf32, #tpu.memory_space<vmem_shared>> -> memref<10000x16xf32, #tpu.memory_space<vmem_shared>>
      tpu.wait_indirect_dma semaphore(%arg10 : memref<!tpu.dma_semaphore, #tpu.memory_space<semaphore_mem>>) src(%arg7 : memref<80x16xf32, #tpu.memory_space<vmem>>) dst(%dma_wait3A_85 : memref<10000x16xf32, #tpu.memory_space<vmem_shared>>)
      %dma_wait3A_86 = tpu.memref_slice %arg6[%add3A_63] : memref<10000xi32, #tpu.memory_space<vmem>> -> memref<80xi32, #tpu.memory_space<vmem>>
      %dma_wait3A_87 = arith.constant 0 : i32
      %dma_wait3A_88 = arith.constant 0 : i32
      %dma_wait3A_89 = tpu.memref_slice %arg8[%dma_wait3A_87, %dma_wait3A_88] : memref<10000x16xf32, #tpu.memory_space<vmem_shared>> -> memref<10000x16xf32, #tpu.memory_space<vmem_shared>>
      tpu.wait_indirect_dma semaphore(%arg10 : memref<!tpu.dma_semaphore, #tpu.memory_space<semaphore_mem>>) src(%arg7 : memref<80x16xf32, #tpu.memory_space<vmem>>) dst(%dma_wait3A_89 : memref<10000x16xf32, #tpu.memory_space<vmem_shared>>)
      %dma_wait3A_90 = tpu.memref_slice %arg6[%add3A_69] : memref<10000xi32, #tpu.memory_space<vmem>> -> memref<80xi32, #tpu.memory_space<vmem>>
      %dma_wait3A_91 = arith.constant 0 : i32
      %dma_wait3A_92 = arith.constant 0 : i32
      %dma_wait3A_93 = tpu.memref_slice %arg8[%dma_wait3A_91, %dma_wait3A_92] : memref<10000x16xf32, #tpu.memory_space<vmem_shared>> -> memref<10000x16xf32, #tpu.memory_space<vmem_shared>>
      tpu.wait_indirect_dma semaphore(%arg10 : memref<!tpu.dma_semaphore, #tpu.memory_space<semaphore_mem>>) src(%arg7 : memref<80x16xf32, #tpu.memory_space<vmem>>) dst(%dma_wait3A_93 : memref<10000x16xf32, #tpu.memory_space<vmem_shared>>)
    }
    %scan3A_26 = arith.constant 25 : i32
    %barrier3A_27 = arith.constant 0 : index
    tpu.barrier barrier_id(%barrier3A_27)
    %mul3A_28 = arith.constant 624 : i32
    %mul3A_29 = arith.muli %arg1, %mul3A_28 : i32
    "tpu.region"() ({
      %run_scoped3A = tpu.sem_alloc : memref<!tpu.dma_semaphore, #tpu.memory_space<semaphore_mem>>
      %dma_start3A_35 = arith.constant 0 : i32
      %dma_start3A_36 = arith.constant 0 : i32
      %dma_start3A_37 = tpu.memref_slice %arg5[%arg0, %dma_start3A_35, %dma_start3A_36] : memref<2x10000x16xf32, #tpu.memory_space<hbm>> -> memref<1x10000x16xf32, #tpu.memory_space<hbm>>
      %dma_start3A_38 = tpu.memref_squeeze %dma_start3A_37 : memref<1x10000x16xf32, #tpu.memory_space<hbm>> -> memref<10000x16xf32, #tpu.memory_space<hbm>>
      %dma_start3A_39 = arith.constant 0 : i32
      %dma_start3A_40 = tpu.memref_slice %dma_start3A_38[%mul3A_29, %dma_start3A_39] : memref<10000x16xf32, #tpu.memory_space<hbm>> -> memref<624x16xf32, #tpu.memory_space<hbm>>
      %dma_start3A_41 = arith.constant 0 : i32
      %dma_start3A_42 = tpu.memref_slice %arg8[%mul3A_29, %dma_start3A_41] : memref<10000x16xf32, #tpu.memory_space<vmem_shared>> -> memref<624x16xf32, #tpu.memory_space<vmem_shared>>
      tpu.enqueue_dma source(%dma_start3A_42 : memref<624x16xf32, #tpu.memory_space<vmem_shared>>) target(%dma_start3A_40 : memref<624x16xf32, #tpu.memory_space<hbm>>) target_semaphore(%run_scoped3A : memref<!tpu.dma_semaphore, #tpu.memory_space<semaphore_mem>>)
      %dma_wait3A_43 = arith.constant 0 : i32
      %dma_wait3A_44 = arith.constant 0 : i32
      %dma_wait3A_45 = tpu.memref_slice %arg5[%arg0, %dma_wait3A_43, %dma_wait3A_44] : memref<2x10000x16xf32, #tpu.memory_space<hbm>> -> memref<1x10000x16xf32, #tpu.memory_space<hbm>>
      %dma_wait3A_46 = tpu.memref_squeeze %dma_wait3A_45 : memref<1x10000x16xf32, #tpu.memory_space<hbm>> -> memref<10000x16xf32, #tpu.memory_space<hbm>>
      %dma_wait3A_47 = arith.constant 0 : i32
      %dma_wait3A_48 = tpu.memref_slice %dma_wait3A_46[%mul3A_29, %dma_wait3A_47] : memref<10000x16xf32, #tpu.memory_space<hbm>> -> memref<624x16xf32, #tpu.memory_space<hbm>>
      %dma_wait3A_49 = arith.constant 0 : i32
      %dma_wait3A_50 = tpu.memref_slice %arg8[%mul3A_29, %dma_wait3A_49] : memref<10000x16xf32, #tpu.memory_space<vmem_shared>> -> memref<624x16xf32, #tpu.memory_space<vmem_shared>>
      tpu.wait_dma2 semaphore(%run_scoped3A : memref<!tpu.dma_semaphore, #tpu.memory_space<semaphore_mem>>) src(%dma_wait3A_50 : memref<624x16xf32, #tpu.memory_space<vmem_shared>>) dst(%dma_wait3A_48 : memref<624x16xf32, #tpu.memory_space<hbm>>)
      tpu.yield
    }) : () -> ()
    %eq3A_30 = arith.constant 0 : i32
    %eq3A_31 = arith.cmpi eq, %arg1, %eq3A_30 : i32
    %convert_element_type3A_32 = arith.extui %eq3A_31 : i1 to i32
    %cond3A_33 = arith.constant 0 : i32
    %cond3A_34 = arith.cmpi ne, %convert_element_type3A_32, %cond3A_33 : i32
    scf.if %cond3A_34 {
      "tpu.region"() ({
        %run_scoped3A = tpu.sem_alloc : memref<!tpu.dma_semaphore, #tpu.memory_space<semaphore_mem>>
        %dma_start3A_35 = arith.constant 0 : i32
        %dma_start3A_36 = arith.constant 0 : i32
        %dma_start3A_37 = tpu.memref_slice %arg5[%arg0, %dma_start3A_35, %dma_start3A_36] : memref<2x10000x16xf32, #tpu.memory_space<hbm>> -> memref<1x10000x16xf32, #tpu.memory_space<hbm>>
        %dma_start3A_38 = tpu.memref_squeeze %dma_start3A_37 : memref<1x10000x16xf32, #tpu.memory_space<hbm>> -> memref<10000x16xf32, #tpu.memory_space<hbm>>
        %dma_start3A_39 = arith.constant 9984 : i32
        %dma_start3A_40 = arith.constant 0 : i32
        %dma_start3A_41 = tpu.memref_slice %dma_start3A_38[%dma_start3A_39, %dma_start3A_40] : memref<10000x16xf32, #tpu.memory_space<hbm>> -> memref<16x16xf32, #tpu.memory_space<hbm>>
        %dma_start3A_42 = arith.constant 9984 : i32
        %dma_start3A_43 = arith.constant 0 : i32
        %dma_start3A_44 = tpu.memref_slice %arg8[%dma_start3A_42, %dma_start3A_43] : memref<10000x16xf32, #tpu.memory_space<vmem_shared>> -> memref<16x16xf32, #tpu.memory_space<vmem_shared>>
        tpu.enqueue_dma source(%dma_start3A_44 : memref<16x16xf32, #tpu.memory_space<vmem_shared>>) target(%dma_start3A_41 : memref<16x16xf32, #tpu.memory_space<hbm>>) target_semaphore(%run_scoped3A : memref<!tpu.dma_semaphore, #tpu.memory_space<semaphore_mem>>)
        %dma_wait3A_45 = arith.constant 0 : i32
        %dma_wait3A_46 = arith.constant 0 : i32
        %dma_wait3A_47 = tpu.memref_slice %arg5[%arg0, %dma_wait3A_45, %dma_wait3A_46] : memref<2x10000x16xf32, #tpu.memory_space<hbm>> -> memref<1x10000x16xf32, #tpu.memory_space<hbm>>
        %dma_wait3A_48 = tpu.memref_squeeze %dma_wait3A_47 : memref<1x10000x16xf32, #tpu.memory_space<hbm>> -> memref<10000x16xf32, #tpu.memory_space<hbm>>
        %dma_wait3A_49 = arith.constant 9984 : i32
        %dma_wait3A_50 = arith.constant 0 : i32
        %dma_wait3A_51 = tpu.memref_slice %dma_wait3A_48[%dma_wait3A_49, %dma_wait3A_50] : memref<10000x16xf32, #tpu.memory_space<hbm>> -> memref<16x16xf32, #tpu.memory_space<hbm>>
        %dma_wait3A_52 = arith.constant 9984 : i32
        %dma_wait3A_53 = arith.constant 0 : i32
        %dma_wait3A_54 = tpu.memref_slice %arg8[%dma_wait3A_52, %dma_wait3A_53] : memref<10000x16xf32, #tpu.memory_space<vmem_shared>> -> memref<16x16xf32, #tpu.memory_space<vmem_shared>>
        tpu.wait_dma2 semaphore(%run_scoped3A : memref<!tpu.dma_semaphore, #tpu.memory_space<semaphore_mem>>) src(%dma_wait3A_54 : memref<16x16xf32, #tpu.memory_space<vmem_shared>>) dst(%dma_wait3A_51 : memref<16x16xf32, #tpu.memory_space<hbm>>)
        tpu.yield
      }) : () -> ()
    } else {
    }
    return
  }
}

#map = affine_map<(d0, d1) -> (0, 0)>
#map1 = affine_map<(d0, d1) -> (0, 0, 0)>
module attributes {stable_mosaic.version = 14 : i64} {
  func.func @k(%arg0: i32, %arg1: i32, %arg2: memref<10000x128xf32, #tpu.memory_space<hbm>>, %arg3: memref<10000x128xf32, #tpu.memory_space<hbm>>, %arg4: memref<2x320000xi32, #tpu.memory_space<hbm>>, %arg5: memref<2x10000x128xf32, #tpu.memory_space<hbm>>, %arg6: memref<2x2x320xi32, #tpu.memory_space<vmem>>, %arg7: memref<2x80xi32, #tpu.memory_space<vmem>>, %arg8: memref<80x128xf32, #tpu.memory_space<vmem>>, %arg9: memref<80x128xf32, #tpu.memory_space<vmem>>, %arg10: memref<80x128xf32, #tpu.memory_space<vmem>>, %arg11: memref<80x128xf32, #tpu.memory_space<vmem>>, %arg12: memref<10000x128xf32, #tpu.memory_space<vmem_shared>>, %arg13: memref<!tpu.dma_semaphore, #tpu.memory_space<semaphore_mem>>, %arg14: memref<!tpu.dma_semaphore, #tpu.memory_space<semaphore_mem>>, %arg15: memref<!tpu.dma_semaphore, #tpu.memory_space<semaphore_mem>>, %arg16: memref<!tpu.dma_semaphore, #tpu.memory_space<semaphore_mem>>, %arg17: memref<!tpu.dma_semaphore, #tpu.memory_space<semaphore_mem>>, %arg18: memref<!tpu.dma_semaphore, #tpu.memory_space<semaphore_mem>>) attributes {dimension_semantics = [#tpu.dimension_semantics<core_parallel>, #tpu.dimension_semantics<subcore_parallel>], iteration_bounds = array<i64: 2, 16>, scalar_prefetch = 0 : i64, scratch_operands = 13 : i64, tpu.core_type = #tpu.core_type<sc_vector_subcore>, window_params = [{transform_indices = #map}, {transform_indices = #map}, {transform_indices = #map}, {transform_indices = #map1}]} {
    %mul3A = arith.constant 16 : i32
    %mul3A_0 = arith.muli %arg0, %mul3A : i32
    %add3A = arith.addi %mul3A_0, %arg1 : i32
    %mul3A_1 = arith.constant 10000 : i32
    %mul3A_2 = arith.muli %add3A, %mul3A_1 : i32
    %add3A_3 = arith.constant 0 : i32
    %add3A_4 = arith.addi %mul3A_2, %add3A_3 : i32
    %dma_start3A = arith.constant 0 : i32
    %dma_start3A_5 = arith.constant 0 : i32
    %dma_start3A_6 = arith.constant 0 : i32
    %dma_start3A_7 = arith.constant 0 : i32
    %dma_start3A_8 = arith.constant 0 : i32
    %dma_start3A_9 = tpu.memref_slice %arg6[%dma_start3A_5, %dma_start3A_7, %dma_start3A_8] : memref<2x2x320xi32, #tpu.memory_space<vmem>> -> memref<1x2x320xi32, #tpu.memory_space<vmem>>
    %dma_start3A_10 = tpu.memref_squeeze %dma_start3A_9 : memref<1x2x320xi32, #tpu.memory_space<vmem>> -> memref<2x320xi32, #tpu.memory_space<vmem>>
    %dma_start3A_11 = arith.constant 0 : i32
    %dma_start3A_12 = tpu.memref_slice %dma_start3A_10[%dma_start3A_6, %dma_start3A_11] : memref<2x320xi32, #tpu.memory_space<vmem>> -> memref<1x320xi32, #tpu.memory_space<vmem>>
    %dma_start3A_13 = tpu.memref_squeeze %dma_start3A_12 : memref<1x320xi32, #tpu.memory_space<vmem>> -> memref<320xi32, #tpu.memory_space<vmem>>
    %dma_start3A_14 = arith.constant 0 : i32
    %dma_start3A_15 = tpu.memref_slice %arg4[%dma_start3A, %dma_start3A_14] : memref<2x320000xi32, #tpu.memory_space<hbm>> -> memref<1x320000xi32, #tpu.memory_space<hbm>>
    %dma_start3A_16 = tpu.memref_squeeze %dma_start3A_15 : memref<1x320000xi32, #tpu.memory_space<hbm>> -> memref<320000xi32, #tpu.memory_space<hbm>>
    %dma_start3A_17 = tpu.memref_slice %dma_start3A_16[%add3A_4] : memref<320000xi32, #tpu.memory_space<hbm>> -> memref<320xi32, #tpu.memory_space<hbm>>
    %dma_start3A_18 = arith.constant 0 : i32
    %dma_start3A_19 = arith.constant 0 : i32
    %dma_start3A_20 = tpu.memref_slice %arg6[%dma_start3A_5, %dma_start3A_18, %dma_start3A_19] : memref<2x2x320xi32, #tpu.memory_space<vmem>> -> memref<1x2x320xi32, #tpu.memory_space<vmem>>
    %dma_start3A_21 = tpu.memref_squeeze %dma_start3A_20 : memref<1x2x320xi32, #tpu.memory_space<vmem>> -> memref<2x320xi32, #tpu.memory_space<vmem>>
    %dma_start3A_22 = arith.constant 0 : i32
    %dma_start3A_23 = tpu.memref_slice %dma_start3A_21[%dma_start3A_6, %dma_start3A_22] : memref<2x320xi32, #tpu.memory_space<vmem>> -> memref<1x320xi32, #tpu.memory_space<vmem>>
    %dma_start3A_24 = tpu.memref_squeeze %dma_start3A_23 : memref<1x320xi32, #tpu.memory_space<vmem>> -> memref<320xi32, #tpu.memory_space<vmem>>
    %dma_start3A_25 = arith.constant 0 : i32
    %dma_start3A_26 = tpu.memref_slice %arg4[%dma_start3A, %dma_start3A_25] : memref<2x320000xi32, #tpu.memory_space<hbm>> -> memref<1x320000xi32, #tpu.memory_space<hbm>>
    %dma_start3A_27 = tpu.memref_squeeze %dma_start3A_26 : memref<1x320000xi32, #tpu.memory_space<hbm>> -> memref<320000xi32, #tpu.memory_space<hbm>>
    %dma_start3A_28 = tpu.memref_slice %dma_start3A_27[%add3A_4] : memref<320000xi32, #tpu.memory_space<hbm>> -> memref<320xi32, #tpu.memory_space<hbm>>
    tpu.enqueue_dma source(%dma_start3A_28 : memref<320xi32, #tpu.memory_space<hbm>>) target(%dma_start3A_24 : memref<320xi32, #tpu.memory_space<vmem>>) target_semaphore(%arg13 : memref<!tpu.dma_semaphore, #tpu.memory_space<semaphore_mem>>)
    %dma_start3A_29 = arith.constant 1 : i32
    %dma_start3A_30 = arith.constant 1 : i32
    %dma_start3A_31 = arith.constant 0 : i32
    %dma_start3A_32 = arith.constant 0 : i32
    %dma_start3A_33 = arith.constant 0 : i32
    %dma_start3A_34 = tpu.memref_slice %arg6[%dma_start3A_30, %dma_start3A_32, %dma_start3A_33] : memref<2x2x320xi32, #tpu.memory_space<vmem>> -> memref<1x2x320xi32, #tpu.memory_space<vmem>>
    %dma_start3A_35 = tpu.memref_squeeze %dma_start3A_34 : memref<1x2x320xi32, #tpu.memory_space<vmem>> -> memref<2x320xi32, #tpu.memory_space<vmem>>
    %dma_start3A_36 = arith.constant 0 : i32
    %dma_start3A_37 = tpu.memref_slice %dma_start3A_35[%dma_start3A_31, %dma_start3A_36] : memref<2x320xi32, #tpu.memory_space<vmem>> -> memref<1x320xi32, #tpu.memory_space<vmem>>
    %dma_start3A_38 = tpu.memref_squeeze %dma_start3A_37 : memref<1x320xi32, #tpu.memory_space<vmem>> -> memref<320xi32, #tpu.memory_space<vmem>>
    %dma_start3A_39 = arith.constant 0 : i32
    %dma_start3A_40 = tpu.memref_slice %arg4[%dma_start3A_29, %dma_start3A_39] : memref<2x320000xi32, #tpu.memory_space<hbm>> -> memref<1x320000xi32, #tpu.memory_space<hbm>>
    %dma_start3A_41 = tpu.memref_squeeze %dma_start3A_40 : memref<1x320000xi32, #tpu.memory_space<hbm>> -> memref<320000xi32, #tpu.memory_space<hbm>>
    %dma_start3A_42 = tpu.memref_slice %dma_start3A_41[%add3A_4] : memref<320000xi32, #tpu.memory_space<hbm>> -> memref<320xi32, #tpu.memory_space<hbm>>
    %dma_start3A_43 = arith.constant 0 : i32
    %dma_start3A_44 = arith.constant 0 : i32
    %dma_start3A_45 = tpu.memref_slice %arg6[%dma_start3A_30, %dma_start3A_43, %dma_start3A_44] : memref<2x2x320xi32, #tpu.memory_space<vmem>> -> memref<1x2x320xi32, #tpu.memory_space<vmem>>
    %dma_start3A_46 = tpu.memref_squeeze %dma_start3A_45 : memref<1x2x320xi32, #tpu.memory_space<vmem>> -> memref<2x320xi32, #tpu.memory_space<vmem>>
    %dma_start3A_47 = arith.constant 0 : i32
    %dma_start3A_48 = tpu.memref_slice %dma_start3A_46[%dma_start3A_31, %dma_start3A_47] : memref<2x320xi32, #tpu.memory_space<vmem>> -> memref<1x320xi32, #tpu.memory_space<vmem>>
    %dma_start3A_49 = tpu.memref_squeeze %dma_start3A_48 : memref<1x320xi32, #tpu.memory_space<vmem>> -> memref<320xi32, #tpu.memory_space<vmem>>
    %dma_start3A_50 = arith.constant 0 : i32
    %dma_start3A_51 = tpu.memref_slice %arg4[%dma_start3A_29, %dma_start3A_50] : memref<2x320000xi32, #tpu.memory_space<hbm>> -> memref<1x320000xi32, #tpu.memory_space<hbm>>
    %dma_start3A_52 = tpu.memref_squeeze %dma_start3A_51 : memref<1x320000xi32, #tpu.memory_space<hbm>> -> memref<320000xi32, #tpu.memory_space<hbm>>
    %dma_start3A_53 = tpu.memref_slice %dma_start3A_52[%add3A_4] : memref<320000xi32, #tpu.memory_space<hbm>> -> memref<320xi32, #tpu.memory_space<hbm>>
    tpu.enqueue_dma source(%dma_start3A_53 : memref<320xi32, #tpu.memory_space<hbm>>) target(%dma_start3A_49 : memref<320xi32, #tpu.memory_space<vmem>>) target_semaphore(%arg13 : memref<!tpu.dma_semaphore, #tpu.memory_space<semaphore_mem>>)
    %eq3A = arith.constant 0 : i32
    %eq3A_54 = arith.cmpi eq, %arg0, %eq3A : i32
    %convert_element_type3A = arith.extui %eq3A_54 : i1 to i32
    %cond3A = arith.constant 0 : i32
    %cond3A_55 = arith.cmpi ne, %convert_element_type3A, %cond3A : i32
    scf.if %cond3A_55 {
      %mul3A_203 = arith.constant 624 : i32
      %mul3A_204 = arith.muli %arg1, %mul3A_203 : i32
      "tpu.region"() ({
        %run_scoped3A_210 = tpu.sem_alloc : memref<!tpu.dma_semaphore, #tpu.memory_space<semaphore_mem>>
        %dma_start3A_211 = arith.constant 0 : i32
        %dma_start3A_212 = tpu.memref_slice %arg12[%mul3A_204, %dma_start3A_211] : memref<10000x128xf32, #tpu.memory_space<vmem_shared>> -> memref<624x128xf32, #tpu.memory_space<vmem_shared>>
        %dma_start3A_213 = arith.constant 0 : i32
        %dma_start3A_214 = tpu.memref_slice %arg2[%mul3A_204, %dma_start3A_213] : memref<10000x128xf32, #tpu.memory_space<hbm>> -> memref<624x128xf32, #tpu.memory_space<hbm>>
        tpu.enqueue_dma source(%dma_start3A_214 : memref<624x128xf32, #tpu.memory_space<hbm>>) target(%dma_start3A_212 : memref<624x128xf32, #tpu.memory_space<vmem_shared>>) target_semaphore(%run_scoped3A_210 : memref<!tpu.dma_semaphore, #tpu.memory_space<semaphore_mem>>)
        %dma_wait3A_215 = arith.constant 0 : i32
        %dma_wait3A_216 = tpu.memref_slice %arg12[%mul3A_204, %dma_wait3A_215] : memref<10000x128xf32, #tpu.memory_space<vmem_shared>> -> memref<624x128xf32, #tpu.memory_space<vmem_shared>>
        %dma_wait3A_217 = arith.constant 0 : i32
        %dma_wait3A_218 = tpu.memref_slice %arg2[%mul3A_204, %dma_wait3A_217] : memref<10000x128xf32, #tpu.memory_space<hbm>> -> memref<624x128xf32, #tpu.memory_space<hbm>>
        tpu.wait_dma2 semaphore(%run_scoped3A_210 : memref<!tpu.dma_semaphore, #tpu.memory_space<semaphore_mem>>) src(%dma_wait3A_218 : memref<624x128xf32, #tpu.memory_space<hbm>>) dst(%dma_wait3A_216 : memref<624x128xf32, #tpu.memory_space<vmem_shared>>)
        tpu.yield
      }) : () -> ()
      %eq3A_205 = arith.constant 0 : i32
      %eq3A_206 = arith.cmpi eq, %arg1, %eq3A_205 : i32
      %convert_element_type3A_207 = arith.extui %eq3A_206 : i1 to i32
      %cond3A_208 = arith.constant 0 : i32
      %cond3A_209 = arith.cmpi ne, %convert_element_type3A_207, %cond3A_208 : i32
      scf.if %cond3A_209 {
        "tpu.region"() ({
          %run_scoped3A_210 = tpu.sem_alloc : memref<!tpu.dma_semaphore, #tpu.memory_space<semaphore_mem>>
          %dma_start3A_211 = arith.constant 9984 : i32
          %dma_start3A_212 = arith.constant 0 : i32
          %dma_start3A_213 = tpu.memref_slice %arg12[%dma_start3A_211, %dma_start3A_212] : memref<10000x128xf32, #tpu.memory_space<vmem_shared>> -> memref<16x128xf32, #tpu.memory_space<vmem_shared>>
          %dma_start3A_214 = arith.constant 9984 : i32
          %dma_start3A_215 = arith.constant 0 : i32
          %dma_start3A_216 = tpu.memref_slice %arg2[%dma_start3A_214, %dma_start3A_215] : memref<10000x128xf32, #tpu.memory_space<hbm>> -> memref<16x128xf32, #tpu.memory_space<hbm>>
          tpu.enqueue_dma source(%dma_start3A_216 : memref<16x128xf32, #tpu.memory_space<hbm>>) target(%dma_start3A_213 : memref<16x128xf32, #tpu.memory_space<vmem_shared>>) target_semaphore(%run_scoped3A_210 : memref<!tpu.dma_semaphore, #tpu.memory_space<semaphore_mem>>)
          %dma_wait3A_217 = arith.constant 9984 : i32
          %dma_wait3A_218 = arith.constant 0 : i32
          %dma_wait3A_219 = tpu.memref_slice %arg12[%dma_wait3A_217, %dma_wait3A_218] : memref<10000x128xf32, #tpu.memory_space<vmem_shared>> -> memref<16x128xf32, #tpu.memory_space<vmem_shared>>
          %dma_wait3A_220 = arith.constant 9984 : i32
          %dma_wait3A_221 = arith.constant 0 : i32
          %dma_wait3A_222 = tpu.memref_slice %arg2[%dma_wait3A_220, %dma_wait3A_221] : memref<10000x128xf32, #tpu.memory_space<hbm>> -> memref<16x128xf32, #tpu.memory_space<hbm>>
          tpu.wait_dma2 semaphore(%run_scoped3A_210 : memref<!tpu.dma_semaphore, #tpu.memory_space<semaphore_mem>>) src(%dma_wait3A_222 : memref<16x128xf32, #tpu.memory_space<hbm>>) dst(%dma_wait3A_219 : memref<16x128xf32, #tpu.memory_space<vmem_shared>>)
          tpu.yield
        }) : () -> ()
      } else {
      }
    } else {
    }
    %ne3A = arith.constant 0 : i32
    %ne3A_56 = arith.cmpi ne, %arg0, %ne3A : i32
    %convert_element_type3A_57 = arith.extui %ne3A_56 : i1 to i32
    %cond3A_58 = arith.constant 0 : i32
    %cond3A_59 = arith.cmpi ne, %convert_element_type3A_57, %cond3A_58 : i32
    scf.if %cond3A_59 {
      %mul3A_203 = arith.constant 624 : i32
      %mul3A_204 = arith.muli %arg1, %mul3A_203 : i32
      "tpu.region"() ({
        %run_scoped3A_210 = tpu.sem_alloc : memref<!tpu.dma_semaphore, #tpu.memory_space<semaphore_mem>>
        %dma_start3A_211 = arith.constant 0 : i32
        %dma_start3A_212 = tpu.memref_slice %arg12[%mul3A_204, %dma_start3A_211] : memref<10000x128xf32, #tpu.memory_space<vmem_shared>> -> memref<624x128xf32, #tpu.memory_space<vmem_shared>>
        %dma_start3A_213 = arith.constant 0 : i32
        %dma_start3A_214 = tpu.memref_slice %arg3[%mul3A_204, %dma_start3A_213] : memref<10000x128xf32, #tpu.memory_space<hbm>> -> memref<624x128xf32, #tpu.memory_space<hbm>>
        tpu.enqueue_dma source(%dma_start3A_214 : memref<624x128xf32, #tpu.memory_space<hbm>>) target(%dma_start3A_212 : memref<624x128xf32, #tpu.memory_space<vmem_shared>>) target_semaphore(%run_scoped3A_210 : memref<!tpu.dma_semaphore, #tpu.memory_space<semaphore_mem>>)
        %dma_wait3A_215 = arith.constant 0 : i32
        %dma_wait3A_216 = tpu.memref_slice %arg12[%mul3A_204, %dma_wait3A_215] : memref<10000x128xf32, #tpu.memory_space<vmem_shared>> -> memref<624x128xf32, #tpu.memory_space<vmem_shared>>
        %dma_wait3A_217 = arith.constant 0 : i32
        %dma_wait3A_218 = tpu.memref_slice %arg3[%mul3A_204, %dma_wait3A_217] : memref<10000x128xf32, #tpu.memory_space<hbm>> -> memref<624x128xf32, #tpu.memory_space<hbm>>
        tpu.wait_dma2 semaphore(%run_scoped3A_210 : memref<!tpu.dma_semaphore, #tpu.memory_space<semaphore_mem>>) src(%dma_wait3A_218 : memref<624x128xf32, #tpu.memory_space<hbm>>) dst(%dma_wait3A_216 : memref<624x128xf32, #tpu.memory_space<vmem_shared>>)
        tpu.yield
      }) : () -> ()
      %eq3A_205 = arith.constant 0 : i32
      %eq3A_206 = arith.cmpi eq, %arg1, %eq3A_205 : i32
      %convert_element_type3A_207 = arith.extui %eq3A_206 : i1 to i32
      %cond3A_208 = arith.constant 0 : i32
      %cond3A_209 = arith.cmpi ne, %convert_element_type3A_207, %cond3A_208 : i32
      scf.if %cond3A_209 {
        "tpu.region"() ({
          %run_scoped3A_210 = tpu.sem_alloc : memref<!tpu.dma_semaphore, #tpu.memory_space<semaphore_mem>>
          %dma_start3A_211 = arith.constant 9984 : i32
          %dma_start3A_212 = arith.constant 0 : i32
          %dma_start3A_213 = tpu.memref_slice %arg12[%dma_start3A_211, %dma_start3A_212] : memref<10000x128xf32, #tpu.memory_space<vmem_shared>> -> memref<16x128xf32, #tpu.memory_space<vmem_shared>>
          %dma_start3A_214 = arith.constant 9984 : i32
          %dma_start3A_215 = arith.constant 0 : i32
          %dma_start3A_216 = tpu.memref_slice %arg3[%dma_start3A_214, %dma_start3A_215] : memref<10000x128xf32, #tpu.memory_space<hbm>> -> memref<16x128xf32, #tpu.memory_space<hbm>>
          tpu.enqueue_dma source(%dma_start3A_216 : memref<16x128xf32, #tpu.memory_space<hbm>>) target(%dma_start3A_213 : memref<16x128xf32, #tpu.memory_space<vmem_shared>>) target_semaphore(%run_scoped3A_210 : memref<!tpu.dma_semaphore, #tpu.memory_space<semaphore_mem>>)
          %dma_wait3A_217 = arith.constant 9984 : i32
          %dma_wait3A_218 = arith.constant 0 : i32
          %dma_wait3A_219 = tpu.memref_slice %arg12[%dma_wait3A_217, %dma_wait3A_218] : memref<10000x128xf32, #tpu.memory_space<vmem_shared>> -> memref<16x128xf32, #tpu.memory_space<vmem_shared>>
          %dma_wait3A_220 = arith.constant 9984 : i32
          %dma_wait3A_221 = arith.constant 0 : i32
          %dma_wait3A_222 = tpu.memref_slice %arg3[%dma_wait3A_220, %dma_wait3A_221] : memref<10000x128xf32, #tpu.memory_space<hbm>> -> memref<16x128xf32, #tpu.memory_space<hbm>>
          tpu.wait_dma2 semaphore(%run_scoped3A_210 : memref<!tpu.dma_semaphore, #tpu.memory_space<semaphore_mem>>) src(%dma_wait3A_222 : memref<16x128xf32, #tpu.memory_space<hbm>>) dst(%dma_wait3A_219 : memref<16x128xf32, #tpu.memory_space<vmem_shared>>)
          tpu.yield
        }) : () -> ()
      } else {
      }
    } else {
    }
    %dma_wait3A = arith.constant 0 : i32
    %dma_wait3A_60 = arith.constant 0 : i32
    %dma_wait3A_61 = arith.constant 0 : i32
    %dma_wait3A_62 = arith.constant 0 : i32
    %dma_wait3A_63 = arith.constant 0 : i32
    %dma_wait3A_64 = tpu.memref_slice %arg6[%dma_wait3A_60, %dma_wait3A_62, %dma_wait3A_63] : memref<2x2x320xi32, #tpu.memory_space<vmem>> -> memref<1x2x320xi32, #tpu.memory_space<vmem>>
    %dma_wait3A_65 = tpu.memref_squeeze %dma_wait3A_64 : memref<1x2x320xi32, #tpu.memory_space<vmem>> -> memref<2x320xi32, #tpu.memory_space<vmem>>
    %dma_wait3A_66 = arith.constant 0 : i32
    %dma_wait3A_67 = tpu.memref_slice %dma_wait3A_65[%dma_wait3A_61, %dma_wait3A_66] : memref<2x320xi32, #tpu.memory_space<vmem>> -> memref<1x320xi32, #tpu.memory_space<vmem>>
    %dma_wait3A_68 = tpu.memref_squeeze %dma_wait3A_67 : memref<1x320xi32, #tpu.memory_space<vmem>> -> memref<320xi32, #tpu.memory_space<vmem>>
    %dma_wait3A_69 = arith.constant 0 : i32
    %dma_wait3A_70 = tpu.memref_slice %arg4[%dma_wait3A, %dma_wait3A_69] : memref<2x320000xi32, #tpu.memory_space<hbm>> -> memref<1x320000xi32, #tpu.memory_space<hbm>>
    %dma_wait3A_71 = tpu.memref_squeeze %dma_wait3A_70 : memref<1x320000xi32, #tpu.memory_space<hbm>> -> memref<320000xi32, #tpu.memory_space<hbm>>
    %dma_wait3A_72 = tpu.memref_slice %dma_wait3A_71[%add3A_4] : memref<320000xi32, #tpu.memory_space<hbm>> -> memref<320xi32, #tpu.memory_space<hbm>>
    %dma_wait3A_73 = arith.constant 0 : i32
    %dma_wait3A_74 = arith.constant 0 : i32
    %dma_wait3A_75 = tpu.memref_slice %arg6[%dma_wait3A_60, %dma_wait3A_73, %dma_wait3A_74] : memref<2x2x320xi32, #tpu.memory_space<vmem>> -> memref<1x2x320xi32, #tpu.memory_space<vmem>>
    %dma_wait3A_76 = tpu.memref_squeeze %dma_wait3A_75 : memref<1x2x320xi32, #tpu.memory_space<vmem>> -> memref<2x320xi32, #tpu.memory_space<vmem>>
    %dma_wait3A_77 = arith.constant 0 : i32
    %dma_wait3A_78 = tpu.memref_slice %dma_wait3A_76[%dma_wait3A_61, %dma_wait3A_77] : memref<2x320xi32, #tpu.memory_space<vmem>> -> memref<1x320xi32, #tpu.memory_space<vmem>>
    %dma_wait3A_79 = tpu.memref_squeeze %dma_wait3A_78 : memref<1x320xi32, #tpu.memory_space<vmem>> -> memref<320xi32, #tpu.memory_space<vmem>>
    %dma_wait3A_80 = arith.constant 0 : i32
    %dma_wait3A_81 = tpu.memref_slice %arg4[%dma_wait3A, %dma_wait3A_80] : memref<2x320000xi32, #tpu.memory_space<hbm>> -> memref<1x320000xi32, #tpu.memory_space<hbm>>
    %dma_wait3A_82 = tpu.memref_squeeze %dma_wait3A_81 : memref<1x320000xi32, #tpu.memory_space<hbm>> -> memref<320000xi32, #tpu.memory_space<hbm>>
    %dma_wait3A_83 = tpu.memref_slice %dma_wait3A_82[%add3A_4] : memref<320000xi32, #tpu.memory_space<hbm>> -> memref<320xi32, #tpu.memory_space<hbm>>
    tpu.wait_dma2 semaphore(%arg13 : memref<!tpu.dma_semaphore, #tpu.memory_space<semaphore_mem>>) src(%dma_wait3A_83 : memref<320xi32, #tpu.memory_space<hbm>>) dst(%dma_wait3A_79 : memref<320xi32, #tpu.memory_space<vmem>>)
    %dma_wait3A_84 = arith.constant 1 : i32
    %dma_wait3A_85 = arith.constant 1 : i32
    %dma_wait3A_86 = arith.constant 0 : i32
    %dma_wait3A_87 = arith.constant 0 : i32
    %dma_wait3A_88 = arith.constant 0 : i32
    %dma_wait3A_89 = tpu.memref_slice %arg6[%dma_wait3A_85, %dma_wait3A_87, %dma_wait3A_88] : memref<2x2x320xi32, #tpu.memory_space<vmem>> -> memref<1x2x320xi32, #tpu.memory_space<vmem>>
    %dma_wait3A_90 = tpu.memref_squeeze %dma_wait3A_89 : memref<1x2x320xi32, #tpu.memory_space<vmem>> -> memref<2x320xi32, #tpu.memory_space<vmem>>
    %dma_wait3A_91 = arith.constant 0 : i32
    %dma_wait3A_92 = tpu.memref_slice %dma_wait3A_90[%dma_wait3A_86, %dma_wait3A_91] : memref<2x320xi32, #tpu.memory_space<vmem>> -> memref<1x320xi32, #tpu.memory_space<vmem>>
    %dma_wait3A_93 = tpu.memref_squeeze %dma_wait3A_92 : memref<1x320xi32, #tpu.memory_space<vmem>> -> memref<320xi32, #tpu.memory_space<vmem>>
    %dma_wait3A_94 = arith.constant 0 : i32
    %dma_wait3A_95 = tpu.memref_slice %arg4[%dma_wait3A_84, %dma_wait3A_94] : memref<2x320000xi32, #tpu.memory_space<hbm>> -> memref<1x320000xi32, #tpu.memory_space<hbm>>
    %dma_wait3A_96 = tpu.memref_squeeze %dma_wait3A_95 : memref<1x320000xi32, #tpu.memory_space<hbm>> -> memref<320000xi32, #tpu.memory_space<hbm>>
    %dma_wait3A_97 = tpu.memref_slice %dma_wait3A_96[%add3A_4] : memref<320000xi32, #tpu.memory_space<hbm>> -> memref<320xi32, #tpu.memory_space<hbm>>
    %dma_wait3A_98 = arith.constant 0 : i32
    %dma_wait3A_99 = arith.constant 0 : i32
    %dma_wait3A_100 = tpu.memref_slice %arg6[%dma_wait3A_85, %dma_wait3A_98, %dma_wait3A_99] : memref<2x2x320xi32, #tpu.memory_space<vmem>> -> memref<1x2x320xi32, #tpu.memory_space<vmem>>
    %dma_wait3A_101 = tpu.memref_squeeze %dma_wait3A_100 : memref<1x2x320xi32, #tpu.memory_space<vmem>> -> memref<2x320xi32, #tpu.memory_space<vmem>>
    %dma_wait3A_102 = arith.constant 0 : i32
    %dma_wait3A_103 = tpu.memref_slice %dma_wait3A_101[%dma_wait3A_86, %dma_wait3A_102] : memref<2x320xi32, #tpu.memory_space<vmem>> -> memref<1x320xi32, #tpu.memory_space<vmem>>
    %dma_wait3A_104 = tpu.memref_squeeze %dma_wait3A_103 : memref<1x320xi32, #tpu.memory_space<vmem>> -> memref<320xi32, #tpu.memory_space<vmem>>
    %dma_wait3A_105 = arith.constant 0 : i32
    %dma_wait3A_106 = tpu.memref_slice %arg4[%dma_wait3A_84, %dma_wait3A_105] : memref<2x320000xi32, #tpu.memory_space<hbm>> -> memref<1x320000xi32, #tpu.memory_space<hbm>>
    %dma_wait3A_107 = tpu.memref_squeeze %dma_wait3A_106 : memref<1x320000xi32, #tpu.memory_space<hbm>> -> memref<320000xi32, #tpu.memory_space<hbm>>
    %dma_wait3A_108 = tpu.memref_slice %dma_wait3A_107[%add3A_4] : memref<320000xi32, #tpu.memory_space<hbm>> -> memref<320xi32, #tpu.memory_space<hbm>>
    tpu.wait_dma2 semaphore(%arg13 : memref<!tpu.dma_semaphore, #tpu.memory_space<semaphore_mem>>) src(%dma_wait3A_108 : memref<320xi32, #tpu.memory_space<hbm>>) dst(%dma_wait3A_104 : memref<320xi32, #tpu.memory_space<vmem>>)
    %barrier3A = arith.constant 0 : index
    tpu.barrier barrier_id(%barrier3A)
    %scan3A = arith.constant 0 : i32
    %scan3A_109 = arith.constant 31 : i32
    %scan3A_110 = arith.addi %scan3A, %scan3A_109 : i32
    %scan3A_111 = arith.constant 1 : i32
    scf.for %scan3A_203 = %scan3A to %scan3A_110 step %scan3A_111  : i32 {
      %mul3A_204 = arith.constant 1 : i32
      %mul3A_205 = arith.muli %scan3A_203, %mul3A_204 : i32
      %add3A_206 = arith.constant 0 : i32
      %add3A_207 = arith.addi %add3A_206, %mul3A_205 : i32
      %rem3A = arith.constant 2 : i32
      %rem3A_208 = arith.remsi %add3A_207, %rem3A : i32
      %gt3A = arith.constant 0 : i32
      %gt3A_209 = arith.cmpi sgt, %add3A_207, %gt3A : i32
      %convert_element_type3A_210 = arith.extui %gt3A_209 : i1 to i32
      %cond3A_211 = arith.constant 0 : i32
      %cond3A_212 = arith.cmpi ne, %convert_element_type3A_210, %cond3A_211 : i32
      scf.if %cond3A_212 {
        %dma_wait3A_397 = arith.constant 1 : i32
        %dma_wait3A_398 = arith.constant 0 : i32
        %dma_wait3A_399 = arith.constant 0 : i32
        %dma_wait3A_400 = tpu.memref_slice %arg6[%dma_wait3A_397, %dma_wait3A_398, %dma_wait3A_399] : memref<2x2x320xi32, #tpu.memory_space<vmem>> -> memref<1x2x320xi32, #tpu.memory_space<vmem>>
        %dma_wait3A_401 = tpu.memref_squeeze %dma_wait3A_400 : memref<1x2x320xi32, #tpu.memory_space<vmem>> -> memref<2x320xi32, #tpu.memory_space<vmem>>
        %dma_wait3A_402 = arith.constant 0 : i32
        %dma_wait3A_403 = tpu.memref_slice %dma_wait3A_401[%rem3A_208, %dma_wait3A_402] : memref<2x320xi32, #tpu.memory_space<vmem>> -> memref<1x320xi32, #tpu.memory_space<vmem>>
        %dma_wait3A_404 = tpu.memref_squeeze %dma_wait3A_403 : memref<1x320xi32, #tpu.memory_space<vmem>> -> memref<320xi32, #tpu.memory_space<vmem>>
        %dma_wait3A_405 = arith.constant 0 : i32
        %dma_wait3A_406 = tpu.memref_slice %dma_wait3A_404[%dma_wait3A_405] : memref<320xi32, #tpu.memory_space<vmem>> -> memref<80xi32, #tpu.memory_space<vmem>>
        %dma_wait3A_407 = arith.constant 0 : i32
        %dma_wait3A_408 = arith.constant 0 : i32
        %dma_wait3A_409 = tpu.memref_slice %arg12[%dma_wait3A_407, %dma_wait3A_408] : memref<10000x128xf32, #tpu.memory_space<vmem_shared>> -> memref<10000x128xf32, #tpu.memory_space<vmem_shared>>
        tpu.wait_indirect_dma semaphore(%arg15 : memref<!tpu.dma_semaphore, #tpu.memory_space<semaphore_mem>>) src(%arg8 : memref<80x128xf32, #tpu.memory_space<vmem>>) dst(%dma_wait3A_409 : memref<10000x128xf32, #tpu.memory_space<vmem_shared>>)
      } else {
      }
      %dma_start3A_213 = arith.constant 0 : i32
      %dma_start3A_214 = arith.constant 0 : i32
      %dma_start3A_215 = arith.constant 0 : i32
      %dma_start3A_216 = tpu.memref_slice %arg6[%dma_start3A_213, %dma_start3A_214, %dma_start3A_215] : memref<2x2x320xi32, #tpu.memory_space<vmem>> -> memref<1x2x320xi32, #tpu.memory_space<vmem>>
      %dma_start3A_217 = tpu.memref_squeeze %dma_start3A_216 : memref<1x2x320xi32, #tpu.memory_space<vmem>> -> memref<2x320xi32, #tpu.memory_space<vmem>>
      %dma_start3A_218 = arith.constant 0 : i32
      %dma_start3A_219 = tpu.memref_slice %dma_start3A_217[%rem3A_208, %dma_start3A_218] : memref<2x320xi32, #tpu.memory_space<vmem>> -> memref<1x320xi32, #tpu.memory_space<vmem>>
      %dma_start3A_220 = tpu.memref_squeeze %dma_start3A_219 : memref<1x320xi32, #tpu.memory_space<vmem>> -> memref<320xi32, #tpu.memory_space<vmem>>
      %dma_start3A_221 = arith.constant 0 : i32
      %dma_start3A_222 = tpu.memref_slice %dma_start3A_220[%dma_start3A_221] : memref<320xi32, #tpu.memory_space<vmem>> -> memref<80xi32, #tpu.memory_space<vmem>>
      %dma_start3A_223 = arith.constant 0 : i32
      %dma_start3A_224 = arith.constant 0 : i32
      %dma_start3A_225 = tpu.memref_slice %arg2[%dma_start3A_223, %dma_start3A_224] : memref<10000x128xf32, #tpu.memory_space<hbm>> -> memref<10000x128xf32, #tpu.memory_space<hbm>>
      tpu.enqueue_indirect_dma source(%dma_start3A_225 : memref<10000x128xf32, #tpu.memory_space<hbm>>) target(%arg8 : memref<80x128xf32, #tpu.memory_space<vmem>>) offsets(%dma_start3A_222 : memref<80xi32, #tpu.memory_space<vmem>>) semaphore(%arg14 : memref<!tpu.dma_semaphore, #tpu.memory_space<semaphore_mem>>)
      %gt3A_226 = arith.constant 0 : i32
      %gt3A_227 = arith.cmpi sgt, %add3A_207, %gt3A_226 : i32
      %convert_element_type3A_228 = arith.extui %gt3A_227 : i1 to i32
      %cond3A_229 = arith.constant 0 : i32
      %cond3A_230 = arith.cmpi ne, %convert_element_type3A_228, %cond3A_229 : i32
      scf.if %cond3A_230 {
        %dma_wait3A_397 = arith.constant 1 : i32
        %dma_wait3A_398 = arith.constant 0 : i32
        %dma_wait3A_399 = arith.constant 0 : i32
        %dma_wait3A_400 = tpu.memref_slice %arg6[%dma_wait3A_397, %dma_wait3A_398, %dma_wait3A_399] : memref<2x2x320xi32, #tpu.memory_space<vmem>> -> memref<1x2x320xi32, #tpu.memory_space<vmem>>
        %dma_wait3A_401 = tpu.memref_squeeze %dma_wait3A_400 : memref<1x2x320xi32, #tpu.memory_space<vmem>> -> memref<2x320xi32, #tpu.memory_space<vmem>>
        %dma_wait3A_402 = arith.constant 0 : i32
        %dma_wait3A_403 = tpu.memref_slice %dma_wait3A_401[%rem3A_208, %dma_wait3A_402] : memref<2x320xi32, #tpu.memory_space<vmem>> -> memref<1x320xi32, #tpu.memory_space<vmem>>
        %dma_wait3A_404 = tpu.memref_squeeze %dma_wait3A_403 : memref<1x320xi32, #tpu.memory_space<vmem>> -> memref<320xi32, #tpu.memory_space<vmem>>
        %dma_wait3A_405 = arith.constant 80 : i32
        %dma_wait3A_406 = tpu.memref_slice %dma_wait3A_404[%dma_wait3A_405] : memref<320xi32, #tpu.memory_space<vmem>> -> memref<80xi32, #tpu.memory_space<vmem>>
        %dma_wait3A_407 = arith.constant 0 : i32
        %dma_wait3A_408 = arith.constant 0 : i32
        %dma_wait3A_409 = tpu.memref_slice %arg12[%dma_wait3A_407, %dma_wait3A_408] : memref<10000x128xf32, #tpu.memory_space<vmem_shared>> -> memref<10000x128xf32, #tpu.memory_space<vmem_shared>>
        tpu.wait_indirect_dma semaphore(%arg16 : memref<!tpu.dma_semaphore, #tpu.memory_space<semaphore_mem>>) src(%arg9 : memref<80x128xf32, #tpu.memory_space<vmem>>) dst(%dma_wait3A_409 : memref<10000x128xf32, #tpu.memory_space<vmem_shared>>)
      } else {
      }
      %dma_start3A_231 = arith.constant 0 : i32
      %dma_start3A_232 = arith.constant 0 : i32
      %dma_start3A_233 = arith.constant 0 : i32
      %dma_start3A_234 = tpu.memref_slice %arg6[%dma_start3A_231, %dma_start3A_232, %dma_start3A_233] : memref<2x2x320xi32, #tpu.memory_space<vmem>> -> memref<1x2x320xi32, #tpu.memory_space<vmem>>
      %dma_start3A_235 = tpu.memref_squeeze %dma_start3A_234 : memref<1x2x320xi32, #tpu.memory_space<vmem>> -> memref<2x320xi32, #tpu.memory_space<vmem>>
      %dma_start3A_236 = arith.constant 0 : i32
      %dma_start3A_237 = tpu.memref_slice %dma_start3A_235[%rem3A_208, %dma_start3A_236] : memref<2x320xi32, #tpu.memory_space<vmem>> -> memref<1x320xi32, #tpu.memory_space<vmem>>
      %dma_start3A_238 = tpu.memref_squeeze %dma_start3A_237 : memref<1x320xi32, #tpu.memory_space<vmem>> -> memref<320xi32, #tpu.memory_space<vmem>>
      %dma_start3A_239 = arith.constant 80 : i32
      %dma_start3A_240 = tpu.memref_slice %dma_start3A_238[%dma_start3A_239] : memref<320xi32, #tpu.memory_space<vmem>> -> memref<80xi32, #tpu.memory_space<vmem>>
      %dma_start3A_241 = arith.constant 0 : i32
      %dma_start3A_242 = arith.constant 0 : i32
      %dma_start3A_243 = tpu.memref_slice %arg2[%dma_start3A_241, %dma_start3A_242] : memref<10000x128xf32, #tpu.memory_space<hbm>> -> memref<10000x128xf32, #tpu.memory_space<hbm>>
      tpu.enqueue_indirect_dma source(%dma_start3A_243 : memref<10000x128xf32, #tpu.memory_space<hbm>>) target(%arg9 : memref<80x128xf32, #tpu.memory_space<vmem>>) offsets(%dma_start3A_240 : memref<80xi32, #tpu.memory_space<vmem>>) semaphore(%arg14 : memref<!tpu.dma_semaphore, #tpu.memory_space<semaphore_mem>>)
      %gt3A_244 = arith.constant 0 : i32
      %gt3A_245 = arith.cmpi sgt, %add3A_207, %gt3A_244 : i32
      %convert_element_type3A_246 = arith.extui %gt3A_245 : i1 to i32
      %cond3A_247 = arith.constant 0 : i32
      %cond3A_248 = arith.cmpi ne, %convert_element_type3A_246, %cond3A_247 : i32
      scf.if %cond3A_248 {
        %dma_wait3A_397 = arith.constant 1 : i32
        %dma_wait3A_398 = arith.constant 0 : i32
        %dma_wait3A_399 = arith.constant 0 : i32
        %dma_wait3A_400 = tpu.memref_slice %arg6[%dma_wait3A_397, %dma_wait3A_398, %dma_wait3A_399] : memref<2x2x320xi32, #tpu.memory_space<vmem>> -> memref<1x2x320xi32, #tpu.memory_space<vmem>>
        %dma_wait3A_401 = tpu.memref_squeeze %dma_wait3A_400 : memref<1x2x320xi32, #tpu.memory_space<vmem>> -> memref<2x320xi32, #tpu.memory_space<vmem>>
        %dma_wait3A_402 = arith.constant 0 : i32
        %dma_wait3A_403 = tpu.memref_slice %dma_wait3A_401[%rem3A_208, %dma_wait3A_402] : memref<2x320xi32, #tpu.memory_space<vmem>> -> memref<1x320xi32, #tpu.memory_space<vmem>>
        %dma_wait3A_404 = tpu.memref_squeeze %dma_wait3A_403 : memref<1x320xi32, #tpu.memory_space<vmem>> -> memref<320xi32, #tpu.memory_space<vmem>>
        %dma_wait3A_405 = arith.constant 160 : i32
        %dma_wait3A_406 = tpu.memref_slice %dma_wait3A_404[%dma_wait3A_405] : memref<320xi32, #tpu.memory_space<vmem>> -> memref<80xi32, #tpu.memory_space<vmem>>
        %dma_wait3A_407 = arith.constant 0 : i32
        %dma_wait3A_408 = arith.constant 0 : i32
        %dma_wait3A_409 = tpu.memref_slice %arg12[%dma_wait3A_407, %dma_wait3A_408] : memref<10000x128xf32, #tpu.memory_space<vmem_shared>> -> memref<10000x128xf32, #tpu.memory_space<vmem_shared>>
        tpu.wait_indirect_dma semaphore(%arg17 : memref<!tpu.dma_semaphore, #tpu.memory_space<semaphore_mem>>) src(%arg10 : memref<80x128xf32, #tpu.memory_space<vmem>>) dst(%dma_wait3A_409 : memref<10000x128xf32, #tpu.memory_space<vmem_shared>>)
      } else {
      }
      %dma_start3A_249 = arith.constant 0 : i32
      %dma_start3A_250 = arith.constant 0 : i32
      %dma_start3A_251 = arith.constant 0 : i32
      %dma_start3A_252 = tpu.memref_slice %arg6[%dma_start3A_249, %dma_start3A_250, %dma_start3A_251] : memref<2x2x320xi32, #tpu.memory_space<vmem>> -> memref<1x2x320xi32, #tpu.memory_space<vmem>>
      %dma_start3A_253 = tpu.memref_squeeze %dma_start3A_252 : memref<1x2x320xi32, #tpu.memory_space<vmem>> -> memref<2x320xi32, #tpu.memory_space<vmem>>
      %dma_start3A_254 = arith.constant 0 : i32
      %dma_start3A_255 = tpu.memref_slice %dma_start3A_253[%rem3A_208, %dma_start3A_254] : memref<2x320xi32, #tpu.memory_space<vmem>> -> memref<1x320xi32, #tpu.memory_space<vmem>>
      %dma_start3A_256 = tpu.memref_squeeze %dma_start3A_255 : memref<1x320xi32, #tpu.memory_space<vmem>> -> memref<320xi32, #tpu.memory_space<vmem>>
      %dma_start3A_257 = arith.constant 160 : i32
      %dma_start3A_258 = tpu.memref_slice %dma_start3A_256[%dma_start3A_257] : memref<320xi32, #tpu.memory_space<vmem>> -> memref<80xi32, #tpu.memory_space<vmem>>
      %dma_start3A_259 = arith.constant 0 : i32
      %dma_start3A_260 = arith.constant 0 : i32
      %dma_start3A_261 = tpu.memref_slice %arg2[%dma_start3A_259, %dma_start3A_260] : memref<10000x128xf32, #tpu.memory_space<hbm>> -> memref<10000x128xf32, #tpu.memory_space<hbm>>
      tpu.enqueue_indirect_dma source(%dma_start3A_261 : memref<10000x128xf32, #tpu.memory_space<hbm>>) target(%arg10 : memref<80x128xf32, #tpu.memory_space<vmem>>) offsets(%dma_start3A_258 : memref<80xi32, #tpu.memory_space<vmem>>) semaphore(%arg14 : memref<!tpu.dma_semaphore, #tpu.memory_space<semaphore_mem>>)
      %gt3A_262 = arith.constant 0 : i32
      %gt3A_263 = arith.cmpi sgt, %add3A_207, %gt3A_262 : i32
      %convert_element_type3A_264 = arith.extui %gt3A_263 : i1 to i32
      %cond3A_265 = arith.constant 0 : i32
      %cond3A_266 = arith.cmpi ne, %convert_element_type3A_264, %cond3A_265 : i32
      scf.if %cond3A_266 {
        %dma_wait3A_397 = arith.constant 1 : i32
        %dma_wait3A_398 = arith.constant 0 : i32
        %dma_wait3A_399 = arith.constant 0 : i32
        %dma_wait3A_400 = tpu.memref_slice %arg6[%dma_wait3A_397, %dma_wait3A_398, %dma_wait3A_399] : memref<2x2x320xi32, #tpu.memory_space<vmem>> -> memref<1x2x320xi32, #tpu.memory_space<vmem>>
        %dma_wait3A_401 = tpu.memref_squeeze %dma_wait3A_400 : memref<1x2x320xi32, #tpu.memory_space<vmem>> -> memref<2x320xi32, #tpu.memory_space<vmem>>
        %dma_wait3A_402 = arith.constant 0 : i32
        %dma_wait3A_403 = tpu.memref_slice %dma_wait3A_401[%rem3A_208, %dma_wait3A_402] : memref<2x320xi32, #tpu.memory_space<vmem>> -> memref<1x320xi32, #tpu.memory_space<vmem>>
        %dma_wait3A_404 = tpu.memref_squeeze %dma_wait3A_403 : memref<1x320xi32, #tpu.memory_space<vmem>> -> memref<320xi32, #tpu.memory_space<vmem>>
        %dma_wait3A_405 = arith.constant 240 : i32
        %dma_wait3A_406 = tpu.memref_slice %dma_wait3A_404[%dma_wait3A_405] : memref<320xi32, #tpu.memory_space<vmem>> -> memref<80xi32, #tpu.memory_space<vmem>>
        %dma_wait3A_407 = arith.constant 0 : i32
        %dma_wait3A_408 = arith.constant 0 : i32
        %dma_wait3A_409 = tpu.memref_slice %arg12[%dma_wait3A_407, %dma_wait3A_408] : memref<10000x128xf32, #tpu.memory_space<vmem_shared>> -> memref<10000x128xf32, #tpu.memory_space<vmem_shared>>
        tpu.wait_indirect_dma semaphore(%arg18 : memref<!tpu.dma_semaphore, #tpu.memory_space<semaphore_mem>>) src(%arg11 : memref<80x128xf32, #tpu.memory_space<vmem>>) dst(%dma_wait3A_409 : memref<10000x128xf32, #tpu.memory_space<vmem_shared>>)
      } else {
      }
      %dma_start3A_267 = arith.constant 0 : i32
      %dma_start3A_268 = arith.constant 0 : i32
      %dma_start3A_269 = arith.constant 0 : i32
      %dma_start3A_270 = tpu.memref_slice %arg6[%dma_start3A_267, %dma_start3A_268, %dma_start3A_269] : memref<2x2x320xi32, #tpu.memory_space<vmem>> -> memref<1x2x320xi32, #tpu.memory_space<vmem>>
      %dma_start3A_271 = tpu.memref_squeeze %dma_start3A_270 : memref<1x2x320xi32, #tpu.memory_space<vmem>> -> memref<2x320xi32, #tpu.memory_space<vmem>>
      %dma_start3A_272 = arith.constant 0 : i32
      %dma_start3A_273 = tpu.memref_slice %dma_start3A_271[%rem3A_208, %dma_start3A_272] : memref<2x320xi32, #tpu.memory_space<vmem>> -> memref<1x320xi32, #tpu.memory_space<vmem>>
      %dma_start3A_274 = tpu.memref_squeeze %dma_start3A_273 : memref<1x320xi32, #tpu.memory_space<vmem>> -> memref<320xi32, #tpu.memory_space<vmem>>
      %dma_start3A_275 = arith.constant 240 : i32
      %dma_start3A_276 = tpu.memref_slice %dma_start3A_274[%dma_start3A_275] : memref<320xi32, #tpu.memory_space<vmem>> -> memref<80xi32, #tpu.memory_space<vmem>>
      %dma_start3A_277 = arith.constant 0 : i32
      %dma_start3A_278 = arith.constant 0 : i32
      %dma_start3A_279 = tpu.memref_slice %arg2[%dma_start3A_277, %dma_start3A_278] : memref<10000x128xf32, #tpu.memory_space<hbm>> -> memref<10000x128xf32, #tpu.memory_space<hbm>>
      tpu.enqueue_indirect_dma source(%dma_start3A_279 : memref<10000x128xf32, #tpu.memory_space<hbm>>) target(%arg11 : memref<80x128xf32, #tpu.memory_space<vmem>>) offsets(%dma_start3A_276 : memref<80xi32, #tpu.memory_space<vmem>>) semaphore(%arg14 : memref<!tpu.dma_semaphore, #tpu.memory_space<semaphore_mem>>)
      %add3A_280 = arith.constant 1 : i32
      %add3A_281 = arith.addi %add3A_207, %add3A_280 : i32
      %lt3A = arith.constant 31 : i32
      %lt3A_282 = arith.cmpi slt, %add3A_281, %lt3A : i32
      %convert_element_type3A_283 = arith.extui %lt3A_282 : i1 to i32
      %cond3A_284 = arith.constant 0 : i32
      %cond3A_285 = arith.cmpi ne, %convert_element_type3A_283, %cond3A_284 : i32
      scf.if %cond3A_285 {
        %add3A_397 = arith.constant 1 : i32
        %add3A_398 = arith.addi %add3A_207, %add3A_397 : i32
        %sub3A = arith.constant 1 : i32
        %sub3A_399 = arith.subi %sub3A, %rem3A_208 : i32
        %mul3A_400 = arith.constant 320 : i32
        %mul3A_401 = arith.muli %add3A_398, %mul3A_400 : i32
        %add3A_402 = arith.addi %mul3A_2, %mul3A_401 : i32
        %dma_start3A_403 = arith.constant 0 : i32
        %dma_start3A_404 = arith.constant 0 : i32
        %dma_start3A_405 = arith.constant 0 : i32
        %dma_start3A_406 = arith.constant 0 : i32
        %dma_start3A_407 = tpu.memref_slice %arg6[%dma_start3A_404, %dma_start3A_405, %dma_start3A_406] : memref<2x2x320xi32, #tpu.memory_space<vmem>> -> memref<1x2x320xi32, #tpu.memory_space<vmem>>
        %dma_start3A_408 = tpu.memref_squeeze %dma_start3A_407 : memref<1x2x320xi32, #tpu.memory_space<vmem>> -> memref<2x320xi32, #tpu.memory_space<vmem>>
        %dma_start3A_409 = arith.constant 0 : i32
        %dma_start3A_410 = tpu.memref_slice %dma_start3A_408[%sub3A_399, %dma_start3A_409] : memref<2x320xi32, #tpu.memory_space<vmem>> -> memref<1x320xi32, #tpu.memory_space<vmem>>
        %dma_start3A_411 = tpu.memref_squeeze %dma_start3A_410 : memref<1x320xi32, #tpu.memory_space<vmem>> -> memref<320xi32, #tpu.memory_space<vmem>>
        %dma_start3A_412 = arith.constant 0 : i32
        %dma_start3A_413 = tpu.memref_slice %arg4[%dma_start3A_403, %dma_start3A_412] : memref<2x320000xi32, #tpu.memory_space<hbm>> -> memref<1x320000xi32, #tpu.memory_space<hbm>>
        %dma_start3A_414 = tpu.memref_squeeze %dma_start3A_413 : memref<1x320000xi32, #tpu.memory_space<hbm>> -> memref<320000xi32, #tpu.memory_space<hbm>>
        %dma_start3A_415 = tpu.memref_slice %dma_start3A_414[%add3A_402] : memref<320000xi32, #tpu.memory_space<hbm>> -> memref<320xi32, #tpu.memory_space<hbm>>
        %dma_start3A_416 = arith.constant 0 : i32
        %dma_start3A_417 = arith.constant 0 : i32
        %dma_start3A_418 = tpu.memref_slice %arg6[%dma_start3A_404, %dma_start3A_416, %dma_start3A_417] : memref<2x2x320xi32, #tpu.memory_space<vmem>> -> memref<1x2x320xi32, #tpu.memory_space<vmem>>
        %dma_start3A_419 = tpu.memref_squeeze %dma_start3A_418 : memref<1x2x320xi32, #tpu.memory_space<vmem>> -> memref<2x320xi32, #tpu.memory_space<vmem>>
        %dma_start3A_420 = arith.constant 0 : i32
        %dma_start3A_421 = tpu.memref_slice %dma_start3A_419[%sub3A_399, %dma_start3A_420] : memref<2x320xi32, #tpu.memory_space<vmem>> -> memref<1x320xi32, #tpu.memory_space<vmem>>
        %dma_start3A_422 = tpu.memref_squeeze %dma_start3A_421 : memref<1x320xi32, #tpu.memory_space<vmem>> -> memref<320xi32, #tpu.memory_space<vmem>>
        %dma_start3A_423 = arith.constant 0 : i32
        %dma_start3A_424 = tpu.memref_slice %arg4[%dma_start3A_403, %dma_start3A_423] : memref<2x320000xi32, #tpu.memory_space<hbm>> -> memref<1x320000xi32, #tpu.memory_space<hbm>>
        %dma_start3A_425 = tpu.memref_squeeze %dma_start3A_424 : memref<1x320000xi32, #tpu.memory_space<hbm>> -> memref<320000xi32, #tpu.memory_space<hbm>>
        %dma_start3A_426 = tpu.memref_slice %dma_start3A_425[%add3A_402] : memref<320000xi32, #tpu.memory_space<hbm>> -> memref<320xi32, #tpu.memory_space<hbm>>
        tpu.enqueue_dma source(%dma_start3A_426 : memref<320xi32, #tpu.memory_space<hbm>>) target(%dma_start3A_422 : memref<320xi32, #tpu.memory_space<vmem>>) target_semaphore(%arg13 : memref<!tpu.dma_semaphore, #tpu.memory_space<semaphore_mem>>)
        %dma_start3A_427 = arith.constant 1 : i32
        %dma_start3A_428 = arith.constant 1 : i32
        %dma_start3A_429 = arith.constant 0 : i32
        %dma_start3A_430 = arith.constant 0 : i32
        %dma_start3A_431 = tpu.memref_slice %arg6[%dma_start3A_428, %dma_start3A_429, %dma_start3A_430] : memref<2x2x320xi32, #tpu.memory_space<vmem>> -> memref<1x2x320xi32, #tpu.memory_space<vmem>>
        %dma_start3A_432 = tpu.memref_squeeze %dma_start3A_431 : memref<1x2x320xi32, #tpu.memory_space<vmem>> -> memref<2x320xi32, #tpu.memory_space<vmem>>
        %dma_start3A_433 = arith.constant 0 : i32
        %dma_start3A_434 = tpu.memref_slice %dma_start3A_432[%sub3A_399, %dma_start3A_433] : memref<2x320xi32, #tpu.memory_space<vmem>> -> memref<1x320xi32, #tpu.memory_space<vmem>>
        %dma_start3A_435 = tpu.memref_squeeze %dma_start3A_434 : memref<1x320xi32, #tpu.memory_space<vmem>> -> memref<320xi32, #tpu.memory_space<vmem>>
        %dma_start3A_436 = arith.constant 0 : i32
        %dma_start3A_437 = tpu.memref_slice %arg4[%dma_start3A_427, %dma_start3A_436] : memref<2x320000xi32, #tpu.memory_space<hbm>> -> memref<1x320000xi32, #tpu.memory_space<hbm>>
        %dma_start3A_438 = tpu.memref_squeeze %dma_start3A_437 : memref<1x320000xi32, #tpu.memory_space<hbm>> -> memref<320000xi32, #tpu.memory_space<hbm>>
        %dma_start3A_439 = tpu.memref_slice %dma_start3A_438[%add3A_402] : memref<320000xi32, #tpu.memory_space<hbm>> -> memref<320xi32, #tpu.memory_space<hbm>>
        %dma_start3A_440 = arith.constant 0 : i32
        %dma_start3A_441 = arith.constant 0 : i32
        %dma_start3A_442 = tpu.memref_slice %arg6[%dma_start3A_428, %dma_start3A_440, %dma_start3A_441] : memref<2x2x320xi32, #tpu.memory_space<vmem>> -> memref<1x2x320xi32, #tpu.memory_space<vmem>>
        %dma_start3A_443 = tpu.memref_squeeze %dma_start3A_442 : memref<1x2x320xi32, #tpu.memory_space<vmem>> -> memref<2x320xi32, #tpu.memory_space<vmem>>
        %dma_start3A_444 = arith.constant 0 : i32
        %dma_start3A_445 = tpu.memref_slice %dma_start3A_443[%sub3A_399, %dma_start3A_444] : memref<2x320xi32, #tpu.memory_space<vmem>> -> memref<1x320xi32, #tpu.memory_space<vmem>>
        %dma_start3A_446 = tpu.memref_squeeze %dma_start3A_445 : memref<1x320xi32, #tpu.memory_space<vmem>> -> memref<320xi32, #tpu.memory_space<vmem>>
        %dma_start3A_447 = arith.constant 0 : i32
        %dma_start3A_448 = tpu.memref_slice %arg4[%dma_start3A_427, %dma_start3A_447] : memref<2x320000xi32, #tpu.memory_space<hbm>> -> memref<1x320000xi32, #tpu.memory_space<hbm>>
        %dma_start3A_449 = tpu.memref_squeeze %dma_start3A_448 : memref<1x320000xi32, #tpu.memory_space<hbm>> -> memref<320000xi32, #tpu.memory_space<hbm>>
        %dma_start3A_450 = tpu.memref_slice %dma_start3A_449[%add3A_402] : memref<320000xi32, #tpu.memory_space<hbm>> -> memref<320xi32, #tpu.memory_space<hbm>>
        tpu.enqueue_dma source(%dma_start3A_450 : memref<320xi32, #tpu.memory_space<hbm>>) target(%dma_start3A_446 : memref<320xi32, #tpu.memory_space<vmem>>) target_semaphore(%arg13 : memref<!tpu.dma_semaphore, #tpu.memory_space<semaphore_mem>>)
      } else {
      }
      %dma_wait3A_286 = arith.constant 0 : i32
      %dma_wait3A_287 = arith.constant 0 : i32
      %dma_wait3A_288 = arith.constant 0 : i32
      %dma_wait3A_289 = tpu.memref_slice %arg6[%dma_wait3A_286, %dma_wait3A_287, %dma_wait3A_288] : memref<2x2x320xi32, #tpu.memory_space<vmem>> -> memref<1x2x320xi32, #tpu.memory_space<vmem>>
      %dma_wait3A_290 = tpu.memref_squeeze %dma_wait3A_289 : memref<1x2x320xi32, #tpu.memory_space<vmem>> -> memref<2x320xi32, #tpu.memory_space<vmem>>
      %dma_wait3A_291 = arith.constant 0 : i32
      %dma_wait3A_292 = tpu.memref_slice %dma_wait3A_290[%rem3A_208, %dma_wait3A_291] : memref<2x320xi32, #tpu.memory_space<vmem>> -> memref<1x320xi32, #tpu.memory_space<vmem>>
      %dma_wait3A_293 = tpu.memref_squeeze %dma_wait3A_292 : memref<1x320xi32, #tpu.memory_space<vmem>> -> memref<320xi32, #tpu.memory_space<vmem>>
      %dma_wait3A_294 = arith.constant 0 : i32
      %dma_wait3A_295 = tpu.memref_slice %dma_wait3A_293[%dma_wait3A_294] : memref<320xi32, #tpu.memory_space<vmem>> -> memref<80xi32, #tpu.memory_space<vmem>>
      %dma_wait3A_296 = arith.constant 0 : i32
      %dma_wait3A_297 = arith.constant 0 : i32
      %dma_wait3A_298 = tpu.memref_slice %arg2[%dma_wait3A_296, %dma_wait3A_297] : memref<10000x128xf32, #tpu.memory_space<hbm>> -> memref<10000x128xf32, #tpu.memory_space<hbm>>
      tpu.wait_indirect_dma semaphore(%arg14 : memref<!tpu.dma_semaphore, #tpu.memory_space<semaphore_mem>>) src(%dma_wait3A_298 : memref<10000x128xf32, #tpu.memory_space<hbm>>) dst(%arg8 : memref<80x128xf32, #tpu.memory_space<vmem>>)
      %dma_start3A_299 = arith.constant 1 : i32
      %dma_start3A_300 = arith.constant 0 : i32
      %dma_start3A_301 = arith.constant 0 : i32
      %dma_start3A_302 = tpu.memref_slice %arg6[%dma_start3A_299, %dma_start3A_300, %dma_start3A_301] : memref<2x2x320xi32, #tpu.memory_space<vmem>> -> memref<1x2x320xi32, #tpu.memory_space<vmem>>
      %dma_start3A_303 = tpu.memref_squeeze %dma_start3A_302 : memref<1x2x320xi32, #tpu.memory_space<vmem>> -> memref<2x320xi32, #tpu.memory_space<vmem>>
      %dma_start3A_304 = arith.constant 0 : i32
      %dma_start3A_305 = tpu.memref_slice %dma_start3A_303[%rem3A_208, %dma_start3A_304] : memref<2x320xi32, #tpu.memory_space<vmem>> -> memref<1x320xi32, #tpu.memory_space<vmem>>
      %dma_start3A_306 = tpu.memref_squeeze %dma_start3A_305 : memref<1x320xi32, #tpu.memory_space<vmem>> -> memref<320xi32, #tpu.memory_space<vmem>>
      %dma_start3A_307 = arith.constant 0 : i32
      %dma_start3A_308 = tpu.memref_slice %dma_start3A_306[%dma_start3A_307] : memref<320xi32, #tpu.memory_space<vmem>> -> memref<80xi32, #tpu.memory_space<vmem>>
      %dma_start3A_309 = arith.constant 0 : i32
      %dma_start3A_310 = arith.constant 0 : i32
      %dma_start3A_311 = tpu.memref_slice %arg12[%dma_start3A_309, %dma_start3A_310] : memref<10000x128xf32, #tpu.memory_space<vmem_shared>> -> memref<10000x128xf32, #tpu.memory_space<vmem_shared>>
      tpu.enqueue_indirect_dma source(%arg8 : memref<80x128xf32, #tpu.memory_space<vmem>>) target(%dma_start3A_311 : memref<10000x128xf32, #tpu.memory_space<vmem_shared>>) offsets(%dma_start3A_308 : memref<80xi32, #tpu.memory_space<vmem>>) semaphore(%arg15 : memref<!tpu.dma_semaphore, #tpu.memory_space<semaphore_mem>>) {add = true}
      %dma_wait3A_312 = arith.constant 0 : i32
      %dma_wait3A_313 = arith.constant 0 : i32
      %dma_wait3A_314 = arith.constant 0 : i32
      %dma_wait3A_315 = tpu.memref_slice %arg6[%dma_wait3A_312, %dma_wait3A_313, %dma_wait3A_314] : memref<2x2x320xi32, #tpu.memory_space<vmem>> -> memref<1x2x320xi32, #tpu.memory_space<vmem>>
      %dma_wait3A_316 = tpu.memref_squeeze %dma_wait3A_315 : memref<1x2x320xi32, #tpu.memory_space<vmem>> -> memref<2x320xi32, #tpu.memory_space<vmem>>
      %dma_wait3A_317 = arith.constant 0 : i32
      %dma_wait3A_318 = tpu.memref_slice %dma_wait3A_316[%rem3A_208, %dma_wait3A_317] : memref<2x320xi32, #tpu.memory_space<vmem>> -> memref<1x320xi32, #tpu.memory_space<vmem>>
      %dma_wait3A_319 = tpu.memref_squeeze %dma_wait3A_318 : memref<1x320xi32, #tpu.memory_space<vmem>> -> memref<320xi32, #tpu.memory_space<vmem>>
      %dma_wait3A_320 = arith.constant 80 : i32
      %dma_wait3A_321 = tpu.memref_slice %dma_wait3A_319[%dma_wait3A_320] : memref<320xi32, #tpu.memory_space<vmem>> -> memref<80xi32, #tpu.memory_space<vmem>>
      %dma_wait3A_322 = arith.constant 0 : i32
      %dma_wait3A_323 = arith.constant 0 : i32
      %dma_wait3A_324 = tpu.memref_slice %arg2[%dma_wait3A_322, %dma_wait3A_323] : memref<10000x128xf32, #tpu.memory_space<hbm>> -> memref<10000x128xf32, #tpu.memory_space<hbm>>
      tpu.wait_indirect_dma semaphore(%arg14 : memref<!tpu.dma_semaphore, #tpu.memory_space<semaphore_mem>>) src(%dma_wait3A_324 : memref<10000x128xf32, #tpu.memory_space<hbm>>) dst(%arg9 : memref<80x128xf32, #tpu.memory_space<vmem>>)
      %dma_start3A_325 = arith.constant 1 : i32
      %dma_start3A_326 = arith.constant 0 : i32
      %dma_start3A_327 = arith.constant 0 : i32
      %dma_start3A_328 = tpu.memref_slice %arg6[%dma_start3A_325, %dma_start3A_326, %dma_start3A_327] : memref<2x2x320xi32, #tpu.memory_space<vmem>> -> memref<1x2x320xi32, #tpu.memory_space<vmem>>
      %dma_start3A_329 = tpu.memref_squeeze %dma_start3A_328 : memref<1x2x320xi32, #tpu.memory_space<vmem>> -> memref<2x320xi32, #tpu.memory_space<vmem>>
      %dma_start3A_330 = arith.constant 0 : i32
      %dma_start3A_331 = tpu.memref_slice %dma_start3A_329[%rem3A_208, %dma_start3A_330] : memref<2x320xi32, #tpu.memory_space<vmem>> -> memref<1x320xi32, #tpu.memory_space<vmem>>
      %dma_start3A_332 = tpu.memref_squeeze %dma_start3A_331 : memref<1x320xi32, #tpu.memory_space<vmem>> -> memref<320xi32, #tpu.memory_space<vmem>>
      %dma_start3A_333 = arith.constant 80 : i32
      %dma_start3A_334 = tpu.memref_slice %dma_start3A_332[%dma_start3A_333] : memref<320xi32, #tpu.memory_space<vmem>> -> memref<80xi32, #tpu.memory_space<vmem>>
      %dma_start3A_335 = arith.constant 0 : i32
      %dma_start3A_336 = arith.constant 0 : i32
      %dma_start3A_337 = tpu.memref_slice %arg12[%dma_start3A_335, %dma_start3A_336] : memref<10000x128xf32, #tpu.memory_space<vmem_shared>> -> memref<10000x128xf32, #tpu.memory_space<vmem_shared>>
      tpu.enqueue_indirect_dma source(%arg9 : memref<80x128xf32, #tpu.memory_space<vmem>>) target(%dma_start3A_337 : memref<10000x128xf32, #tpu.memory_space<vmem_shared>>) offsets(%dma_start3A_334 : memref<80xi32, #tpu.memory_space<vmem>>) semaphore(%arg16 : memref<!tpu.dma_semaphore, #tpu.memory_space<semaphore_mem>>) {add = true}
      %dma_wait3A_338 = arith.constant 0 : i32
      %dma_wait3A_339 = arith.constant 0 : i32
      %dma_wait3A_340 = arith.constant 0 : i32
      %dma_wait3A_341 = tpu.memref_slice %arg6[%dma_wait3A_338, %dma_wait3A_339, %dma_wait3A_340] : memref<2x2x320xi32, #tpu.memory_space<vmem>> -> memref<1x2x320xi32, #tpu.memory_space<vmem>>
      %dma_wait3A_342 = tpu.memref_squeeze %dma_wait3A_341 : memref<1x2x320xi32, #tpu.memory_space<vmem>> -> memref<2x320xi32, #tpu.memory_space<vmem>>
      %dma_wait3A_343 = arith.constant 0 : i32
      %dma_wait3A_344 = tpu.memref_slice %dma_wait3A_342[%rem3A_208, %dma_wait3A_343] : memref<2x320xi32, #tpu.memory_space<vmem>> -> memref<1x320xi32, #tpu.memory_space<vmem>>
      %dma_wait3A_345 = tpu.memref_squeeze %dma_wait3A_344 : memref<1x320xi32, #tpu.memory_space<vmem>> -> memref<320xi32, #tpu.memory_space<vmem>>
      %dma_wait3A_346 = arith.constant 160 : i32
      %dma_wait3A_347 = tpu.memref_slice %dma_wait3A_345[%dma_wait3A_346] : memref<320xi32, #tpu.memory_space<vmem>> -> memref<80xi32, #tpu.memory_space<vmem>>
      %dma_wait3A_348 = arith.constant 0 : i32
      %dma_wait3A_349 = arith.constant 0 : i32
      %dma_wait3A_350 = tpu.memref_slice %arg2[%dma_wait3A_348, %dma_wait3A_349] : memref<10000x128xf32, #tpu.memory_space<hbm>> -> memref<10000x128xf32, #tpu.memory_space<hbm>>
      tpu.wait_indirect_dma semaphore(%arg14 : memref<!tpu.dma_semaphore, #tpu.memory_space<semaphore_mem>>) src(%dma_wait3A_350 : memref<10000x128xf32, #tpu.memory_space<hbm>>) dst(%arg10 : memref<80x128xf32, #tpu.memory_space<vmem>>)
      %dma_start3A_351 = arith.constant 1 : i32
      %dma_start3A_352 = arith.constant 0 : i32
      %dma_start3A_353 = arith.constant 0 : i32
      %dma_start3A_354 = tpu.memref_slice %arg6[%dma_start3A_351, %dma_start3A_352, %dma_start3A_353] : memref<2x2x320xi32, #tpu.memory_space<vmem>> -> memref<1x2x320xi32, #tpu.memory_space<vmem>>
      %dma_start3A_355 = tpu.memref_squeeze %dma_start3A_354 : memref<1x2x320xi32, #tpu.memory_space<vmem>> -> memref<2x320xi32, #tpu.memory_space<vmem>>
      %dma_start3A_356 = arith.constant 0 : i32
      %dma_start3A_357 = tpu.memref_slice %dma_start3A_355[%rem3A_208, %dma_start3A_356] : memref<2x320xi32, #tpu.memory_space<vmem>> -> memref<1x320xi32, #tpu.memory_space<vmem>>
      %dma_start3A_358 = tpu.memref_squeeze %dma_start3A_357 : memref<1x320xi32, #tpu.memory_space<vmem>> -> memref<320xi32, #tpu.memory_space<vmem>>
      %dma_start3A_359 = arith.constant 160 : i32
      %dma_start3A_360 = tpu.memref_slice %dma_start3A_358[%dma_start3A_359] : memref<320xi32, #tpu.memory_space<vmem>> -> memref<80xi32, #tpu.memory_space<vmem>>
      %dma_start3A_361 = arith.constant 0 : i32
      %dma_start3A_362 = arith.constant 0 : i32
      %dma_start3A_363 = tpu.memref_slice %arg12[%dma_start3A_361, %dma_start3A_362] : memref<10000x128xf32, #tpu.memory_space<vmem_shared>> -> memref<10000x128xf32, #tpu.memory_space<vmem_shared>>
      tpu.enqueue_indirect_dma source(%arg10 : memref<80x128xf32, #tpu.memory_space<vmem>>) target(%dma_start3A_363 : memref<10000x128xf32, #tpu.memory_space<vmem_shared>>) offsets(%dma_start3A_360 : memref<80xi32, #tpu.memory_space<vmem>>) semaphore(%arg17 : memref<!tpu.dma_semaphore, #tpu.memory_space<semaphore_mem>>) {add = true}
      %dma_wait3A_364 = arith.constant 0 : i32
      %dma_wait3A_365 = arith.constant 0 : i32
      %dma_wait3A_366 = arith.constant 0 : i32
      %dma_wait3A_367 = tpu.memref_slice %arg6[%dma_wait3A_364, %dma_wait3A_365, %dma_wait3A_366] : memref<2x2x320xi32, #tpu.memory_space<vmem>> -> memref<1x2x320xi32, #tpu.memory_space<vmem>>
      %dma_wait3A_368 = tpu.memref_squeeze %dma_wait3A_367 : memref<1x2x320xi32, #tpu.memory_space<vmem>> -> memref<2x320xi32, #tpu.memory_space<vmem>>
      %dma_wait3A_369 = arith.constant 0 : i32
      %dma_wait3A_370 = tpu.memref_slice %dma_wait3A_368[%rem3A_208, %dma_wait3A_369] : memref<2x320xi32, #tpu.memory_space<vmem>> -> memref<1x320xi32, #tpu.memory_space<vmem>>
      %dma_wait3A_371 = tpu.memref_squeeze %dma_wait3A_370 : memref<1x320xi32, #tpu.memory_space<vmem>> -> memref<320xi32, #tpu.memory_space<vmem>>
      %dma_wait3A_372 = arith.constant 240 : i32
      %dma_wait3A_373 = tpu.memref_slice %dma_wait3A_371[%dma_wait3A_372] : memref<320xi32, #tpu.memory_space<vmem>> -> memref<80xi32, #tpu.memory_space<vmem>>
      %dma_wait3A_374 = arith.constant 0 : i32
      %dma_wait3A_375 = arith.constant 0 : i32
      %dma_wait3A_376 = tpu.memref_slice %arg2[%dma_wait3A_374, %dma_wait3A_375] : memref<10000x128xf32, #tpu.memory_space<hbm>> -> memref<10000x128xf32, #tpu.memory_space<hbm>>
      tpu.wait_indirect_dma semaphore(%arg14 : memref<!tpu.dma_semaphore, #tpu.memory_space<semaphore_mem>>) src(%dma_wait3A_376 : memref<10000x128xf32, #tpu.memory_space<hbm>>) dst(%arg11 : memref<80x128xf32, #tpu.memory_space<vmem>>)
      %dma_start3A_377 = arith.constant 1 : i32
      %dma_start3A_378 = arith.constant 0 : i32
      %dma_start3A_379 = arith.constant 0 : i32
      %dma_start3A_380 = tpu.memref_slice %arg6[%dma_start3A_377, %dma_start3A_378, %dma_start3A_379] : memref<2x2x320xi32, #tpu.memory_space<vmem>> -> memref<1x2x320xi32, #tpu.memory_space<vmem>>
      %dma_start3A_381 = tpu.memref_squeeze %dma_start3A_380 : memref<1x2x320xi32, #tpu.memory_space<vmem>> -> memref<2x320xi32, #tpu.memory_space<vmem>>
      %dma_start3A_382 = arith.constant 0 : i32
      %dma_start3A_383 = tpu.memref_slice %dma_start3A_381[%rem3A_208, %dma_start3A_382] : memref<2x320xi32, #tpu.memory_space<vmem>> -> memref<1x320xi32, #tpu.memory_space<vmem>>
      %dma_start3A_384 = tpu.memref_squeeze %dma_start3A_383 : memref<1x320xi32, #tpu.memory_space<vmem>> -> memref<320xi32, #tpu.memory_space<vmem>>
      %dma_start3A_385 = arith.constant 240 : i32
      %dma_start3A_386 = tpu.memref_slice %dma_start3A_384[%dma_start3A_385] : memref<320xi32, #tpu.memory_space<vmem>> -> memref<80xi32, #tpu.memory_space<vmem>>
      %dma_start3A_387 = arith.constant 0 : i32
      %dma_start3A_388 = arith.constant 0 : i32
      %dma_start3A_389 = tpu.memref_slice %arg12[%dma_start3A_387, %dma_start3A_388] : memref<10000x128xf32, #tpu.memory_space<vmem_shared>> -> memref<10000x128xf32, #tpu.memory_space<vmem_shared>>
      tpu.enqueue_indirect_dma source(%arg11 : memref<80x128xf32, #tpu.memory_space<vmem>>) target(%dma_start3A_389 : memref<10000x128xf32, #tpu.memory_space<vmem_shared>>) offsets(%dma_start3A_386 : memref<80xi32, #tpu.memory_space<vmem>>) semaphore(%arg18 : memref<!tpu.dma_semaphore, #tpu.memory_space<semaphore_mem>>) {add = true}
      %add3A_390 = arith.constant 1 : i32
      %add3A_391 = arith.addi %add3A_207, %add3A_390 : i32
      %lt3A_392 = arith.constant 31 : i32
      %lt3A_393 = arith.cmpi slt, %add3A_391, %lt3A_392 : i32
      %convert_element_type3A_394 = arith.extui %lt3A_393 : i1 to i32
      %cond3A_395 = arith.constant 0 : i32
      %cond3A_396 = arith.cmpi ne, %convert_element_type3A_394, %cond3A_395 : i32
      scf.if %cond3A_396 {
        %sub3A = arith.constant 1 : i32
        %sub3A_397 = arith.subi %sub3A, %rem3A_208 : i32
        %dma_wait3A_398 = arith.constant 0 : i32
        %dma_wait3A_399 = arith.constant 0 : i32
        %dma_wait3A_400 = arith.constant 0 : i32
        %dma_wait3A_401 = arith.constant 0 : i32
        %dma_wait3A_402 = tpu.memref_slice %arg6[%dma_wait3A_399, %dma_wait3A_400, %dma_wait3A_401] : memref<2x2x320xi32, #tpu.memory_space<vmem>> -> memref<1x2x320xi32, #tpu.memory_space<vmem>>
        %dma_wait3A_403 = tpu.memref_squeeze %dma_wait3A_402 : memref<1x2x320xi32, #tpu.memory_space<vmem>> -> memref<2x320xi32, #tpu.memory_space<vmem>>
        %dma_wait3A_404 = arith.constant 0 : i32
        %dma_wait3A_405 = tpu.memref_slice %dma_wait3A_403[%sub3A_397, %dma_wait3A_404] : memref<2x320xi32, #tpu.memory_space<vmem>> -> memref<1x320xi32, #tpu.memory_space<vmem>>
        %dma_wait3A_406 = tpu.memref_squeeze %dma_wait3A_405 : memref<1x320xi32, #tpu.memory_space<vmem>> -> memref<320xi32, #tpu.memory_space<vmem>>
        %dma_wait3A_407 = arith.constant 0 : i32
        %dma_wait3A_408 = tpu.memref_slice %arg4[%dma_wait3A_398, %dma_wait3A_407] : memref<2x320000xi32, #tpu.memory_space<hbm>> -> memref<1x320000xi32, #tpu.memory_space<hbm>>
        %dma_wait3A_409 = tpu.memref_squeeze %dma_wait3A_408 : memref<1x320000xi32, #tpu.memory_space<hbm>> -> memref<320000xi32, #tpu.memory_space<hbm>>
        %dma_wait3A_410 = tpu.memref_slice %dma_wait3A_409[%mul3A_2] : memref<320000xi32, #tpu.memory_space<hbm>> -> memref<320xi32, #tpu.memory_space<hbm>>
        %dma_wait3A_411 = arith.constant 0 : i32
        %dma_wait3A_412 = arith.constant 0 : i32
        %dma_wait3A_413 = tpu.memref_slice %arg6[%dma_wait3A_399, %dma_wait3A_411, %dma_wait3A_412] : memref<2x2x320xi32, #tpu.memory_space<vmem>> -> memref<1x2x320xi32, #tpu.memory_space<vmem>>
        %dma_wait3A_414 = tpu.memref_squeeze %dma_wait3A_413 : memref<1x2x320xi32, #tpu.memory_space<vmem>> -> memref<2x320xi32, #tpu.memory_space<vmem>>
        %dma_wait3A_415 = arith.constant 0 : i32
        %dma_wait3A_416 = tpu.memref_slice %dma_wait3A_414[%sub3A_397, %dma_wait3A_415] : memref<2x320xi32, #tpu.memory_space<vmem>> -> memref<1x320xi32, #tpu.memory_space<vmem>>
        %dma_wait3A_417 = tpu.memref_squeeze %dma_wait3A_416 : memref<1x320xi32, #tpu.memory_space<vmem>> -> memref<320xi32, #tpu.memory_space<vmem>>
        %dma_wait3A_418 = arith.constant 0 : i32
        %dma_wait3A_419 = tpu.memref_slice %arg4[%dma_wait3A_398, %dma_wait3A_418] : memref<2x320000xi32, #tpu.memory_space<hbm>> -> memref<1x320000xi32, #tpu.memory_space<hbm>>
        %dma_wait3A_420 = tpu.memref_squeeze %dma_wait3A_419 : memref<1x320000xi32, #tpu.memory_space<hbm>> -> memref<320000xi32, #tpu.memory_space<hbm>>
        %dma_wait3A_421 = tpu.memref_slice %dma_wait3A_420[%mul3A_2] : memref<320000xi32, #tpu.memory_space<hbm>> -> memref<320xi32, #tpu.memory_space<hbm>>
        tpu.wait_dma2 semaphore(%arg13 : memref<!tpu.dma_semaphore, #tpu.memory_space<semaphore_mem>>) src(%dma_wait3A_421 : memref<320xi32, #tpu.memory_space<hbm>>) dst(%dma_wait3A_417 : memref<320xi32, #tpu.memory_space<vmem>>)
        %sub3A_422 = arith.constant 1 : i32
        %sub3A_423 = arith.subi %sub3A_422, %rem3A_208 : i32
        %dma_wait3A_424 = arith.constant 1 : i32
        %dma_wait3A_425 = arith.constant 1 : i32
        %dma_wait3A_426 = arith.constant 0 : i32
        %dma_wait3A_427 = arith.constant 0 : i32
        %dma_wait3A_428 = tpu.memref_slice %arg6[%dma_wait3A_425, %dma_wait3A_426, %dma_wait3A_427] : memref<2x2x320xi32, #tpu.memory_space<vmem>> -> memref<1x2x320xi32, #tpu.memory_space<vmem>>
        %dma_wait3A_429 = tpu.memref_squeeze %dma_wait3A_428 : memref<1x2x320xi32, #tpu.memory_space<vmem>> -> memref<2x320xi32, #tpu.memory_space<vmem>>
        %dma_wait3A_430 = arith.constant 0 : i32
        %dma_wait3A_431 = tpu.memref_slice %dma_wait3A_429[%sub3A_423, %dma_wait3A_430] : memref<2x320xi32, #tpu.memory_space<vmem>> -> memref<1x320xi32, #tpu.memory_space<vmem>>
        %dma_wait3A_432 = tpu.memref_squeeze %dma_wait3A_431 : memref<1x320xi32, #tpu.memory_space<vmem>> -> memref<320xi32, #tpu.memory_space<vmem>>
        %dma_wait3A_433 = arith.constant 0 : i32
        %dma_wait3A_434 = tpu.memref_slice %arg4[%dma_wait3A_424, %dma_wait3A_433] : memref<2x320000xi32, #tpu.memory_space<hbm>> -> memref<1x320000xi32, #tpu.memory_space<hbm>>
        %dma_wait3A_435 = tpu.memref_squeeze %dma_wait3A_434 : memref<1x320000xi32, #tpu.memory_space<hbm>> -> memref<320000xi32, #tpu.memory_space<hbm>>
        %dma_wait3A_436 = tpu.memref_slice %dma_wait3A_435[%mul3A_2] : memref<320000xi32, #tpu.memory_space<hbm>> -> memref<320xi32, #tpu.memory_space<hbm>>
        %dma_wait3A_437 = arith.constant 0 : i32
        %dma_wait3A_438 = arith.constant 0 : i32
        %dma_wait3A_439 = tpu.memref_slice %arg6[%dma_wait3A_425, %dma_wait3A_437, %dma_wait3A_438] : memref<2x2x320xi32, #tpu.memory_space<vmem>> -> memref<1x2x320xi32, #tpu.memory_space<vmem>>
        %dma_wait3A_440 = tpu.memref_squeeze %dma_wait3A_439 : memref<1x2x320xi32, #tpu.memory_space<vmem>> -> memref<2x320xi32, #tpu.memory_space<vmem>>
        %dma_wait3A_441 = arith.constant 0 : i32
        %dma_wait3A_442 = tpu.memref_slice %dma_wait3A_440[%sub3A_423, %dma_wait3A_441] : memref<2x320xi32, #tpu.memory_space<vmem>> -> memref<1x320xi32, #tpu.memory_space<vmem>>
        %dma_wait3A_443 = tpu.memref_squeeze %dma_wait3A_442 : memref<1x320xi32, #tpu.memory_space<vmem>> -> memref<320xi32, #tpu.memory_space<vmem>>
        %dma_wait3A_444 = arith.constant 0 : i32
        %dma_wait3A_445 = tpu.memref_slice %arg4[%dma_wait3A_424, %dma_wait3A_444] : memref<2x320000xi32, #tpu.memory_space<hbm>> -> memref<1x320000xi32, #tpu.memory_space<hbm>>
        %dma_wait3A_446 = tpu.memref_squeeze %dma_wait3A_445 : memref<1x320000xi32, #tpu.memory_space<hbm>> -> memref<320000xi32, #tpu.memory_space<hbm>>
        %dma_wait3A_447 = tpu.memref_slice %dma_wait3A_446[%mul3A_2] : memref<320000xi32, #tpu.memory_space<hbm>> -> memref<320xi32, #tpu.memory_space<hbm>>
        tpu.wait_dma2 semaphore(%arg13 : memref<!tpu.dma_semaphore, #tpu.memory_space<semaphore_mem>>) src(%dma_wait3A_447 : memref<320xi32, #tpu.memory_space<hbm>>) dst(%dma_wait3A_443 : memref<320xi32, #tpu.memory_space<vmem>>)
      } else {
      }
    }
    %scan3A_112 = arith.constant 31 : i32
    %dma_wait3A_113 = arith.constant 1 : i32
    %dma_wait3A_114 = arith.constant 0 : i32
    %dma_wait3A_115 = arith.constant 0 : i32
    %dma_wait3A_116 = arith.constant 0 : i32
    %dma_wait3A_117 = tpu.memref_slice %arg6[%dma_wait3A_113, %dma_wait3A_115, %dma_wait3A_116] : memref<2x2x320xi32, #tpu.memory_space<vmem>> -> memref<1x2x320xi32, #tpu.memory_space<vmem>>
    %dma_wait3A_118 = tpu.memref_squeeze %dma_wait3A_117 : memref<1x2x320xi32, #tpu.memory_space<vmem>> -> memref<2x320xi32, #tpu.memory_space<vmem>>
    %dma_wait3A_119 = arith.constant 0 : i32
    %dma_wait3A_120 = tpu.memref_slice %dma_wait3A_118[%dma_wait3A_114, %dma_wait3A_119] : memref<2x320xi32, #tpu.memory_space<vmem>> -> memref<1x320xi32, #tpu.memory_space<vmem>>
    %dma_wait3A_121 = tpu.memref_squeeze %dma_wait3A_120 : memref<1x320xi32, #tpu.memory_space<vmem>> -> memref<320xi32, #tpu.memory_space<vmem>>
    %dma_wait3A_122 = arith.constant 0 : i32
    %dma_wait3A_123 = tpu.memref_slice %dma_wait3A_121[%dma_wait3A_122] : memref<320xi32, #tpu.memory_space<vmem>> -> memref<80xi32, #tpu.memory_space<vmem>>
    %dma_wait3A_124 = arith.constant 0 : i32
    %dma_wait3A_125 = arith.constant 0 : i32
    %dma_wait3A_126 = tpu.memref_slice %arg12[%dma_wait3A_124, %dma_wait3A_125] : memref<10000x128xf32, #tpu.memory_space<vmem_shared>> -> memref<10000x128xf32, #tpu.memory_space<vmem_shared>>
    tpu.wait_indirect_dma semaphore(%arg15 : memref<!tpu.dma_semaphore, #tpu.memory_space<semaphore_mem>>) src(%arg8 : memref<80x128xf32, #tpu.memory_space<vmem>>) dst(%dma_wait3A_126 : memref<10000x128xf32, #tpu.memory_space<vmem_shared>>)
    %dma_wait3A_127 = arith.constant 1 : i32
    %dma_wait3A_128 = arith.constant 0 : i32
    %dma_wait3A_129 = arith.constant 0 : i32
    %dma_wait3A_130 = arith.constant 0 : i32
    %dma_wait3A_131 = tpu.memref_slice %arg6[%dma_wait3A_127, %dma_wait3A_129, %dma_wait3A_130] : memref<2x2x320xi32, #tpu.memory_space<vmem>> -> memref<1x2x320xi32, #tpu.memory_space<vmem>>
    %dma_wait3A_132 = tpu.memref_squeeze %dma_wait3A_131 : memref<1x2x320xi32, #tpu.memory_space<vmem>> -> memref<2x320xi32, #tpu.memory_space<vmem>>
    %dma_wait3A_133 = arith.constant 0 : i32
    %dma_wait3A_134 = tpu.memref_slice %dma_wait3A_132[%dma_wait3A_128, %dma_wait3A_133] : memref<2x320xi32, #tpu.memory_space<vmem>> -> memref<1x320xi32, #tpu.memory_space<vmem>>
    %dma_wait3A_135 = tpu.memref_squeeze %dma_wait3A_134 : memref<1x320xi32, #tpu.memory_space<vmem>> -> memref<320xi32, #tpu.memory_space<vmem>>
    %dma_wait3A_136 = arith.constant 80 : i32
    %dma_wait3A_137 = tpu.memref_slice %dma_wait3A_135[%dma_wait3A_136] : memref<320xi32, #tpu.memory_space<vmem>> -> memref<80xi32, #tpu.memory_space<vmem>>
    %dma_wait3A_138 = arith.constant 0 : i32
    %dma_wait3A_139 = arith.constant 0 : i32
    %dma_wait3A_140 = tpu.memref_slice %arg12[%dma_wait3A_138, %dma_wait3A_139] : memref<10000x128xf32, #tpu.memory_space<vmem_shared>> -> memref<10000x128xf32, #tpu.memory_space<vmem_shared>>
    tpu.wait_indirect_dma semaphore(%arg16 : memref<!tpu.dma_semaphore, #tpu.memory_space<semaphore_mem>>) src(%arg9 : memref<80x128xf32, #tpu.memory_space<vmem>>) dst(%dma_wait3A_140 : memref<10000x128xf32, #tpu.memory_space<vmem_shared>>)
    %dma_wait3A_141 = arith.constant 1 : i32
    %dma_wait3A_142 = arith.constant 0 : i32
    %dma_wait3A_143 = arith.constant 0 : i32
    %dma_wait3A_144 = arith.constant 0 : i32
    %dma_wait3A_145 = tpu.memref_slice %arg6[%dma_wait3A_141, %dma_wait3A_143, %dma_wait3A_144] : memref<2x2x320xi32, #tpu.memory_space<vmem>> -> memref<1x2x320xi32, #tpu.memory_space<vmem>>
    %dma_wait3A_146 = tpu.memref_squeeze %dma_wait3A_145 : memref<1x2x320xi32, #tpu.memory_space<vmem>> -> memref<2x320xi32, #tpu.memory_space<vmem>>
    %dma_wait3A_147 = arith.constant 0 : i32
    %dma_wait3A_148 = tpu.memref_slice %dma_wait3A_146[%dma_wait3A_142, %dma_wait3A_147] : memref<2x320xi32, #tpu.memory_space<vmem>> -> memref<1x320xi32, #tpu.memory_space<vmem>>
    %dma_wait3A_149 = tpu.memref_squeeze %dma_wait3A_148 : memref<1x320xi32, #tpu.memory_space<vmem>> -> memref<320xi32, #tpu.memory_space<vmem>>
    %dma_wait3A_150 = arith.constant 160 : i32
    %dma_wait3A_151 = tpu.memref_slice %dma_wait3A_149[%dma_wait3A_150] : memref<320xi32, #tpu.memory_space<vmem>> -> memref<80xi32, #tpu.memory_space<vmem>>
    %dma_wait3A_152 = arith.constant 0 : i32
    %dma_wait3A_153 = arith.constant 0 : i32
    %dma_wait3A_154 = tpu.memref_slice %arg12[%dma_wait3A_152, %dma_wait3A_153] : memref<10000x128xf32, #tpu.memory_space<vmem_shared>> -> memref<10000x128xf32, #tpu.memory_space<vmem_shared>>
    tpu.wait_indirect_dma semaphore(%arg17 : memref<!tpu.dma_semaphore, #tpu.memory_space<semaphore_mem>>) src(%arg10 : memref<80x128xf32, #tpu.memory_space<vmem>>) dst(%dma_wait3A_154 : memref<10000x128xf32, #tpu.memory_space<vmem_shared>>)
    %dma_wait3A_155 = arith.constant 1 : i32
    %dma_wait3A_156 = arith.constant 0 : i32
    %dma_wait3A_157 = arith.constant 0 : i32
    %dma_wait3A_158 = arith.constant 0 : i32
    %dma_wait3A_159 = tpu.memref_slice %arg6[%dma_wait3A_155, %dma_wait3A_157, %dma_wait3A_158] : memref<2x2x320xi32, #tpu.memory_space<vmem>> -> memref<1x2x320xi32, #tpu.memory_space<vmem>>
    %dma_wait3A_160 = tpu.memref_squeeze %dma_wait3A_159 : memref<1x2x320xi32, #tpu.memory_space<vmem>> -> memref<2x320xi32, #tpu.memory_space<vmem>>
    %dma_wait3A_161 = arith.constant 0 : i32
    %dma_wait3A_162 = tpu.memref_slice %dma_wait3A_160[%dma_wait3A_156, %dma_wait3A_161] : memref<2x320xi32, #tpu.memory_space<vmem>> -> memref<1x320xi32, #tpu.memory_space<vmem>>
    %dma_wait3A_163 = tpu.memref_squeeze %dma_wait3A_162 : memref<1x320xi32, #tpu.memory_space<vmem>> -> memref<320xi32, #tpu.memory_space<vmem>>
    %dma_wait3A_164 = arith.constant 240 : i32
    %dma_wait3A_165 = tpu.memref_slice %dma_wait3A_163[%dma_wait3A_164] : memref<320xi32, #tpu.memory_space<vmem>> -> memref<80xi32, #tpu.memory_space<vmem>>
    %dma_wait3A_166 = arith.constant 0 : i32
    %dma_wait3A_167 = arith.constant 0 : i32
    %dma_wait3A_168 = tpu.memref_slice %arg12[%dma_wait3A_166, %dma_wait3A_167] : memref<10000x128xf32, #tpu.memory_space<vmem_shared>> -> memref<10000x128xf32, #tpu.memory_space<vmem_shared>>
    tpu.wait_indirect_dma semaphore(%arg18 : memref<!tpu.dma_semaphore, #tpu.memory_space<semaphore_mem>>) src(%arg11 : memref<80x128xf32, #tpu.memory_space<vmem>>) dst(%dma_wait3A_168 : memref<10000x128xf32, #tpu.memory_space<vmem_shared>>)
    %add3A_169 = arith.constant 9920 : i32
    %add3A_170 = arith.addi %mul3A_2, %add3A_169 : i32
    %run_scoped3A = arith.constant 0 : i32
    %run_scoped3A_171 = arith.constant 0 : i32
    "tpu.region"() ({
      %run_scoped3A_203 = tpu.sem_alloc : memref<!tpu.dma_semaphore, #tpu.memory_space<semaphore_mem>>
      %dma_start3A_204 = arith.constant 0 : i32
      %dma_start3A_205 = tpu.memref_slice %arg7[%run_scoped3A_171, %dma_start3A_204] : memref<2x80xi32, #tpu.memory_space<vmem>> -> memref<1x80xi32, #tpu.memory_space<vmem>>
      %dma_start3A_206 = tpu.memref_squeeze %dma_start3A_205 : memref<1x80xi32, #tpu.memory_space<vmem>> -> memref<80xi32, #tpu.memory_space<vmem>>
      %dma_start3A_207 = arith.constant 0 : i32
      %dma_start3A_208 = tpu.memref_slice %arg4[%run_scoped3A, %dma_start3A_207] : memref<2x320000xi32, #tpu.memory_space<hbm>> -> memref<1x320000xi32, #tpu.memory_space<hbm>>
      %dma_start3A_209 = tpu.memref_squeeze %dma_start3A_208 : memref<1x320000xi32, #tpu.memory_space<hbm>> -> memref<320000xi32, #tpu.memory_space<hbm>>
      %dma_start3A_210 = tpu.memref_slice %dma_start3A_209[%add3A_170] : memref<320000xi32, #tpu.memory_space<hbm>> -> memref<80xi32, #tpu.memory_space<hbm>>
      %dma_start3A_211 = arith.constant 0 : i32
      %dma_start3A_212 = tpu.memref_slice %arg7[%run_scoped3A_171, %dma_start3A_211] : memref<2x80xi32, #tpu.memory_space<vmem>> -> memref<1x80xi32, #tpu.memory_space<vmem>>
      %dma_start3A_213 = tpu.memref_squeeze %dma_start3A_212 : memref<1x80xi32, #tpu.memory_space<vmem>> -> memref<80xi32, #tpu.memory_space<vmem>>
      %dma_start3A_214 = arith.constant 0 : i32
      %dma_start3A_215 = tpu.memref_slice %arg4[%run_scoped3A, %dma_start3A_214] : memref<2x320000xi32, #tpu.memory_space<hbm>> -> memref<1x320000xi32, #tpu.memory_space<hbm>>
      %dma_start3A_216 = tpu.memref_squeeze %dma_start3A_215 : memref<1x320000xi32, #tpu.memory_space<hbm>> -> memref<320000xi32, #tpu.memory_space<hbm>>
      %dma_start3A_217 = tpu.memref_slice %dma_start3A_216[%add3A_170] : memref<320000xi32, #tpu.memory_space<hbm>> -> memref<80xi32, #tpu.memory_space<hbm>>
      tpu.enqueue_dma source(%dma_start3A_217 : memref<80xi32, #tpu.memory_space<hbm>>) target(%dma_start3A_213 : memref<80xi32, #tpu.memory_space<vmem>>) target_semaphore(%run_scoped3A_203 : memref<!tpu.dma_semaphore, #tpu.memory_space<semaphore_mem>>)
      %dma_wait3A_218 = arith.constant 0 : i32
      %dma_wait3A_219 = tpu.memref_slice %arg7[%run_scoped3A_171, %dma_wait3A_218] : memref<2x80xi32, #tpu.memory_space<vmem>> -> memref<1x80xi32, #tpu.memory_space<vmem>>
      %dma_wait3A_220 = tpu.memref_squeeze %dma_wait3A_219 : memref<1x80xi32, #tpu.memory_space<vmem>> -> memref<80xi32, #tpu.memory_space<vmem>>
      %dma_wait3A_221 = arith.constant 0 : i32
      %dma_wait3A_222 = tpu.memref_slice %arg4[%run_scoped3A, %dma_wait3A_221] : memref<2x320000xi32, #tpu.memory_space<hbm>> -> memref<1x320000xi32, #tpu.memory_space<hbm>>
      %dma_wait3A_223 = tpu.memref_squeeze %dma_wait3A_222 : memref<1x320000xi32, #tpu.memory_space<hbm>> -> memref<320000xi32, #tpu.memory_space<hbm>>
      %dma_wait3A_224 = tpu.memref_slice %dma_wait3A_223[%add3A_170] : memref<320000xi32, #tpu.memory_space<hbm>> -> memref<80xi32, #tpu.memory_space<hbm>>
      %dma_wait3A_225 = arith.constant 0 : i32
      %dma_wait3A_226 = tpu.memref_slice %arg7[%run_scoped3A_171, %dma_wait3A_225] : memref<2x80xi32, #tpu.memory_space<vmem>> -> memref<1x80xi32, #tpu.memory_space<vmem>>
      %dma_wait3A_227 = tpu.memref_squeeze %dma_wait3A_226 : memref<1x80xi32, #tpu.memory_space<vmem>> -> memref<80xi32, #tpu.memory_space<vmem>>
      %dma_wait3A_228 = arith.constant 0 : i32
      %dma_wait3A_229 = tpu.memref_slice %arg4[%run_scoped3A, %dma_wait3A_228] : memref<2x320000xi32, #tpu.memory_space<hbm>> -> memref<1x320000xi32, #tpu.memory_space<hbm>>
      %dma_wait3A_230 = tpu.memref_squeeze %dma_wait3A_229 : memref<1x320000xi32, #tpu.memory_space<hbm>> -> memref<320000xi32, #tpu.memory_space<hbm>>
      %dma_wait3A_231 = tpu.memref_slice %dma_wait3A_230[%add3A_170] : memref<320000xi32, #tpu.memory_space<hbm>> -> memref<80xi32, #tpu.memory_space<hbm>>
      tpu.wait_dma2 semaphore(%run_scoped3A_203 : memref<!tpu.dma_semaphore, #tpu.memory_space<semaphore_mem>>) src(%dma_wait3A_231 : memref<80xi32, #tpu.memory_space<hbm>>) dst(%dma_wait3A_227 : memref<80xi32, #tpu.memory_space<vmem>>)
      tpu.yield
    }) : () -> ()
    %run_scoped3A_172 = arith.constant 1 : i32
    %run_scoped3A_173 = arith.constant 1 : i32
    "tpu.region"() ({
      %run_scoped3A_203 = tpu.sem_alloc : memref<!tpu.dma_semaphore, #tpu.memory_space<semaphore_mem>>
      %dma_start3A_204 = arith.constant 0 : i32
      %dma_start3A_205 = tpu.memref_slice %arg7[%run_scoped3A_173, %dma_start3A_204] : memref<2x80xi32, #tpu.memory_space<vmem>> -> memref<1x80xi32, #tpu.memory_space<vmem>>
      %dma_start3A_206 = tpu.memref_squeeze %dma_start3A_205 : memref<1x80xi32, #tpu.memory_space<vmem>> -> memref<80xi32, #tpu.memory_space<vmem>>
      %dma_start3A_207 = arith.constant 0 : i32
      %dma_start3A_208 = tpu.memref_slice %arg4[%run_scoped3A_172, %dma_start3A_207] : memref<2x320000xi32, #tpu.memory_space<hbm>> -> memref<1x320000xi32, #tpu.memory_space<hbm>>
      %dma_start3A_209 = tpu.memref_squeeze %dma_start3A_208 : memref<1x320000xi32, #tpu.memory_space<hbm>> -> memref<320000xi32, #tpu.memory_space<hbm>>
      %dma_start3A_210 = tpu.memref_slice %dma_start3A_209[%add3A_170] : memref<320000xi32, #tpu.memory_space<hbm>> -> memref<80xi32, #tpu.memory_space<hbm>>
      %dma_start3A_211 = arith.constant 0 : i32
      %dma_start3A_212 = tpu.memref_slice %arg7[%run_scoped3A_173, %dma_start3A_211] : memref<2x80xi32, #tpu.memory_space<vmem>> -> memref<1x80xi32, #tpu.memory_space<vmem>>
      %dma_start3A_213 = tpu.memref_squeeze %dma_start3A_212 : memref<1x80xi32, #tpu.memory_space<vmem>> -> memref<80xi32, #tpu.memory_space<vmem>>
      %dma_start3A_214 = arith.constant 0 : i32
      %dma_start3A_215 = tpu.memref_slice %arg4[%run_scoped3A_172, %dma_start3A_214] : memref<2x320000xi32, #tpu.memory_space<hbm>> -> memref<1x320000xi32, #tpu.memory_space<hbm>>
      %dma_start3A_216 = tpu.memref_squeeze %dma_start3A_215 : memref<1x320000xi32, #tpu.memory_space<hbm>> -> memref<320000xi32, #tpu.memory_space<hbm>>
      %dma_start3A_217 = tpu.memref_slice %dma_start3A_216[%add3A_170] : memref<320000xi32, #tpu.memory_space<hbm>> -> memref<80xi32, #tpu.memory_space<hbm>>
      tpu.enqueue_dma source(%dma_start3A_217 : memref<80xi32, #tpu.memory_space<hbm>>) target(%dma_start3A_213 : memref<80xi32, #tpu.memory_space<vmem>>) target_semaphore(%run_scoped3A_203 : memref<!tpu.dma_semaphore, #tpu.memory_space<semaphore_mem>>)
      %dma_wait3A_218 = arith.constant 0 : i32
      %dma_wait3A_219 = tpu.memref_slice %arg7[%run_scoped3A_173, %dma_wait3A_218] : memref<2x80xi32, #tpu.memory_space<vmem>> -> memref<1x80xi32, #tpu.memory_space<vmem>>
      %dma_wait3A_220 = tpu.memref_squeeze %dma_wait3A_219 : memref<1x80xi32, #tpu.memory_space<vmem>> -> memref<80xi32, #tpu.memory_space<vmem>>
      %dma_wait3A_221 = arith.constant 0 : i32
      %dma_wait3A_222 = tpu.memref_slice %arg4[%run_scoped3A_172, %dma_wait3A_221] : memref<2x320000xi32, #tpu.memory_space<hbm>> -> memref<1x320000xi32, #tpu.memory_space<hbm>>
      %dma_wait3A_223 = tpu.memref_squeeze %dma_wait3A_222 : memref<1x320000xi32, #tpu.memory_space<hbm>> -> memref<320000xi32, #tpu.memory_space<hbm>>
      %dma_wait3A_224 = tpu.memref_slice %dma_wait3A_223[%add3A_170] : memref<320000xi32, #tpu.memory_space<hbm>> -> memref<80xi32, #tpu.memory_space<hbm>>
      %dma_wait3A_225 = arith.constant 0 : i32
      %dma_wait3A_226 = tpu.memref_slice %arg7[%run_scoped3A_173, %dma_wait3A_225] : memref<2x80xi32, #tpu.memory_space<vmem>> -> memref<1x80xi32, #tpu.memory_space<vmem>>
      %dma_wait3A_227 = tpu.memref_squeeze %dma_wait3A_226 : memref<1x80xi32, #tpu.memory_space<vmem>> -> memref<80xi32, #tpu.memory_space<vmem>>
      %dma_wait3A_228 = arith.constant 0 : i32
      %dma_wait3A_229 = tpu.memref_slice %arg4[%run_scoped3A_172, %dma_wait3A_228] : memref<2x320000xi32, #tpu.memory_space<hbm>> -> memref<1x320000xi32, #tpu.memory_space<hbm>>
      %dma_wait3A_230 = tpu.memref_squeeze %dma_wait3A_229 : memref<1x320000xi32, #tpu.memory_space<hbm>> -> memref<320000xi32, #tpu.memory_space<hbm>>
      %dma_wait3A_231 = tpu.memref_slice %dma_wait3A_230[%add3A_170] : memref<320000xi32, #tpu.memory_space<hbm>> -> memref<80xi32, #tpu.memory_space<hbm>>
      tpu.wait_dma2 semaphore(%run_scoped3A_203 : memref<!tpu.dma_semaphore, #tpu.memory_space<semaphore_mem>>) src(%dma_wait3A_231 : memref<80xi32, #tpu.memory_space<hbm>>) dst(%dma_wait3A_227 : memref<80xi32, #tpu.memory_space<vmem>>)
      tpu.yield
    }) : () -> ()
    %dma_start3A_174 = arith.constant 0 : i32
    %dma_start3A_175 = arith.constant 0 : i32
    %dma_start3A_176 = arith.constant 0 : i32
    %dma_start3A_177 = tpu.memref_slice %arg8[%dma_start3A_175, %dma_start3A_176] : memref<80x128xf32, #tpu.memory_space<vmem>> -> memref<80x128xf32, #tpu.memory_space<vmem>>
    %dma_start3A_178 = arith.constant 0 : i32
    %dma_start3A_179 = tpu.memref_slice %arg7[%dma_start3A_174, %dma_start3A_178] : memref<2x80xi32, #tpu.memory_space<vmem>> -> memref<1x80xi32, #tpu.memory_space<vmem>>
    %dma_start3A_180 = tpu.memref_squeeze %dma_start3A_179 : memref<1x80xi32, #tpu.memory_space<vmem>> -> memref<80xi32, #tpu.memory_space<vmem>>
    %dma_start3A_181 = arith.constant 0 : i32
    %dma_start3A_182 = arith.constant 0 : i32
    %dma_start3A_183 = tpu.memref_slice %arg2[%dma_start3A_181, %dma_start3A_182] : memref<10000x128xf32, #tpu.memory_space<hbm>> -> memref<10000x128xf32, #tpu.memory_space<hbm>>
    tpu.enqueue_indirect_dma source(%dma_start3A_183 : memref<10000x128xf32, #tpu.memory_space<hbm>>) target(%dma_start3A_177 : memref<80x128xf32, #tpu.memory_space<vmem>>) offsets(%dma_start3A_180 : memref<80xi32, #tpu.memory_space<vmem>>) semaphore(%arg14 : memref<!tpu.dma_semaphore, #tpu.memory_space<semaphore_mem>>)
    %dma_wait3A_184 = arith.constant 0 : i32
    %dma_wait3A_185 = arith.constant 0 : i32
    %dma_wait3A_186 = arith.constant 0 : i32
    %dma_wait3A_187 = tpu.memref_slice %arg8[%dma_wait3A_185, %dma_wait3A_186] : memref<80x128xf32, #tpu.memory_space<vmem>> -> memref<80x128xf32, #tpu.memory_space<vmem>>
    %dma_wait3A_188 = arith.constant 0 : i32
    %dma_wait3A_189 = tpu.memref_slice %arg7[%dma_wait3A_184, %dma_wait3A_188] : memref<2x80xi32, #tpu.memory_space<vmem>> -> memref<1x80xi32, #tpu.memory_space<vmem>>
    %dma_wait3A_190 = tpu.memref_squeeze %dma_wait3A_189 : memref<1x80xi32, #tpu.memory_space<vmem>> -> memref<80xi32, #tpu.memory_space<vmem>>
    %dma_wait3A_191 = arith.constant 0 : i32
    %dma_wait3A_192 = arith.constant 0 : i32
    %dma_wait3A_193 = tpu.memref_slice %arg2[%dma_wait3A_191, %dma_wait3A_192] : memref<10000x128xf32, #tpu.memory_space<hbm>> -> memref<10000x128xf32, #tpu.memory_space<hbm>>
    tpu.wait_indirect_dma semaphore(%arg14 : memref<!tpu.dma_semaphore, #tpu.memory_space<semaphore_mem>>) src(%dma_wait3A_193 : memref<10000x128xf32, #tpu.memory_space<hbm>>) dst(%dma_wait3A_187 : memref<80x128xf32, #tpu.memory_space<vmem>>)
    %run_scoped3A_194 = arith.constant 1 : i32
    "tpu.region"() ({
      %run_scoped3A_203 = tpu.sem_alloc : memref<!tpu.dma_semaphore, #tpu.memory_space<semaphore_mem>>
      %dma_start3A_204 = arith.constant 0 : i32
      %dma_start3A_205 = arith.constant 0 : i32
      %dma_start3A_206 = tpu.memref_slice %arg8[%dma_start3A_204, %dma_start3A_205] : memref<80x128xf32, #tpu.memory_space<vmem>> -> memref<80x128xf32, #tpu.memory_space<vmem>>
      %dma_start3A_207 = arith.constant 0 : i32
      %dma_start3A_208 = tpu.memref_slice %arg7[%run_scoped3A_194, %dma_start3A_207] : memref<2x80xi32, #tpu.memory_space<vmem>> -> memref<1x80xi32, #tpu.memory_space<vmem>>
      %dma_start3A_209 = tpu.memref_squeeze %dma_start3A_208 : memref<1x80xi32, #tpu.memory_space<vmem>> -> memref<80xi32, #tpu.memory_space<vmem>>
      %dma_start3A_210 = arith.constant 0 : i32
      %dma_start3A_211 = arith.constant 0 : i32
      %dma_start3A_212 = tpu.memref_slice %arg12[%dma_start3A_210, %dma_start3A_211] : memref<10000x128xf32, #tpu.memory_space<vmem_shared>> -> memref<10000x128xf32, #tpu.memory_space<vmem_shared>>
      tpu.enqueue_indirect_dma source(%dma_start3A_206 : memref<80x128xf32, #tpu.memory_space<vmem>>) target(%dma_start3A_212 : memref<10000x128xf32, #tpu.memory_space<vmem_shared>>) offsets(%dma_start3A_209 : memref<80xi32, #tpu.memory_space<vmem>>) semaphore(%run_scoped3A_203 : memref<!tpu.dma_semaphore, #tpu.memory_space<semaphore_mem>>) {add = true}
      %dma_wait3A_213 = arith.constant 0 : i32
      %dma_wait3A_214 = arith.constant 0 : i32
      %dma_wait3A_215 = tpu.memref_slice %arg8[%dma_wait3A_213, %dma_wait3A_214] : memref<80x128xf32, #tpu.memory_space<vmem>> -> memref<80x128xf32, #tpu.memory_space<vmem>>
      %dma_wait3A_216 = arith.constant 0 : i32
      %dma_wait3A_217 = tpu.memref_slice %arg7[%run_scoped3A_194, %dma_wait3A_216] : memref<2x80xi32, #tpu.memory_space<vmem>> -> memref<1x80xi32, #tpu.memory_space<vmem>>
      %dma_wait3A_218 = tpu.memref_squeeze %dma_wait3A_217 : memref<1x80xi32, #tpu.memory_space<vmem>> -> memref<80xi32, #tpu.memory_space<vmem>>
      %dma_wait3A_219 = arith.constant 0 : i32
      %dma_wait3A_220 = arith.constant 0 : i32
      %dma_wait3A_221 = tpu.memref_slice %arg12[%dma_wait3A_219, %dma_wait3A_220] : memref<10000x128xf32, #tpu.memory_space<vmem_shared>> -> memref<10000x128xf32, #tpu.memory_space<vmem_shared>>
      tpu.wait_indirect_dma semaphore(%run_scoped3A_203 : memref<!tpu.dma_semaphore, #tpu.memory_space<semaphore_mem>>) src(%dma_wait3A_215 : memref<80x128xf32, #tpu.memory_space<vmem>>) dst(%dma_wait3A_221 : memref<10000x128xf32, #tpu.memory_space<vmem_shared>>)
      tpu.yield
    }) : () -> ()
    %barrier3A_195 = arith.constant 0 : index
    tpu.barrier barrier_id(%barrier3A_195)
    %mul3A_196 = arith.constant 624 : i32
    %mul3A_197 = arith.muli %arg1, %mul3A_196 : i32
    "tpu.region"() ({
      %run_scoped3A_203 = tpu.sem_alloc : memref<!tpu.dma_semaphore, #tpu.memory_space<semaphore_mem>>
      %dma_start3A_204 = arith.constant 0 : i32
      %dma_start3A_205 = arith.constant 0 : i32
      %dma_start3A_206 = tpu.memref_slice %arg5[%arg0, %dma_start3A_204, %dma_start3A_205] : memref<2x10000x128xf32, #tpu.memory_space<hbm>> -> memref<1x10000x128xf32, #tpu.memory_space<hbm>>
      %dma_start3A_207 = tpu.memref_squeeze %dma_start3A_206 : memref<1x10000x128xf32, #tpu.memory_space<hbm>> -> memref<10000x128xf32, #tpu.memory_space<hbm>>
      %dma_start3A_208 = arith.constant 0 : i32
      %dma_start3A_209 = tpu.memref_slice %dma_start3A_207[%mul3A_197, %dma_start3A_208] : memref<10000x128xf32, #tpu.memory_space<hbm>> -> memref<624x128xf32, #tpu.memory_space<hbm>>
      %dma_start3A_210 = arith.constant 0 : i32
      %dma_start3A_211 = tpu.memref_slice %arg12[%mul3A_197, %dma_start3A_210] : memref<10000x128xf32, #tpu.memory_space<vmem_shared>> -> memref<624x128xf32, #tpu.memory_space<vmem_shared>>
      tpu.enqueue_dma source(%dma_start3A_211 : memref<624x128xf32, #tpu.memory_space<vmem_shared>>) target(%dma_start3A_209 : memref<624x128xf32, #tpu.memory_space<hbm>>) target_semaphore(%run_scoped3A_203 : memref<!tpu.dma_semaphore, #tpu.memory_space<semaphore_mem>>)
      %dma_wait3A_212 = arith.constant 0 : i32
      %dma_wait3A_213 = arith.constant 0 : i32
      %dma_wait3A_214 = tpu.memref_slice %arg5[%arg0, %dma_wait3A_212, %dma_wait3A_213] : memref<2x10000x128xf32, #tpu.memory_space<hbm>> -> memref<1x10000x128xf32, #tpu.memory_space<hbm>>
      %dma_wait3A_215 = tpu.memref_squeeze %dma_wait3A_214 : memref<1x10000x128xf32, #tpu.memory_space<hbm>> -> memref<10000x128xf32, #tpu.memory_space<hbm>>
      %dma_wait3A_216 = arith.constant 0 : i32
      %dma_wait3A_217 = tpu.memref_slice %dma_wait3A_215[%mul3A_197, %dma_wait3A_216] : memref<10000x128xf32, #tpu.memory_space<hbm>> -> memref<624x128xf32, #tpu.memory_space<hbm>>
      %dma_wait3A_218 = arith.constant 0 : i32
      %dma_wait3A_219 = tpu.memref_slice %arg12[%mul3A_197, %dma_wait3A_218] : memref<10000x128xf32, #tpu.memory_space<vmem_shared>> -> memref<624x128xf32, #tpu.memory_space<vmem_shared>>
      tpu.wait_dma2 semaphore(%run_scoped3A_203 : memref<!tpu.dma_semaphore, #tpu.memory_space<semaphore_mem>>) src(%dma_wait3A_219 : memref<624x128xf32, #tpu.memory_space<vmem_shared>>) dst(%dma_wait3A_217 : memref<624x128xf32, #tpu.memory_space<hbm>>)
      tpu.yield
    }) : () -> ()
    %eq3A_198 = arith.constant 0 : i32
    %eq3A_199 = arith.cmpi eq, %arg1, %eq3A_198 : i32
    %convert_element_type3A_200 = arith.extui %eq3A_199 : i1 to i32
    %cond3A_201 = arith.constant 0 : i32
    %cond3A_202 = arith.cmpi ne, %convert_element_type3A_200, %cond3A_201 : i32
    scf.if %cond3A_202 {
      "tpu.region"() ({
        %run_scoped3A_203 = tpu.sem_alloc : memref<!tpu.dma_semaphore, #tpu.memory_space<semaphore_mem>>
        %dma_start3A_204 = arith.constant 0 : i32
        %dma_start3A_205 = arith.constant 0 : i32
        %dma_start3A_206 = tpu.memref_slice %arg5[%arg0, %dma_start3A_204, %dma_start3A_205] : memref<2x10000x128xf32, #tpu.memory_space<hbm>> -> memref<1x10000x128xf32, #tpu.memory_space<hbm>>
        %dma_start3A_207 = tpu.memref_squeeze %dma_start3A_206 : memref<1x10000x128xf32, #tpu.memory_space<hbm>> -> memref<10000x128xf32, #tpu.memory_space<hbm>>
        %dma_start3A_208 = arith.constant 9984 : i32
        %dma_start3A_209 = arith.constant 0 : i32
        %dma_start3A_210 = tpu.memref_slice %dma_start3A_207[%dma_start3A_208, %dma_start3A_209] : memref<10000x128xf32, #tpu.memory_space<hbm>> -> memref<16x128xf32, #tpu.memory_space<hbm>>
        %dma_start3A_211 = arith.constant 9984 : i32
        %dma_start3A_212 = arith.constant 0 : i32
        %dma_start3A_213 = tpu.memref_slice %arg12[%dma_start3A_211, %dma_start3A_212] : memref<10000x128xf32, #tpu.memory_space<vmem_shared>> -> memref<16x128xf32, #tpu.memory_space<vmem_shared>>
        tpu.enqueue_dma source(%dma_start3A_213 : memref<16x128xf32, #tpu.memory_space<vmem_shared>>) target(%dma_start3A_210 : memref<16x128xf32, #tpu.memory_space<hbm>>) target_semaphore(%run_scoped3A_203 : memref<!tpu.dma_semaphore, #tpu.memory_space<semaphore_mem>>)
        %dma_wait3A_214 = arith.constant 0 : i32
        %dma_wait3A_215 = arith.constant 0 : i32
        %dma_wait3A_216 = tpu.memref_slice %arg5[%arg0, %dma_wait3A_214, %dma_wait3A_215] : memref<2x10000x128xf32, #tpu.memory_space<hbm>> -> memref<1x10000x128xf32, #tpu.memory_space<hbm>>
        %dma_wait3A_217 = tpu.memref_squeeze %dma_wait3A_216 : memref<1x10000x128xf32, #tpu.memory_space<hbm>> -> memref<10000x128xf32, #tpu.memory_space<hbm>>
        %dma_wait3A_218 = arith.constant 9984 : i32
        %dma_wait3A_219 = arith.constant 0 : i32
        %dma_wait3A_220 = tpu.memref_slice %dma_wait3A_217[%dma_wait3A_218, %dma_wait3A_219] : memref<10000x128xf32, #tpu.memory_space<hbm>> -> memref<16x128xf32, #tpu.memory_space<hbm>>
        %dma_wait3A_221 = arith.constant 9984 : i32
        %dma_wait3A_222 = arith.constant 0 : i32
        %dma_wait3A_223 = tpu.memref_slice %arg12[%dma_wait3A_221, %dma_wait3A_222] : memref<10000x128xf32, #tpu.memory_space<vmem_shared>> -> memref<16x128xf32, #tpu.memory_space<vmem_shared>>
        tpu.wait_dma2 semaphore(%run_scoped3A_203 : memref<!tpu.dma_semaphore, #tpu.memory_space<semaphore_mem>>) src(%dma_wait3A_223 : memref<16x128xf32, #tpu.memory_space<vmem_shared>>) dst(%dma_wait3A_220 : memref<16x128xf32, #tpu.memory_space<hbm>>)
        tpu.yield
      }) : () -> ()
    } else {
    }
    return
  }
}

#map = affine_map<(d0, d1) -> (0, 0)>
#map1 = affine_map<(d0, d1) -> (0, 0, 0)>
module attributes {stable_mosaic.version = 14 : i64} {
  func.func @k(%arg0: i32, %arg1: i32, %arg2: memref<10000x128xf32, #tpu.memory_space<hbm>>, %arg3: memref<10000x128xf32, #tpu.memory_space<hbm>>, %arg4: memref<2x320000xi32, #tpu.memory_space<hbm>>, %arg5: memref<2x10000x128xf32, #tpu.memory_space<hbm>>, %arg6: memref<2x2x320xi32, #tpu.memory_space<vmem>>, %arg7: memref<2x80xi32, #tpu.memory_space<vmem>>, %arg8: memref<80x128xf32, #tpu.memory_space<vmem>>, %arg9: memref<80x128xf32, #tpu.memory_space<vmem>>, %arg10: memref<80x128xf32, #tpu.memory_space<vmem>>, %arg11: memref<80x128xf32, #tpu.memory_space<vmem>>, %arg12: memref<10000x128xf32, #tpu.memory_space<vmem_shared>>, %arg13: memref<!tpu.dma_semaphore, #tpu.memory_space<semaphore_mem>>, %arg14: memref<!tpu.dma_semaphore, #tpu.memory_space<semaphore_mem>>, %arg15: memref<!tpu.dma_semaphore, #tpu.memory_space<semaphore_mem>>, %arg16: memref<!tpu.dma_semaphore, #tpu.memory_space<semaphore_mem>>, %arg17: memref<!tpu.dma_semaphore, #tpu.memory_space<semaphore_mem>>, %arg18: memref<!tpu.dma_semaphore, #tpu.memory_space<semaphore_mem>>) attributes {dimension_semantics = [#tpu.dimension_semantics<core_parallel>, #tpu.dimension_semantics<subcore_parallel>], iteration_bounds = array<i64: 2, 16>, scalar_prefetch = 0 : i64, scratch_operands = 13 : i64, tpu.core_type = #tpu.core_type<sc_vector_subcore>, window_params = [{transform_indices = #map}, {transform_indices = #map}, {transform_indices = #map}, {transform_indices = #map1}]} {
    %mul3A = arith.constant 16 : i32
    %mul3A_0 = arith.muli %arg0, %mul3A : i32
    %add3A = arith.addi %mul3A_0, %arg1 : i32
    %mul3A_1 = arith.constant 10000 : i32
    %mul3A_2 = arith.muli %add3A, %mul3A_1 : i32
    %add3A_3 = arith.constant 0 : i32
    %add3A_4 = arith.addi %mul3A_2, %add3A_3 : i32
    %dma_start3A = arith.constant 0 : i32
    %dma_start3A_5 = arith.constant 0 : i32
    %dma_start3A_6 = arith.constant 0 : i32
    %dma_start3A_7 = arith.constant 0 : i32
    %dma_start3A_8 = arith.constant 0 : i32
    %dma_start3A_9 = tpu.memref_slice %arg6[%dma_start3A_5, %dma_start3A_7, %dma_start3A_8] : memref<2x2x320xi32, #tpu.memory_space<vmem>> -> memref<1x2x320xi32, #tpu.memory_space<vmem>>
    %dma_start3A_10 = tpu.memref_squeeze %dma_start3A_9 : memref<1x2x320xi32, #tpu.memory_space<vmem>> -> memref<2x320xi32, #tpu.memory_space<vmem>>
    %dma_start3A_11 = arith.constant 0 : i32
    %dma_start3A_12 = tpu.memref_slice %dma_start3A_10[%dma_start3A_6, %dma_start3A_11] : memref<2x320xi32, #tpu.memory_space<vmem>> -> memref<1x320xi32, #tpu.memory_space<vmem>>
    %dma_start3A_13 = tpu.memref_squeeze %dma_start3A_12 : memref<1x320xi32, #tpu.memory_space<vmem>> -> memref<320xi32, #tpu.memory_space<vmem>>
    %dma_start3A_14 = arith.constant 0 : i32
    %dma_start3A_15 = tpu.memref_slice %arg4[%dma_start3A, %dma_start3A_14] : memref<2x320000xi32, #tpu.memory_space<hbm>> -> memref<1x320000xi32, #tpu.memory_space<hbm>>
    %dma_start3A_16 = tpu.memref_squeeze %dma_start3A_15 : memref<1x320000xi32, #tpu.memory_space<hbm>> -> memref<320000xi32, #tpu.memory_space<hbm>>
    %dma_start3A_17 = tpu.memref_slice %dma_start3A_16[%add3A_4] : memref<320000xi32, #tpu.memory_space<hbm>> -> memref<320xi32, #tpu.memory_space<hbm>>
    %dma_start3A_18 = arith.constant 0 : i32
    %dma_start3A_19 = arith.constant 0 : i32
    %dma_start3A_20 = tpu.memref_slice %arg6[%dma_start3A_5, %dma_start3A_18, %dma_start3A_19] : memref<2x2x320xi32, #tpu.memory_space<vmem>> -> memref<1x2x320xi32, #tpu.memory_space<vmem>>
    %dma_start3A_21 = tpu.memref_squeeze %dma_start3A_20 : memref<1x2x320xi32, #tpu.memory_space<vmem>> -> memref<2x320xi32, #tpu.memory_space<vmem>>
    %dma_start3A_22 = arith.constant 0 : i32
    %dma_start3A_23 = tpu.memref_slice %dma_start3A_21[%dma_start3A_6, %dma_start3A_22] : memref<2x320xi32, #tpu.memory_space<vmem>> -> memref<1x320xi32, #tpu.memory_space<vmem>>
    %dma_start3A_24 = tpu.memref_squeeze %dma_start3A_23 : memref<1x320xi32, #tpu.memory_space<vmem>> -> memref<320xi32, #tpu.memory_space<vmem>>
    %dma_start3A_25 = arith.constant 0 : i32
    %dma_start3A_26 = tpu.memref_slice %arg4[%dma_start3A, %dma_start3A_25] : memref<2x320000xi32, #tpu.memory_space<hbm>> -> memref<1x320000xi32, #tpu.memory_space<hbm>>
    %dma_start3A_27 = tpu.memref_squeeze %dma_start3A_26 : memref<1x320000xi32, #tpu.memory_space<hbm>> -> memref<320000xi32, #tpu.memory_space<hbm>>
    %dma_start3A_28 = tpu.memref_slice %dma_start3A_27[%add3A_4] : memref<320000xi32, #tpu.memory_space<hbm>> -> memref<320xi32, #tpu.memory_space<hbm>>
    tpu.enqueue_dma source(%dma_start3A_28 : memref<320xi32, #tpu.memory_space<hbm>>) target(%dma_start3A_24 : memref<320xi32, #tpu.memory_space<vmem>>) target_semaphore(%arg13 : memref<!tpu.dma_semaphore, #tpu.memory_space<semaphore_mem>>)
    %dma_start3A_29 = arith.constant 1 : i32
    %dma_start3A_30 = arith.constant 1 : i32
    %dma_start3A_31 = arith.constant 0 : i32
    %dma_start3A_32 = arith.constant 0 : i32
    %dma_start3A_33 = arith.constant 0 : i32
    %dma_start3A_34 = tpu.memref_slice %arg6[%dma_start3A_30, %dma_start3A_32, %dma_start3A_33] : memref<2x2x320xi32, #tpu.memory_space<vmem>> -> memref<1x2x320xi32, #tpu.memory_space<vmem>>
    %dma_start3A_35 = tpu.memref_squeeze %dma_start3A_34 : memref<1x2x320xi32, #tpu.memory_space<vmem>> -> memref<2x320xi32, #tpu.memory_space<vmem>>
    %dma_start3A_36 = arith.constant 0 : i32
    %dma_start3A_37 = tpu.memref_slice %dma_start3A_35[%dma_start3A_31, %dma_start3A_36] : memref<2x320xi32, #tpu.memory_space<vmem>> -> memref<1x320xi32, #tpu.memory_space<vmem>>
    %dma_start3A_38 = tpu.memref_squeeze %dma_start3A_37 : memref<1x320xi32, #tpu.memory_space<vmem>> -> memref<320xi32, #tpu.memory_space<vmem>>
    %dma_start3A_39 = arith.constant 0 : i32
    %dma_start3A_40 = tpu.memref_slice %arg4[%dma_start3A_29, %dma_start3A_39] : memref<2x320000xi32, #tpu.memory_space<hbm>> -> memref<1x320000xi32, #tpu.memory_space<hbm>>
    %dma_start3A_41 = tpu.memref_squeeze %dma_start3A_40 : memref<1x320000xi32, #tpu.memory_space<hbm>> -> memref<320000xi32, #tpu.memory_space<hbm>>
    %dma_start3A_42 = tpu.memref_slice %dma_start3A_41[%add3A_4] : memref<320000xi32, #tpu.memory_space<hbm>> -> memref<320xi32, #tpu.memory_space<hbm>>
    %dma_start3A_43 = arith.constant 0 : i32
    %dma_start3A_44 = arith.constant 0 : i32
    %dma_start3A_45 = tpu.memref_slice %arg6[%dma_start3A_30, %dma_start3A_43, %dma_start3A_44] : memref<2x2x320xi32, #tpu.memory_space<vmem>> -> memref<1x2x320xi32, #tpu.memory_space<vmem>>
    %dma_start3A_46 = tpu.memref_squeeze %dma_start3A_45 : memref<1x2x320xi32, #tpu.memory_space<vmem>> -> memref<2x320xi32, #tpu.memory_space<vmem>>
    %dma_start3A_47 = arith.constant 0 : i32
    %dma_start3A_48 = tpu.memref_slice %dma_start3A_46[%dma_start3A_31, %dma_start3A_47] : memref<2x320xi32, #tpu.memory_space<vmem>> -> memref<1x320xi32, #tpu.memory_space<vmem>>
    %dma_start3A_49 = tpu.memref_squeeze %dma_start3A_48 : memref<1x320xi32, #tpu.memory_space<vmem>> -> memref<320xi32, #tpu.memory_space<vmem>>
    %dma_start3A_50 = arith.constant 0 : i32
    %dma_start3A_51 = tpu.memref_slice %arg4[%dma_start3A_29, %dma_start3A_50] : memref<2x320000xi32, #tpu.memory_space<hbm>> -> memref<1x320000xi32, #tpu.memory_space<hbm>>
    %dma_start3A_52 = tpu.memref_squeeze %dma_start3A_51 : memref<1x320000xi32, #tpu.memory_space<hbm>> -> memref<320000xi32, #tpu.memory_space<hbm>>
    %dma_start3A_53 = tpu.memref_slice %dma_start3A_52[%add3A_4] : memref<320000xi32, #tpu.memory_space<hbm>> -> memref<320xi32, #tpu.memory_space<hbm>>
    tpu.enqueue_dma source(%dma_start3A_53 : memref<320xi32, #tpu.memory_space<hbm>>) target(%dma_start3A_49 : memref<320xi32, #tpu.memory_space<vmem>>) target_semaphore(%arg13 : memref<!tpu.dma_semaphore, #tpu.memory_space<semaphore_mem>>)
    %eq3A = arith.constant 0 : i32
    %eq3A_54 = arith.cmpi eq, %arg0, %eq3A : i32
    %convert_element_type3A = arith.extui %eq3A_54 : i1 to i32
    %cond3A = arith.constant 0 : i32
    %cond3A_55 = arith.cmpi ne, %convert_element_type3A, %cond3A : i32
    scf.if %cond3A_55 {
      %mul3A_203 = arith.constant 624 : i32
      %mul3A_204 = arith.muli %arg1, %mul3A_203 : i32
      "tpu.region"() ({
        %run_scoped3A_210 = tpu.sem_alloc : memref<!tpu.dma_semaphore, #tpu.memory_space<semaphore_mem>>
        %dma_start3A_211 = arith.constant 0 : i32
        %dma_start3A_212 = tpu.memref_slice %arg12[%mul3A_204, %dma_start3A_211] : memref<10000x128xf32, #tpu.memory_space<vmem_shared>> -> memref<624x128xf32, #tpu.memory_space<vmem_shared>>
        %dma_start3A_213 = arith.constant 0 : i32
        %dma_start3A_214 = tpu.memref_slice %arg2[%mul3A_204, %dma_start3A_213] : memref<10000x128xf32, #tpu.memory_space<hbm>> -> memref<624x128xf32, #tpu.memory_space<hbm>>
        tpu.enqueue_dma source(%dma_start3A_214 : memref<624x128xf32, #tpu.memory_space<hbm>>) target(%dma_start3A_212 : memref<624x128xf32, #tpu.memory_space<vmem_shared>>) target_semaphore(%run_scoped3A_210 : memref<!tpu.dma_semaphore, #tpu.memory_space<semaphore_mem>>)
        %dma_wait3A_215 = arith.constant 0 : i32
        %dma_wait3A_216 = tpu.memref_slice %arg12[%mul3A_204, %dma_wait3A_215] : memref<10000x128xf32, #tpu.memory_space<vmem_shared>> -> memref<624x128xf32, #tpu.memory_space<vmem_shared>>
        %dma_wait3A_217 = arith.constant 0 : i32
        %dma_wait3A_218 = tpu.memref_slice %arg2[%mul3A_204, %dma_wait3A_217] : memref<10000x128xf32, #tpu.memory_space<hbm>> -> memref<624x128xf32, #tpu.memory_space<hbm>>
        tpu.wait_dma2 semaphore(%run_scoped3A_210 : memref<!tpu.dma_semaphore, #tpu.memory_space<semaphore_mem>>) src(%dma_wait3A_218 : memref<624x128xf32, #tpu.memory_space<hbm>>) dst(%dma_wait3A_216 : memref<624x128xf32, #tpu.memory_space<vmem_shared>>)
        tpu.yield
      }) : () -> ()
      %eq3A_205 = arith.constant 0 : i32
      %eq3A_206 = arith.cmpi eq, %arg1, %eq3A_205 : i32
      %convert_element_type3A_207 = arith.extui %eq3A_206 : i1 to i32
      %cond3A_208 = arith.constant 0 : i32
      %cond3A_209 = arith.cmpi ne, %convert_element_type3A_207, %cond3A_208 : i32
      scf.if %cond3A_209 {
        "tpu.region"() ({
          %run_scoped3A_210 = tpu.sem_alloc : memref<!tpu.dma_semaphore, #tpu.memory_space<semaphore_mem>>
          %dma_start3A_211 = arith.constant 9984 : i32
          %dma_start3A_212 = arith.constant 0 : i32
          %dma_start3A_213 = tpu.memref_slice %arg12[%dma_start3A_211, %dma_start3A_212] : memref<10000x128xf32, #tpu.memory_space<vmem_shared>> -> memref<16x128xf32, #tpu.memory_space<vmem_shared>>
          %dma_start3A_214 = arith.constant 9984 : i32
          %dma_start3A_215 = arith.constant 0 : i32
          %dma_start3A_216 = tpu.memref_slice %arg2[%dma_start3A_214, %dma_start3A_215] : memref<10000x128xf32, #tpu.memory_space<hbm>> -> memref<16x128xf32, #tpu.memory_space<hbm>>
          tpu.enqueue_dma source(%dma_start3A_216 : memref<16x128xf32, #tpu.memory_space<hbm>>) target(%dma_start3A_213 : memref<16x128xf32, #tpu.memory_space<vmem_shared>>) target_semaphore(%run_scoped3A_210 : memref<!tpu.dma_semaphore, #tpu.memory_space<semaphore_mem>>)
          %dma_wait3A_217 = arith.constant 9984 : i32
          %dma_wait3A_218 = arith.constant 0 : i32
          %dma_wait3A_219 = tpu.memref_slice %arg12[%dma_wait3A_217, %dma_wait3A_218] : memref<10000x128xf32, #tpu.memory_space<vmem_shared>> -> memref<16x128xf32, #tpu.memory_space<vmem_shared>>
          %dma_wait3A_220 = arith.constant 9984 : i32
          %dma_wait3A_221 = arith.constant 0 : i32
          %dma_wait3A_222 = tpu.memref_slice %arg2[%dma_wait3A_220, %dma_wait3A_221] : memref<10000x128xf32, #tpu.memory_space<hbm>> -> memref<16x128xf32, #tpu.memory_space<hbm>>
          tpu.wait_dma2 semaphore(%run_scoped3A_210 : memref<!tpu.dma_semaphore, #tpu.memory_space<semaphore_mem>>) src(%dma_wait3A_222 : memref<16x128xf32, #tpu.memory_space<hbm>>) dst(%dma_wait3A_219 : memref<16x128xf32, #tpu.memory_space<vmem_shared>>)
          tpu.yield
        }) : () -> ()
      } else {
      }
    } else {
    }
    %ne3A = arith.constant 0 : i32
    %ne3A_56 = arith.cmpi ne, %arg0, %ne3A : i32
    %convert_element_type3A_57 = arith.extui %ne3A_56 : i1 to i32
    %cond3A_58 = arith.constant 0 : i32
    %cond3A_59 = arith.cmpi ne, %convert_element_type3A_57, %cond3A_58 : i32
    scf.if %cond3A_59 {
      %mul3A_203 = arith.constant 624 : i32
      %mul3A_204 = arith.muli %arg1, %mul3A_203 : i32
      "tpu.region"() ({
        %run_scoped3A_210 = tpu.sem_alloc : memref<!tpu.dma_semaphore, #tpu.memory_space<semaphore_mem>>
        %dma_start3A_211 = arith.constant 0 : i32
        %dma_start3A_212 = tpu.memref_slice %arg12[%mul3A_204, %dma_start3A_211] : memref<10000x128xf32, #tpu.memory_space<vmem_shared>> -> memref<624x128xf32, #tpu.memory_space<vmem_shared>>
        %dma_start3A_213 = arith.constant 0 : i32
        %dma_start3A_214 = tpu.memref_slice %arg3[%mul3A_204, %dma_start3A_213] : memref<10000x128xf32, #tpu.memory_space<hbm>> -> memref<624x128xf32, #tpu.memory_space<hbm>>
        tpu.enqueue_dma source(%dma_start3A_214 : memref<624x128xf32, #tpu.memory_space<hbm>>) target(%dma_start3A_212 : memref<624x128xf32, #tpu.memory_space<vmem_shared>>) target_semaphore(%run_scoped3A_210 : memref<!tpu.dma_semaphore, #tpu.memory_space<semaphore_mem>>)
        %dma_wait3A_215 = arith.constant 0 : i32
        %dma_wait3A_216 = tpu.memref_slice %arg12[%mul3A_204, %dma_wait3A_215] : memref<10000x128xf32, #tpu.memory_space<vmem_shared>> -> memref<624x128xf32, #tpu.memory_space<vmem_shared>>
        %dma_wait3A_217 = arith.constant 0 : i32
        %dma_wait3A_218 = tpu.memref_slice %arg3[%mul3A_204, %dma_wait3A_217] : memref<10000x128xf32, #tpu.memory_space<hbm>> -> memref<624x128xf32, #tpu.memory_space<hbm>>
        tpu.wait_dma2 semaphore(%run_scoped3A_210 : memref<!tpu.dma_semaphore, #tpu.memory_space<semaphore_mem>>) src(%dma_wait3A_218 : memref<624x128xf32, #tpu.memory_space<hbm>>) dst(%dma_wait3A_216 : memref<624x128xf32, #tpu.memory_space<vmem_shared>>)
        tpu.yield
      }) : () -> ()
      %eq3A_205 = arith.constant 0 : i32
      %eq3A_206 = arith.cmpi eq, %arg1, %eq3A_205 : i32
      %convert_element_type3A_207 = arith.extui %eq3A_206 : i1 to i32
      %cond3A_208 = arith.constant 0 : i32
      %cond3A_209 = arith.cmpi ne, %convert_element_type3A_207, %cond3A_208 : i32
      scf.if %cond3A_209 {
        "tpu.region"() ({
          %run_scoped3A_210 = tpu.sem_alloc : memref<!tpu.dma_semaphore, #tpu.memory_space<semaphore_mem>>
          %dma_start3A_211 = arith.constant 9984 : i32
          %dma_start3A_212 = arith.constant 0 : i32
          %dma_start3A_213 = tpu.memref_slice %arg12[%dma_start3A_211, %dma_start3A_212] : memref<10000x128xf32, #tpu.memory_space<vmem_shared>> -> memref<16x128xf32, #tpu.memory_space<vmem_shared>>
          %dma_start3A_214 = arith.constant 9984 : i32
          %dma_start3A_215 = arith.constant 0 : i32
          %dma_start3A_216 = tpu.memref_slice %arg3[%dma_start3A_214, %dma_start3A_215] : memref<10000x128xf32, #tpu.memory_space<hbm>> -> memref<16x128xf32, #tpu.memory_space<hbm>>
          tpu.enqueue_dma source(%dma_start3A_216 : memref<16x128xf32, #tpu.memory_space<hbm>>) target(%dma_start3A_213 : memref<16x128xf32, #tpu.memory_space<vmem_shared>>) target_semaphore(%run_scoped3A_210 : memref<!tpu.dma_semaphore, #tpu.memory_space<semaphore_mem>>)
          %dma_wait3A_217 = arith.constant 9984 : i32
          %dma_wait3A_218 = arith.constant 0 : i32
          %dma_wait3A_219 = tpu.memref_slice %arg12[%dma_wait3A_217, %dma_wait3A_218] : memref<10000x128xf32, #tpu.memory_space<vmem_shared>> -> memref<16x128xf32, #tpu.memory_space<vmem_shared>>
          %dma_wait3A_220 = arith.constant 9984 : i32
          %dma_wait3A_221 = arith.constant 0 : i32
          %dma_wait3A_222 = tpu.memref_slice %arg3[%dma_wait3A_220, %dma_wait3A_221] : memref<10000x128xf32, #tpu.memory_space<hbm>> -> memref<16x128xf32, #tpu.memory_space<hbm>>
          tpu.wait_dma2 semaphore(%run_scoped3A_210 : memref<!tpu.dma_semaphore, #tpu.memory_space<semaphore_mem>>) src(%dma_wait3A_222 : memref<16x128xf32, #tpu.memory_space<hbm>>) dst(%dma_wait3A_219 : memref<16x128xf32, #tpu.memory_space<vmem_shared>>)
          tpu.yield
        }) : () -> ()
      } else {
      }
    } else {
    }
    %dma_wait3A = arith.constant 0 : i32
    %dma_wait3A_60 = arith.constant 0 : i32
    %dma_wait3A_61 = arith.constant 0 : i32
    %dma_wait3A_62 = arith.constant 0 : i32
    %dma_wait3A_63 = arith.constant 0 : i32
    %dma_wait3A_64 = tpu.memref_slice %arg6[%dma_wait3A_60, %dma_wait3A_62, %dma_wait3A_63] : memref<2x2x320xi32, #tpu.memory_space<vmem>> -> memref<1x2x320xi32, #tpu.memory_space<vmem>>
    %dma_wait3A_65 = tpu.memref_squeeze %dma_wait3A_64 : memref<1x2x320xi32, #tpu.memory_space<vmem>> -> memref<2x320xi32, #tpu.memory_space<vmem>>
    %dma_wait3A_66 = arith.constant 0 : i32
    %dma_wait3A_67 = tpu.memref_slice %dma_wait3A_65[%dma_wait3A_61, %dma_wait3A_66] : memref<2x320xi32, #tpu.memory_space<vmem>> -> memref<1x320xi32, #tpu.memory_space<vmem>>
    %dma_wait3A_68 = tpu.memref_squeeze %dma_wait3A_67 : memref<1x320xi32, #tpu.memory_space<vmem>> -> memref<320xi32, #tpu.memory_space<vmem>>
    %dma_wait3A_69 = arith.constant 0 : i32
    %dma_wait3A_70 = tpu.memref_slice %arg4[%dma_wait3A, %dma_wait3A_69] : memref<2x320000xi32, #tpu.memory_space<hbm>> -> memref<1x320000xi32, #tpu.memory_space<hbm>>
    %dma_wait3A_71 = tpu.memref_squeeze %dma_wait3A_70 : memref<1x320000xi32, #tpu.memory_space<hbm>> -> memref<320000xi32, #tpu.memory_space<hbm>>
    %dma_wait3A_72 = tpu.memref_slice %dma_wait3A_71[%add3A_4] : memref<320000xi32, #tpu.memory_space<hbm>> -> memref<320xi32, #tpu.memory_space<hbm>>
    %dma_wait3A_73 = arith.constant 0 : i32
    %dma_wait3A_74 = arith.constant 0 : i32
    %dma_wait3A_75 = tpu.memref_slice %arg6[%dma_wait3A_60, %dma_wait3A_73, %dma_wait3A_74] : memref<2x2x320xi32, #tpu.memory_space<vmem>> -> memref<1x2x320xi32, #tpu.memory_space<vmem>>
    %dma_wait3A_76 = tpu.memref_squeeze %dma_wait3A_75 : memref<1x2x320xi32, #tpu.memory_space<vmem>> -> memref<2x320xi32, #tpu.memory_space<vmem>>
    %dma_wait3A_77 = arith.constant 0 : i32
    %dma_wait3A_78 = tpu.memref_slice %dma_wait3A_76[%dma_wait3A_61, %dma_wait3A_77] : memref<2x320xi32, #tpu.memory_space<vmem>> -> memref<1x320xi32, #tpu.memory_space<vmem>>
    %dma_wait3A_79 = tpu.memref_squeeze %dma_wait3A_78 : memref<1x320xi32, #tpu.memory_space<vmem>> -> memref<320xi32, #tpu.memory_space<vmem>>
    %dma_wait3A_80 = arith.constant 0 : i32
    %dma_wait3A_81 = tpu.memref_slice %arg4[%dma_wait3A, %dma_wait3A_80] : memref<2x320000xi32, #tpu.memory_space<hbm>> -> memref<1x320000xi32, #tpu.memory_space<hbm>>
    %dma_wait3A_82 = tpu.memref_squeeze %dma_wait3A_81 : memref<1x320000xi32, #tpu.memory_space<hbm>> -> memref<320000xi32, #tpu.memory_space<hbm>>
    %dma_wait3A_83 = tpu.memref_slice %dma_wait3A_82[%add3A_4] : memref<320000xi32, #tpu.memory_space<hbm>> -> memref<320xi32, #tpu.memory_space<hbm>>
    tpu.wait_dma2 semaphore(%arg13 : memref<!tpu.dma_semaphore, #tpu.memory_space<semaphore_mem>>) src(%dma_wait3A_83 : memref<320xi32, #tpu.memory_space<hbm>>) dst(%dma_wait3A_79 : memref<320xi32, #tpu.memory_space<vmem>>)
    %dma_wait3A_84 = arith.constant 1 : i32
    %dma_wait3A_85 = arith.constant 1 : i32
    %dma_wait3A_86 = arith.constant 0 : i32
    %dma_wait3A_87 = arith.constant 0 : i32
    %dma_wait3A_88 = arith.constant 0 : i32
    %dma_wait3A_89 = tpu.memref_slice %arg6[%dma_wait3A_85, %dma_wait3A_87, %dma_wait3A_88] : memref<2x2x320xi32, #tpu.memory_space<vmem>> -> memref<1x2x320xi32, #tpu.memory_space<vmem>>
    %dma_wait3A_90 = tpu.memref_squeeze %dma_wait3A_89 : memref<1x2x320xi32, #tpu.memory_space<vmem>> -> memref<2x320xi32, #tpu.memory_space<vmem>>
    %dma_wait3A_91 = arith.constant 0 : i32
    %dma_wait3A_92 = tpu.memref_slice %dma_wait3A_90[%dma_wait3A_86, %dma_wait3A_91] : memref<2x320xi32, #tpu.memory_space<vmem>> -> memref<1x320xi32, #tpu.memory_space<vmem>>
    %dma_wait3A_93 = tpu.memref_squeeze %dma_wait3A_92 : memref<1x320xi32, #tpu.memory_space<vmem>> -> memref<320xi32, #tpu.memory_space<vmem>>
    %dma_wait3A_94 = arith.constant 0 : i32
    %dma_wait3A_95 = tpu.memref_slice %arg4[%dma_wait3A_84, %dma_wait3A_94] : memref<2x320000xi32, #tpu.memory_space<hbm>> -> memref<1x320000xi32, #tpu.memory_space<hbm>>
    %dma_wait3A_96 = tpu.memref_squeeze %dma_wait3A_95 : memref<1x320000xi32, #tpu.memory_space<hbm>> -> memref<320000xi32, #tpu.memory_space<hbm>>
    %dma_wait3A_97 = tpu.memref_slice %dma_wait3A_96[%add3A_4] : memref<320000xi32, #tpu.memory_space<hbm>> -> memref<320xi32, #tpu.memory_space<hbm>>
    %dma_wait3A_98 = arith.constant 0 : i32
    %dma_wait3A_99 = arith.constant 0 : i32
    %dma_wait3A_100 = tpu.memref_slice %arg6[%dma_wait3A_85, %dma_wait3A_98, %dma_wait3A_99] : memref<2x2x320xi32, #tpu.memory_space<vmem>> -> memref<1x2x320xi32, #tpu.memory_space<vmem>>
    %dma_wait3A_101 = tpu.memref_squeeze %dma_wait3A_100 : memref<1x2x320xi32, #tpu.memory_space<vmem>> -> memref<2x320xi32, #tpu.memory_space<vmem>>
    %dma_wait3A_102 = arith.constant 0 : i32
    %dma_wait3A_103 = tpu.memref_slice %dma_wait3A_101[%dma_wait3A_86, %dma_wait3A_102] : memref<2x320xi32, #tpu.memory_space<vmem>> -> memref<1x320xi32, #tpu.memory_space<vmem>>
    %dma_wait3A_104 = tpu.memref_squeeze %dma_wait3A_103 : memref<1x320xi32, #tpu.memory_space<vmem>> -> memref<320xi32, #tpu.memory_space<vmem>>
    %dma_wait3A_105 = arith.constant 0 : i32
    %dma_wait3A_106 = tpu.memref_slice %arg4[%dma_wait3A_84, %dma_wait3A_105] : memref<2x320000xi32, #tpu.memory_space<hbm>> -> memref<1x320000xi32, #tpu.memory_space<hbm>>
    %dma_wait3A_107 = tpu.memref_squeeze %dma_wait3A_106 : memref<1x320000xi32, #tpu.memory_space<hbm>> -> memref<320000xi32, #tpu.memory_space<hbm>>
    %dma_wait3A_108 = tpu.memref_slice %dma_wait3A_107[%add3A_4] : memref<320000xi32, #tpu.memory_space<hbm>> -> memref<320xi32, #tpu.memory_space<hbm>>
    tpu.wait_dma2 semaphore(%arg13 : memref<!tpu.dma_semaphore, #tpu.memory_space<semaphore_mem>>) src(%dma_wait3A_108 : memref<320xi32, #tpu.memory_space<hbm>>) dst(%dma_wait3A_104 : memref<320xi32, #tpu.memory_space<vmem>>)
    %barrier3A = arith.constant 0 : index
    tpu.barrier barrier_id(%barrier3A)
    %scan3A = arith.constant 0 : i32
    %scan3A_109 = arith.constant 31 : i32
    %scan3A_110 = arith.addi %scan3A, %scan3A_109 : i32
    %scan3A_111 = arith.constant 1 : i32
    scf.for %scan3A_203 = %scan3A to %scan3A_110 step %scan3A_111  : i32 {
      %mul3A_204 = arith.constant 1 : i32
      %mul3A_205 = arith.muli %scan3A_203, %mul3A_204 : i32
      %add3A_206 = arith.constant 0 : i32
      %add3A_207 = arith.addi %add3A_206, %mul3A_205 : i32
      %rem3A = arith.constant 2 : i32
      %rem3A_208 = arith.remsi %add3A_207, %rem3A : i32
      %gt3A = arith.constant 0 : i32
      %gt3A_209 = arith.cmpi sgt, %add3A_207, %gt3A : i32
      %convert_element_type3A_210 = arith.extui %gt3A_209 : i1 to i32
      %cond3A_211 = arith.constant 0 : i32
      %cond3A_212 = arith.cmpi ne, %convert_element_type3A_210, %cond3A_211 : i32
      scf.if %cond3A_212 {
        %dma_wait3A_397 = arith.constant 1 : i32
        %dma_wait3A_398 = arith.constant 0 : i32
        %dma_wait3A_399 = arith.constant 0 : i32
        %dma_wait3A_400 = tpu.memref_slice %arg6[%dma_wait3A_397, %dma_wait3A_398, %dma_wait3A_399] : memref<2x2x320xi32, #tpu.memory_space<vmem>> -> memref<1x2x320xi32, #tpu.memory_space<vmem>>
        %dma_wait3A_401 = tpu.memref_squeeze %dma_wait3A_400 : memref<1x2x320xi32, #tpu.memory_space<vmem>> -> memref<2x320xi32, #tpu.memory_space<vmem>>
        %dma_wait3A_402 = arith.constant 0 : i32
        %dma_wait3A_403 = tpu.memref_slice %dma_wait3A_401[%rem3A_208, %dma_wait3A_402] : memref<2x320xi32, #tpu.memory_space<vmem>> -> memref<1x320xi32, #tpu.memory_space<vmem>>
        %dma_wait3A_404 = tpu.memref_squeeze %dma_wait3A_403 : memref<1x320xi32, #tpu.memory_space<vmem>> -> memref<320xi32, #tpu.memory_space<vmem>>
        %dma_wait3A_405 = arith.constant 0 : i32
        %dma_wait3A_406 = tpu.memref_slice %dma_wait3A_404[%dma_wait3A_405] : memref<320xi32, #tpu.memory_space<vmem>> -> memref<80xi32, #tpu.memory_space<vmem>>
        %dma_wait3A_407 = arith.constant 0 : i32
        %dma_wait3A_408 = arith.constant 0 : i32
        %dma_wait3A_409 = tpu.memref_slice %arg12[%dma_wait3A_407, %dma_wait3A_408] : memref<10000x128xf32, #tpu.memory_space<vmem_shared>> -> memref<10000x128xf32, #tpu.memory_space<vmem_shared>>
        tpu.wait_indirect_dma semaphore(%arg15 : memref<!tpu.dma_semaphore, #tpu.memory_space<semaphore_mem>>) src(%arg8 : memref<80x128xf32, #tpu.memory_space<vmem>>) dst(%dma_wait3A_409 : memref<10000x128xf32, #tpu.memory_space<vmem_shared>>)
      } else {
      }
      %dma_start3A_213 = arith.constant 0 : i32
      %dma_start3A_214 = arith.constant 0 : i32
      %dma_start3A_215 = arith.constant 0 : i32
      %dma_start3A_216 = tpu.memref_slice %arg6[%dma_start3A_213, %dma_start3A_214, %dma_start3A_215] : memref<2x2x320xi32, #tpu.memory_space<vmem>> -> memref<1x2x320xi32, #tpu.memory_space<vmem>>
      %dma_start3A_217 = tpu.memref_squeeze %dma_start3A_216 : memref<1x2x320xi32, #tpu.memory_space<vmem>> -> memref<2x320xi32, #tpu.memory_space<vmem>>
      %dma_start3A_218 = arith.constant 0 : i32
      %dma_start3A_219 = tpu.memref_slice %dma_start3A_217[%rem3A_208, %dma_start3A_218] : memref<2x320xi32, #tpu.memory_space<vmem>> -> memref<1x320xi32, #tpu.memory_space<vmem>>
      %dma_start3A_220 = tpu.memref_squeeze %dma_start3A_219 : memref<1x320xi32, #tpu.memory_space<vmem>> -> memref<320xi32, #tpu.memory_space<vmem>>
      %dma_start3A_221 = arith.constant 0 : i32
      %dma_start3A_222 = tpu.memref_slice %dma_start3A_220[%dma_start3A_221] : memref<320xi32, #tpu.memory_space<vmem>> -> memref<80xi32, #tpu.memory_space<vmem>>
      %dma_start3A_223 = arith.constant 0 : i32
      %dma_start3A_224 = arith.constant 0 : i32
      %dma_start3A_225 = tpu.memref_slice %arg2[%dma_start3A_223, %dma_start3A_224] : memref<10000x128xf32, #tpu.memory_space<hbm>> -> memref<10000x128xf32, #tpu.memory_space<hbm>>
      tpu.enqueue_indirect_dma source(%dma_start3A_225 : memref<10000x128xf32, #tpu.memory_space<hbm>>) target(%arg8 : memref<80x128xf32, #tpu.memory_space<vmem>>) offsets(%dma_start3A_222 : memref<80xi32, #tpu.memory_space<vmem>>) semaphore(%arg14 : memref<!tpu.dma_semaphore, #tpu.memory_space<semaphore_mem>>)
      %gt3A_226 = arith.constant 0 : i32
      %gt3A_227 = arith.cmpi sgt, %add3A_207, %gt3A_226 : i32
      %convert_element_type3A_228 = arith.extui %gt3A_227 : i1 to i32
      %cond3A_229 = arith.constant 0 : i32
      %cond3A_230 = arith.cmpi ne, %convert_element_type3A_228, %cond3A_229 : i32
      scf.if %cond3A_230 {
        %dma_wait3A_397 = arith.constant 1 : i32
        %dma_wait3A_398 = arith.constant 0 : i32
        %dma_wait3A_399 = arith.constant 0 : i32
        %dma_wait3A_400 = tpu.memref_slice %arg6[%dma_wait3A_397, %dma_wait3A_398, %dma_wait3A_399] : memref<2x2x320xi32, #tpu.memory_space<vmem>> -> memref<1x2x320xi32, #tpu.memory_space<vmem>>
        %dma_wait3A_401 = tpu.memref_squeeze %dma_wait3A_400 : memref<1x2x320xi32, #tpu.memory_space<vmem>> -> memref<2x320xi32, #tpu.memory_space<vmem>>
        %dma_wait3A_402 = arith.constant 0 : i32
        %dma_wait3A_403 = tpu.memref_slice %dma_wait3A_401[%rem3A_208, %dma_wait3A_402] : memref<2x320xi32, #tpu.memory_space<vmem>> -> memref<1x320xi32, #tpu.memory_space<vmem>>
        %dma_wait3A_404 = tpu.memref_squeeze %dma_wait3A_403 : memref<1x320xi32, #tpu.memory_space<vmem>> -> memref<320xi32, #tpu.memory_space<vmem>>
        %dma_wait3A_405 = arith.constant 80 : i32
        %dma_wait3A_406 = tpu.memref_slice %dma_wait3A_404[%dma_wait3A_405] : memref<320xi32, #tpu.memory_space<vmem>> -> memref<80xi32, #tpu.memory_space<vmem>>
        %dma_wait3A_407 = arith.constant 0 : i32
        %dma_wait3A_408 = arith.constant 0 : i32
        %dma_wait3A_409 = tpu.memref_slice %arg12[%dma_wait3A_407, %dma_wait3A_408] : memref<10000x128xf32, #tpu.memory_space<vmem_shared>> -> memref<10000x128xf32, #tpu.memory_space<vmem_shared>>
        tpu.wait_indirect_dma semaphore(%arg16 : memref<!tpu.dma_semaphore, #tpu.memory_space<semaphore_mem>>) src(%arg9 : memref<80x128xf32, #tpu.memory_space<vmem>>) dst(%dma_wait3A_409 : memref<10000x128xf32, #tpu.memory_space<vmem_shared>>)
      } else {
      }
      %dma_start3A_231 = arith.constant 0 : i32
      %dma_start3A_232 = arith.constant 0 : i32
      %dma_start3A_233 = arith.constant 0 : i32
      %dma_start3A_234 = tpu.memref_slice %arg6[%dma_start3A_231, %dma_start3A_232, %dma_start3A_233] : memref<2x2x320xi32, #tpu.memory_space<vmem>> -> memref<1x2x320xi32, #tpu.memory_space<vmem>>
      %dma_start3A_235 = tpu.memref_squeeze %dma_start3A_234 : memref<1x2x320xi32, #tpu.memory_space<vmem>> -> memref<2x320xi32, #tpu.memory_space<vmem>>
      %dma_start3A_236 = arith.constant 0 : i32
      %dma_start3A_237 = tpu.memref_slice %dma_start3A_235[%rem3A_208, %dma_start3A_236] : memref<2x320xi32, #tpu.memory_space<vmem>> -> memref<1x320xi32, #tpu.memory_space<vmem>>
      %dma_start3A_238 = tpu.memref_squeeze %dma_start3A_237 : memref<1x320xi32, #tpu.memory_space<vmem>> -> memref<320xi32, #tpu.memory_space<vmem>>
      %dma_start3A_239 = arith.constant 80 : i32
      %dma_start3A_240 = tpu.memref_slice %dma_start3A_238[%dma_start3A_239] : memref<320xi32, #tpu.memory_space<vmem>> -> memref<80xi32, #tpu.memory_space<vmem>>
      %dma_start3A_241 = arith.constant 0 : i32
      %dma_start3A_242 = arith.constant 0 : i32
      %dma_start3A_243 = tpu.memref_slice %arg2[%dma_start3A_241, %dma_start3A_242] : memref<10000x128xf32, #tpu.memory_space<hbm>> -> memref<10000x128xf32, #tpu.memory_space<hbm>>
      tpu.enqueue_indirect_dma source(%dma_start3A_243 : memref<10000x128xf32, #tpu.memory_space<hbm>>) target(%arg9 : memref<80x128xf32, #tpu.memory_space<vmem>>) offsets(%dma_start3A_240 : memref<80xi32, #tpu.memory_space<vmem>>) semaphore(%arg14 : memref<!tpu.dma_semaphore, #tpu.memory_space<semaphore_mem>>)
      %gt3A_244 = arith.constant 0 : i32
      %gt3A_245 = arith.cmpi sgt, %add3A_207, %gt3A_244 : i32
      %convert_element_type3A_246 = arith.extui %gt3A_245 : i1 to i32
      %cond3A_247 = arith.constant 0 : i32
      %cond3A_248 = arith.cmpi ne, %convert_element_type3A_246, %cond3A_247 : i32
      scf.if %cond3A_248 {
        %dma_wait3A_397 = arith.constant 1 : i32
        %dma_wait3A_398 = arith.constant 0 : i32
        %dma_wait3A_399 = arith.constant 0 : i32
        %dma_wait3A_400 = tpu.memref_slice %arg6[%dma_wait3A_397, %dma_wait3A_398, %dma_wait3A_399] : memref<2x2x320xi32, #tpu.memory_space<vmem>> -> memref<1x2x320xi32, #tpu.memory_space<vmem>>
        %dma_wait3A_401 = tpu.memref_squeeze %dma_wait3A_400 : memref<1x2x320xi32, #tpu.memory_space<vmem>> -> memref<2x320xi32, #tpu.memory_space<vmem>>
        %dma_wait3A_402 = arith.constant 0 : i32
        %dma_wait3A_403 = tpu.memref_slice %dma_wait3A_401[%rem3A_208, %dma_wait3A_402] : memref<2x320xi32, #tpu.memory_space<vmem>> -> memref<1x320xi32, #tpu.memory_space<vmem>>
        %dma_wait3A_404 = tpu.memref_squeeze %dma_wait3A_403 : memref<1x320xi32, #tpu.memory_space<vmem>> -> memref<320xi32, #tpu.memory_space<vmem>>
        %dma_wait3A_405 = arith.constant 160 : i32
        %dma_wait3A_406 = tpu.memref_slice %dma_wait3A_404[%dma_wait3A_405] : memref<320xi32, #tpu.memory_space<vmem>> -> memref<80xi32, #tpu.memory_space<vmem>>
        %dma_wait3A_407 = arith.constant 0 : i32
        %dma_wait3A_408 = arith.constant 0 : i32
        %dma_wait3A_409 = tpu.memref_slice %arg12[%dma_wait3A_407, %dma_wait3A_408] : memref<10000x128xf32, #tpu.memory_space<vmem_shared>> -> memref<10000x128xf32, #tpu.memory_space<vmem_shared>>
        tpu.wait_indirect_dma semaphore(%arg17 : memref<!tpu.dma_semaphore, #tpu.memory_space<semaphore_mem>>) src(%arg10 : memref<80x128xf32, #tpu.memory_space<vmem>>) dst(%dma_wait3A_409 : memref<10000x128xf32, #tpu.memory_space<vmem_shared>>)
      } else {
      }
      %dma_start3A_249 = arith.constant 0 : i32
      %dma_start3A_250 = arith.constant 0 : i32
      %dma_start3A_251 = arith.constant 0 : i32
      %dma_start3A_252 = tpu.memref_slice %arg6[%dma_start3A_249, %dma_start3A_250, %dma_start3A_251] : memref<2x2x320xi32, #tpu.memory_space<vmem>> -> memref<1x2x320xi32, #tpu.memory_space<vmem>>
      %dma_start3A_253 = tpu.memref_squeeze %dma_start3A_252 : memref<1x2x320xi32, #tpu.memory_space<vmem>> -> memref<2x320xi32, #tpu.memory_space<vmem>>
      %dma_start3A_254 = arith.constant 0 : i32
      %dma_start3A_255 = tpu.memref_slice %dma_start3A_253[%rem3A_208, %dma_start3A_254] : memref<2x320xi32, #tpu.memory_space<vmem>> -> memref<1x320xi32, #tpu.memory_space<vmem>>
      %dma_start3A_256 = tpu.memref_squeeze %dma_start3A_255 : memref<1x320xi32, #tpu.memory_space<vmem>> -> memref<320xi32, #tpu.memory_space<vmem>>
      %dma_start3A_257 = arith.constant 160 : i32
      %dma_start3A_258 = tpu.memref_slice %dma_start3A_256[%dma_start3A_257] : memref<320xi32, #tpu.memory_space<vmem>> -> memref<80xi32, #tpu.memory_space<vmem>>
      %dma_start3A_259 = arith.constant 0 : i32
      %dma_start3A_260 = arith.constant 0 : i32
      %dma_start3A_261 = tpu.memref_slice %arg2[%dma_start3A_259, %dma_start3A_260] : memref<10000x128xf32, #tpu.memory_space<hbm>> -> memref<10000x128xf32, #tpu.memory_space<hbm>>
      tpu.enqueue_indirect_dma source(%dma_start3A_261 : memref<10000x128xf32, #tpu.memory_space<hbm>>) target(%arg10 : memref<80x128xf32, #tpu.memory_space<vmem>>) offsets(%dma_start3A_258 : memref<80xi32, #tpu.memory_space<vmem>>) semaphore(%arg14 : memref<!tpu.dma_semaphore, #tpu.memory_space<semaphore_mem>>)
      %gt3A_262 = arith.constant 0 : i32
      %gt3A_263 = arith.cmpi sgt, %add3A_207, %gt3A_262 : i32
      %convert_element_type3A_264 = arith.extui %gt3A_263 : i1 to i32
      %cond3A_265 = arith.constant 0 : i32
      %cond3A_266 = arith.cmpi ne, %convert_element_type3A_264, %cond3A_265 : i32
      scf.if %cond3A_266 {
        %dma_wait3A_397 = arith.constant 1 : i32
        %dma_wait3A_398 = arith.constant 0 : i32
        %dma_wait3A_399 = arith.constant 0 : i32
        %dma_wait3A_400 = tpu.memref_slice %arg6[%dma_wait3A_397, %dma_wait3A_398, %dma_wait3A_399] : memref<2x2x320xi32, #tpu.memory_space<vmem>> -> memref<1x2x320xi32, #tpu.memory_space<vmem>>
        %dma_wait3A_401 = tpu.memref_squeeze %dma_wait3A_400 : memref<1x2x320xi32, #tpu.memory_space<vmem>> -> memref<2x320xi32, #tpu.memory_space<vmem>>
        %dma_wait3A_402 = arith.constant 0 : i32
        %dma_wait3A_403 = tpu.memref_slice %dma_wait3A_401[%rem3A_208, %dma_wait3A_402] : memref<2x320xi32, #tpu.memory_space<vmem>> -> memref<1x320xi32, #tpu.memory_space<vmem>>
        %dma_wait3A_404 = tpu.memref_squeeze %dma_wait3A_403 : memref<1x320xi32, #tpu.memory_space<vmem>> -> memref<320xi32, #tpu.memory_space<vmem>>
        %dma_wait3A_405 = arith.constant 240 : i32
        %dma_wait3A_406 = tpu.memref_slice %dma_wait3A_404[%dma_wait3A_405] : memref<320xi32, #tpu.memory_space<vmem>> -> memref<80xi32, #tpu.memory_space<vmem>>
        %dma_wait3A_407 = arith.constant 0 : i32
        %dma_wait3A_408 = arith.constant 0 : i32
        %dma_wait3A_409 = tpu.memref_slice %arg12[%dma_wait3A_407, %dma_wait3A_408] : memref<10000x128xf32, #tpu.memory_space<vmem_shared>> -> memref<10000x128xf32, #tpu.memory_space<vmem_shared>>
        tpu.wait_indirect_dma semaphore(%arg18 : memref<!tpu.dma_semaphore, #tpu.memory_space<semaphore_mem>>) src(%arg11 : memref<80x128xf32, #tpu.memory_space<vmem>>) dst(%dma_wait3A_409 : memref<10000x128xf32, #tpu.memory_space<vmem_shared>>)
      } else {
      }
      %dma_start3A_267 = arith.constant 0 : i32
      %dma_start3A_268 = arith.constant 0 : i32
      %dma_start3A_269 = arith.constant 0 : i32
      %dma_start3A_270 = tpu.memref_slice %arg6[%dma_start3A_267, %dma_start3A_268, %dma_start3A_269] : memref<2x2x320xi32, #tpu.memory_space<vmem>> -> memref<1x2x320xi32, #tpu.memory_space<vmem>>
      %dma_start3A_271 = tpu.memref_squeeze %dma_start3A_270 : memref<1x2x320xi32, #tpu.memory_space<vmem>> -> memref<2x320xi32, #tpu.memory_space<vmem>>
      %dma_start3A_272 = arith.constant 0 : i32
      %dma_start3A_273 = tpu.memref_slice %dma_start3A_271[%rem3A_208, %dma_start3A_272] : memref<2x320xi32, #tpu.memory_space<vmem>> -> memref<1x320xi32, #tpu.memory_space<vmem>>
      %dma_start3A_274 = tpu.memref_squeeze %dma_start3A_273 : memref<1x320xi32, #tpu.memory_space<vmem>> -> memref<320xi32, #tpu.memory_space<vmem>>
      %dma_start3A_275 = arith.constant 240 : i32
      %dma_start3A_276 = tpu.memref_slice %dma_start3A_274[%dma_start3A_275] : memref<320xi32, #tpu.memory_space<vmem>> -> memref<80xi32, #tpu.memory_space<vmem>>
      %dma_start3A_277 = arith.constant 0 : i32
      %dma_start3A_278 = arith.constant 0 : i32
      %dma_start3A_279 = tpu.memref_slice %arg2[%dma_start3A_277, %dma_start3A_278] : memref<10000x128xf32, #tpu.memory_space<hbm>> -> memref<10000x128xf32, #tpu.memory_space<hbm>>
      tpu.enqueue_indirect_dma source(%dma_start3A_279 : memref<10000x128xf32, #tpu.memory_space<hbm>>) target(%arg11 : memref<80x128xf32, #tpu.memory_space<vmem>>) offsets(%dma_start3A_276 : memref<80xi32, #tpu.memory_space<vmem>>) semaphore(%arg14 : memref<!tpu.dma_semaphore, #tpu.memory_space<semaphore_mem>>)
      %add3A_280 = arith.constant 1 : i32
      %add3A_281 = arith.addi %add3A_207, %add3A_280 : i32
      %lt3A = arith.constant 31 : i32
      %lt3A_282 = arith.cmpi slt, %add3A_281, %lt3A : i32
      %convert_element_type3A_283 = arith.extui %lt3A_282 : i1 to i32
      %cond3A_284 = arith.constant 0 : i32
      %cond3A_285 = arith.cmpi ne, %convert_element_type3A_283, %cond3A_284 : i32
      scf.if %cond3A_285 {
        %add3A_397 = arith.constant 1 : i32
        %add3A_398 = arith.addi %add3A_207, %add3A_397 : i32
        %sub3A = arith.constant 1 : i32
        %sub3A_399 = arith.subi %sub3A, %rem3A_208 : i32
        %mul3A_400 = arith.constant 320 : i32
        %mul3A_401 = arith.muli %add3A_398, %mul3A_400 : i32
        %add3A_402 = arith.addi %mul3A_2, %mul3A_401 : i32
        %dma_start3A_403 = arith.constant 0 : i32
        %dma_start3A_404 = arith.constant 0 : i32
        %dma_start3A_405 = arith.constant 0 : i32
        %dma_start3A_406 = arith.constant 0 : i32
        %dma_start3A_407 = tpu.memref_slice %arg6[%dma_start3A_404, %dma_start3A_405, %dma_start3A_406] : memref<2x2x320xi32, #tpu.memory_space<vmem>> -> memref<1x2x320xi32, #tpu.memory_space<vmem>>
        %dma_start3A_408 = tpu.memref_squeeze %dma_start3A_407 : memref<1x2x320xi32, #tpu.memory_space<vmem>> -> memref<2x320xi32, #tpu.memory_space<vmem>>
        %dma_start3A_409 = arith.constant 0 : i32
        %dma_start3A_410 = tpu.memref_slice %dma_start3A_408[%sub3A_399, %dma_start3A_409] : memref<2x320xi32, #tpu.memory_space<vmem>> -> memref<1x320xi32, #tpu.memory_space<vmem>>
        %dma_start3A_411 = tpu.memref_squeeze %dma_start3A_410 : memref<1x320xi32, #tpu.memory_space<vmem>> -> memref<320xi32, #tpu.memory_space<vmem>>
        %dma_start3A_412 = arith.constant 0 : i32
        %dma_start3A_413 = tpu.memref_slice %arg4[%dma_start3A_403, %dma_start3A_412] : memref<2x320000xi32, #tpu.memory_space<hbm>> -> memref<1x320000xi32, #tpu.memory_space<hbm>>
        %dma_start3A_414 = tpu.memref_squeeze %dma_start3A_413 : memref<1x320000xi32, #tpu.memory_space<hbm>> -> memref<320000xi32, #tpu.memory_space<hbm>>
        %dma_start3A_415 = tpu.memref_slice %dma_start3A_414[%add3A_402] : memref<320000xi32, #tpu.memory_space<hbm>> -> memref<320xi32, #tpu.memory_space<hbm>>
        %dma_start3A_416 = arith.constant 0 : i32
        %dma_start3A_417 = arith.constant 0 : i32
        %dma_start3A_418 = tpu.memref_slice %arg6[%dma_start3A_404, %dma_start3A_416, %dma_start3A_417] : memref<2x2x320xi32, #tpu.memory_space<vmem>> -> memref<1x2x320xi32, #tpu.memory_space<vmem>>
        %dma_start3A_419 = tpu.memref_squeeze %dma_start3A_418 : memref<1x2x320xi32, #tpu.memory_space<vmem>> -> memref<2x320xi32, #tpu.memory_space<vmem>>
        %dma_start3A_420 = arith.constant 0 : i32
        %dma_start3A_421 = tpu.memref_slice %dma_start3A_419[%sub3A_399, %dma_start3A_420] : memref<2x320xi32, #tpu.memory_space<vmem>> -> memref<1x320xi32, #tpu.memory_space<vmem>>
        %dma_start3A_422 = tpu.memref_squeeze %dma_start3A_421 : memref<1x320xi32, #tpu.memory_space<vmem>> -> memref<320xi32, #tpu.memory_space<vmem>>
        %dma_start3A_423 = arith.constant 0 : i32
        %dma_start3A_424 = tpu.memref_slice %arg4[%dma_start3A_403, %dma_start3A_423] : memref<2x320000xi32, #tpu.memory_space<hbm>> -> memref<1x320000xi32, #tpu.memory_space<hbm>>
        %dma_start3A_425 = tpu.memref_squeeze %dma_start3A_424 : memref<1x320000xi32, #tpu.memory_space<hbm>> -> memref<320000xi32, #tpu.memory_space<hbm>>
        %dma_start3A_426 = tpu.memref_slice %dma_start3A_425[%add3A_402] : memref<320000xi32, #tpu.memory_space<hbm>> -> memref<320xi32, #tpu.memory_space<hbm>>
        tpu.enqueue_dma source(%dma_start3A_426 : memref<320xi32, #tpu.memory_space<hbm>>) target(%dma_start3A_422 : memref<320xi32, #tpu.memory_space<vmem>>) target_semaphore(%arg13 : memref<!tpu.dma_semaphore, #tpu.memory_space<semaphore_mem>>)
        %dma_start3A_427 = arith.constant 1 : i32
        %dma_start3A_428 = arith.constant 1 : i32
        %dma_start3A_429 = arith.constant 0 : i32
        %dma_start3A_430 = arith.constant 0 : i32
        %dma_start3A_431 = tpu.memref_slice %arg6[%dma_start3A_428, %dma_start3A_429, %dma_start3A_430] : memref<2x2x320xi32, #tpu.memory_space<vmem>> -> memref<1x2x320xi32, #tpu.memory_space<vmem>>
        %dma_start3A_432 = tpu.memref_squeeze %dma_start3A_431 : memref<1x2x320xi32, #tpu.memory_space<vmem>> -> memref<2x320xi32, #tpu.memory_space<vmem>>
        %dma_start3A_433 = arith.constant 0 : i32
        %dma_start3A_434 = tpu.memref_slice %dma_start3A_432[%sub3A_399, %dma_start3A_433] : memref<2x320xi32, #tpu.memory_space<vmem>> -> memref<1x320xi32, #tpu.memory_space<vmem>>
        %dma_start3A_435 = tpu.memref_squeeze %dma_start3A_434 : memref<1x320xi32, #tpu.memory_space<vmem>> -> memref<320xi32, #tpu.memory_space<vmem>>
        %dma_start3A_436 = arith.constant 0 : i32
        %dma_start3A_437 = tpu.memref_slice %arg4[%dma_start3A_427, %dma_start3A_436] : memref<2x320000xi32, #tpu.memory_space<hbm>> -> memref<1x320000xi32, #tpu.memory_space<hbm>>
        %dma_start3A_438 = tpu.memref_squeeze %dma_start3A_437 : memref<1x320000xi32, #tpu.memory_space<hbm>> -> memref<320000xi32, #tpu.memory_space<hbm>>
        %dma_start3A_439 = tpu.memref_slice %dma_start3A_438[%add3A_402] : memref<320000xi32, #tpu.memory_space<hbm>> -> memref<320xi32, #tpu.memory_space<hbm>>
        %dma_start3A_440 = arith.constant 0 : i32
        %dma_start3A_441 = arith.constant 0 : i32
        %dma_start3A_442 = tpu.memref_slice %arg6[%dma_start3A_428, %dma_start3A_440, %dma_start3A_441] : memref<2x2x320xi32, #tpu.memory_space<vmem>> -> memref<1x2x320xi32, #tpu.memory_space<vmem>>
        %dma_start3A_443 = tpu.memref_squeeze %dma_start3A_442 : memref<1x2x320xi32, #tpu.memory_space<vmem>> -> memref<2x320xi32, #tpu.memory_space<vmem>>
        %dma_start3A_444 = arith.constant 0 : i32
        %dma_start3A_445 = tpu.memref_slice %dma_start3A_443[%sub3A_399, %dma_start3A_444] : memref<2x320xi32, #tpu.memory_space<vmem>> -> memref<1x320xi32, #tpu.memory_space<vmem>>
        %dma_start3A_446 = tpu.memref_squeeze %dma_start3A_445 : memref<1x320xi32, #tpu.memory_space<vmem>> -> memref<320xi32, #tpu.memory_space<vmem>>
        %dma_start3A_447 = arith.constant 0 : i32
        %dma_start3A_448 = tpu.memref_slice %arg4[%dma_start3A_427, %dma_start3A_447] : memref<2x320000xi32, #tpu.memory_space<hbm>> -> memref<1x320000xi32, #tpu.memory_space<hbm>>
        %dma_start3A_449 = tpu.memref_squeeze %dma_start3A_448 : memref<1x320000xi32, #tpu.memory_space<hbm>> -> memref<320000xi32, #tpu.memory_space<hbm>>
        %dma_start3A_450 = tpu.memref_slice %dma_start3A_449[%add3A_402] : memref<320000xi32, #tpu.memory_space<hbm>> -> memref<320xi32, #tpu.memory_space<hbm>>
        tpu.enqueue_dma source(%dma_start3A_450 : memref<320xi32, #tpu.memory_space<hbm>>) target(%dma_start3A_446 : memref<320xi32, #tpu.memory_space<vmem>>) target_semaphore(%arg13 : memref<!tpu.dma_semaphore, #tpu.memory_space<semaphore_mem>>)
      } else {
      }
      %dma_wait3A_286 = arith.constant 0 : i32
      %dma_wait3A_287 = arith.constant 0 : i32
      %dma_wait3A_288 = arith.constant 0 : i32
      %dma_wait3A_289 = tpu.memref_slice %arg6[%dma_wait3A_286, %dma_wait3A_287, %dma_wait3A_288] : memref<2x2x320xi32, #tpu.memory_space<vmem>> -> memref<1x2x320xi32, #tpu.memory_space<vmem>>
      %dma_wait3A_290 = tpu.memref_squeeze %dma_wait3A_289 : memref<1x2x320xi32, #tpu.memory_space<vmem>> -> memref<2x320xi32, #tpu.memory_space<vmem>>
      %dma_wait3A_291 = arith.constant 0 : i32
      %dma_wait3A_292 = tpu.memref_slice %dma_wait3A_290[%rem3A_208, %dma_wait3A_291] : memref<2x320xi32, #tpu.memory_space<vmem>> -> memref<1x320xi32, #tpu.memory_space<vmem>>
      %dma_wait3A_293 = tpu.memref_squeeze %dma_wait3A_292 : memref<1x320xi32, #tpu.memory_space<vmem>> -> memref<320xi32, #tpu.memory_space<vmem>>
      %dma_wait3A_294 = arith.constant 0 : i32
      %dma_wait3A_295 = tpu.memref_slice %dma_wait3A_293[%dma_wait3A_294] : memref<320xi32, #tpu.memory_space<vmem>> -> memref<80xi32, #tpu.memory_space<vmem>>
      %dma_wait3A_296 = arith.constant 0 : i32
      %dma_wait3A_297 = arith.constant 0 : i32
      %dma_wait3A_298 = tpu.memref_slice %arg2[%dma_wait3A_296, %dma_wait3A_297] : memref<10000x128xf32, #tpu.memory_space<hbm>> -> memref<10000x128xf32, #tpu.memory_space<hbm>>
      tpu.wait_indirect_dma semaphore(%arg14 : memref<!tpu.dma_semaphore, #tpu.memory_space<semaphore_mem>>) src(%dma_wait3A_298 : memref<10000x128xf32, #tpu.memory_space<hbm>>) dst(%arg8 : memref<80x128xf32, #tpu.memory_space<vmem>>)
      %dma_start3A_299 = arith.constant 1 : i32
      %dma_start3A_300 = arith.constant 0 : i32
      %dma_start3A_301 = arith.constant 0 : i32
      %dma_start3A_302 = tpu.memref_slice %arg6[%dma_start3A_299, %dma_start3A_300, %dma_start3A_301] : memref<2x2x320xi32, #tpu.memory_space<vmem>> -> memref<1x2x320xi32, #tpu.memory_space<vmem>>
      %dma_start3A_303 = tpu.memref_squeeze %dma_start3A_302 : memref<1x2x320xi32, #tpu.memory_space<vmem>> -> memref<2x320xi32, #tpu.memory_space<vmem>>
      %dma_start3A_304 = arith.constant 0 : i32
      %dma_start3A_305 = tpu.memref_slice %dma_start3A_303[%rem3A_208, %dma_start3A_304] : memref<2x320xi32, #tpu.memory_space<vmem>> -> memref<1x320xi32, #tpu.memory_space<vmem>>
      %dma_start3A_306 = tpu.memref_squeeze %dma_start3A_305 : memref<1x320xi32, #tpu.memory_space<vmem>> -> memref<320xi32, #tpu.memory_space<vmem>>
      %dma_start3A_307 = arith.constant 0 : i32
      %dma_start3A_308 = tpu.memref_slice %dma_start3A_306[%dma_start3A_307] : memref<320xi32, #tpu.memory_space<vmem>> -> memref<80xi32, #tpu.memory_space<vmem>>
      %dma_start3A_309 = arith.constant 0 : i32
      %dma_start3A_310 = arith.constant 0 : i32
      %dma_start3A_311 = tpu.memref_slice %arg12[%dma_start3A_309, %dma_start3A_310] : memref<10000x128xf32, #tpu.memory_space<vmem_shared>> -> memref<10000x128xf32, #tpu.memory_space<vmem_shared>>
      tpu.enqueue_indirect_dma source(%arg8 : memref<80x128xf32, #tpu.memory_space<vmem>>) target(%dma_start3A_311 : memref<10000x128xf32, #tpu.memory_space<vmem_shared>>) offsets(%dma_start3A_308 : memref<80xi32, #tpu.memory_space<vmem>>) semaphore(%arg15 : memref<!tpu.dma_semaphore, #tpu.memory_space<semaphore_mem>>) {add = true}
      %dma_wait3A_312 = arith.constant 0 : i32
      %dma_wait3A_313 = arith.constant 0 : i32
      %dma_wait3A_314 = arith.constant 0 : i32
      %dma_wait3A_315 = tpu.memref_slice %arg6[%dma_wait3A_312, %dma_wait3A_313, %dma_wait3A_314] : memref<2x2x320xi32, #tpu.memory_space<vmem>> -> memref<1x2x320xi32, #tpu.memory_space<vmem>>
      %dma_wait3A_316 = tpu.memref_squeeze %dma_wait3A_315 : memref<1x2x320xi32, #tpu.memory_space<vmem>> -> memref<2x320xi32, #tpu.memory_space<vmem>>
      %dma_wait3A_317 = arith.constant 0 : i32
      %dma_wait3A_318 = tpu.memref_slice %dma_wait3A_316[%rem3A_208, %dma_wait3A_317] : memref<2x320xi32, #tpu.memory_space<vmem>> -> memref<1x320xi32, #tpu.memory_space<vmem>>
      %dma_wait3A_319 = tpu.memref_squeeze %dma_wait3A_318 : memref<1x320xi32, #tpu.memory_space<vmem>> -> memref<320xi32, #tpu.memory_space<vmem>>
      %dma_wait3A_320 = arith.constant 80 : i32
      %dma_wait3A_321 = tpu.memref_slice %dma_wait3A_319[%dma_wait3A_320] : memref<320xi32, #tpu.memory_space<vmem>> -> memref<80xi32, #tpu.memory_space<vmem>>
      %dma_wait3A_322 = arith.constant 0 : i32
      %dma_wait3A_323 = arith.constant 0 : i32
      %dma_wait3A_324 = tpu.memref_slice %arg2[%dma_wait3A_322, %dma_wait3A_323] : memref<10000x128xf32, #tpu.memory_space<hbm>> -> memref<10000x128xf32, #tpu.memory_space<hbm>>
      tpu.wait_indirect_dma semaphore(%arg14 : memref<!tpu.dma_semaphore, #tpu.memory_space<semaphore_mem>>) src(%dma_wait3A_324 : memref<10000x128xf32, #tpu.memory_space<hbm>>) dst(%arg9 : memref<80x128xf32, #tpu.memory_space<vmem>>)
      %dma_start3A_325 = arith.constant 1 : i32
      %dma_start3A_326 = arith.constant 0 : i32
      %dma_start3A_327 = arith.constant 0 : i32
      %dma_start3A_328 = tpu.memref_slice %arg6[%dma_start3A_325, %dma_start3A_326, %dma_start3A_327] : memref<2x2x320xi32, #tpu.memory_space<vmem>> -> memref<1x2x320xi32, #tpu.memory_space<vmem>>
      %dma_start3A_329 = tpu.memref_squeeze %dma_start3A_328 : memref<1x2x320xi32, #tpu.memory_space<vmem>> -> memref<2x320xi32, #tpu.memory_space<vmem>>
      %dma_start3A_330 = arith.constant 0 : i32
      %dma_start3A_331 = tpu.memref_slice %dma_start3A_329[%rem3A_208, %dma_start3A_330] : memref<2x320xi32, #tpu.memory_space<vmem>> -> memref<1x320xi32, #tpu.memory_space<vmem>>
      %dma_start3A_332 = tpu.memref_squeeze %dma_start3A_331 : memref<1x320xi32, #tpu.memory_space<vmem>> -> memref<320xi32, #tpu.memory_space<vmem>>
      %dma_start3A_333 = arith.constant 80 : i32
      %dma_start3A_334 = tpu.memref_slice %dma_start3A_332[%dma_start3A_333] : memref<320xi32, #tpu.memory_space<vmem>> -> memref<80xi32, #tpu.memory_space<vmem>>
      %dma_start3A_335 = arith.constant 0 : i32
      %dma_start3A_336 = arith.constant 0 : i32
      %dma_start3A_337 = tpu.memref_slice %arg12[%dma_start3A_335, %dma_start3A_336] : memref<10000x128xf32, #tpu.memory_space<vmem_shared>> -> memref<10000x128xf32, #tpu.memory_space<vmem_shared>>
      tpu.enqueue_indirect_dma source(%arg9 : memref<80x128xf32, #tpu.memory_space<vmem>>) target(%dma_start3A_337 : memref<10000x128xf32, #tpu.memory_space<vmem_shared>>) offsets(%dma_start3A_334 : memref<80xi32, #tpu.memory_space<vmem>>) semaphore(%arg16 : memref<!tpu.dma_semaphore, #tpu.memory_space<semaphore_mem>>) {add = true}
      %dma_wait3A_338 = arith.constant 0 : i32
      %dma_wait3A_339 = arith.constant 0 : i32
      %dma_wait3A_340 = arith.constant 0 : i32
      %dma_wait3A_341 = tpu.memref_slice %arg6[%dma_wait3A_338, %dma_wait3A_339, %dma_wait3A_340] : memref<2x2x320xi32, #tpu.memory_space<vmem>> -> memref<1x2x320xi32, #tpu.memory_space<vmem>>
      %dma_wait3A_342 = tpu.memref_squeeze %dma_wait3A_341 : memref<1x2x320xi32, #tpu.memory_space<vmem>> -> memref<2x320xi32, #tpu.memory_space<vmem>>
      %dma_wait3A_343 = arith.constant 0 : i32
      %dma_wait3A_344 = tpu.memref_slice %dma_wait3A_342[%rem3A_208, %dma_wait3A_343] : memref<2x320xi32, #tpu.memory_space<vmem>> -> memref<1x320xi32, #tpu.memory_space<vmem>>
      %dma_wait3A_345 = tpu.memref_squeeze %dma_wait3A_344 : memref<1x320xi32, #tpu.memory_space<vmem>> -> memref<320xi32, #tpu.memory_space<vmem>>
      %dma_wait3A_346 = arith.constant 160 : i32
      %dma_wait3A_347 = tpu.memref_slice %dma_wait3A_345[%dma_wait3A_346] : memref<320xi32, #tpu.memory_space<vmem>> -> memref<80xi32, #tpu.memory_space<vmem>>
      %dma_wait3A_348 = arith.constant 0 : i32
      %dma_wait3A_349 = arith.constant 0 : i32
      %dma_wait3A_350 = tpu.memref_slice %arg2[%dma_wait3A_348, %dma_wait3A_349] : memref<10000x128xf32, #tpu.memory_space<hbm>> -> memref<10000x128xf32, #tpu.memory_space<hbm>>
      tpu.wait_indirect_dma semaphore(%arg14 : memref<!tpu.dma_semaphore, #tpu.memory_space<semaphore_mem>>) src(%dma_wait3A_350 : memref<10000x128xf32, #tpu.memory_space<hbm>>) dst(%arg10 : memref<80x128xf32, #tpu.memory_space<vmem>>)
      %dma_start3A_351 = arith.constant 1 : i32
      %dma_start3A_352 = arith.constant 0 : i32
      %dma_start3A_353 = arith.constant 0 : i32
      %dma_start3A_354 = tpu.memref_slice %arg6[%dma_start3A_351, %dma_start3A_352, %dma_start3A_353] : memref<2x2x320xi32, #tpu.memory_space<vmem>> -> memref<1x2x320xi32, #tpu.memory_space<vmem>>
      %dma_start3A_355 = tpu.memref_squeeze %dma_start3A_354 : memref<1x2x320xi32, #tpu.memory_space<vmem>> -> memref<2x320xi32, #tpu.memory_space<vmem>>
      %dma_start3A_356 = arith.constant 0 : i32
      %dma_start3A_357 = tpu.memref_slice %dma_start3A_355[%rem3A_208, %dma_start3A_356] : memref<2x320xi32, #tpu.memory_space<vmem>> -> memref<1x320xi32, #tpu.memory_space<vmem>>
      %dma_start3A_358 = tpu.memref_squeeze %dma_start3A_357 : memref<1x320xi32, #tpu.memory_space<vmem>> -> memref<320xi32, #tpu.memory_space<vmem>>
      %dma_start3A_359 = arith.constant 160 : i32
      %dma_start3A_360 = tpu.memref_slice %dma_start3A_358[%dma_start3A_359] : memref<320xi32, #tpu.memory_space<vmem>> -> memref<80xi32, #tpu.memory_space<vmem>>
      %dma_start3A_361 = arith.constant 0 : i32
      %dma_start3A_362 = arith.constant 0 : i32
      %dma_start3A_363 = tpu.memref_slice %arg12[%dma_start3A_361, %dma_start3A_362] : memref<10000x128xf32, #tpu.memory_space<vmem_shared>> -> memref<10000x128xf32, #tpu.memory_space<vmem_shared>>
      tpu.enqueue_indirect_dma source(%arg10 : memref<80x128xf32, #tpu.memory_space<vmem>>) target(%dma_start3A_363 : memref<10000x128xf32, #tpu.memory_space<vmem_shared>>) offsets(%dma_start3A_360 : memref<80xi32, #tpu.memory_space<vmem>>) semaphore(%arg17 : memref<!tpu.dma_semaphore, #tpu.memory_space<semaphore_mem>>) {add = true}
      %dma_wait3A_364 = arith.constant 0 : i32
      %dma_wait3A_365 = arith.constant 0 : i32
      %dma_wait3A_366 = arith.constant 0 : i32
      %dma_wait3A_367 = tpu.memref_slice %arg6[%dma_wait3A_364, %dma_wait3A_365, %dma_wait3A_366] : memref<2x2x320xi32, #tpu.memory_space<vmem>> -> memref<1x2x320xi32, #tpu.memory_space<vmem>>
      %dma_wait3A_368 = tpu.memref_squeeze %dma_wait3A_367 : memref<1x2x320xi32, #tpu.memory_space<vmem>> -> memref<2x320xi32, #tpu.memory_space<vmem>>
      %dma_wait3A_369 = arith.constant 0 : i32
      %dma_wait3A_370 = tpu.memref_slice %dma_wait3A_368[%rem3A_208, %dma_wait3A_369] : memref<2x320xi32, #tpu.memory_space<vmem>> -> memref<1x320xi32, #tpu.memory_space<vmem>>
      %dma_wait3A_371 = tpu.memref_squeeze %dma_wait3A_370 : memref<1x320xi32, #tpu.memory_space<vmem>> -> memref<320xi32, #tpu.memory_space<vmem>>
      %dma_wait3A_372 = arith.constant 240 : i32
      %dma_wait3A_373 = tpu.memref_slice %dma_wait3A_371[%dma_wait3A_372] : memref<320xi32, #tpu.memory_space<vmem>> -> memref<80xi32, #tpu.memory_space<vmem>>
      %dma_wait3A_374 = arith.constant 0 : i32
      %dma_wait3A_375 = arith.constant 0 : i32
      %dma_wait3A_376 = tpu.memref_slice %arg2[%dma_wait3A_374, %dma_wait3A_375] : memref<10000x128xf32, #tpu.memory_space<hbm>> -> memref<10000x128xf32, #tpu.memory_space<hbm>>
      tpu.wait_indirect_dma semaphore(%arg14 : memref<!tpu.dma_semaphore, #tpu.memory_space<semaphore_mem>>) src(%dma_wait3A_376 : memref<10000x128xf32, #tpu.memory_space<hbm>>) dst(%arg11 : memref<80x128xf32, #tpu.memory_space<vmem>>)
      %dma_start3A_377 = arith.constant 1 : i32
      %dma_start3A_378 = arith.constant 0 : i32
      %dma_start3A_379 = arith.constant 0 : i32
      %dma_start3A_380 = tpu.memref_slice %arg6[%dma_start3A_377, %dma_start3A_378, %dma_start3A_379] : memref<2x2x320xi32, #tpu.memory_space<vmem>> -> memref<1x2x320xi32, #tpu.memory_space<vmem>>
      %dma_start3A_381 = tpu.memref_squeeze %dma_start3A_380 : memref<1x2x320xi32, #tpu.memory_space<vmem>> -> memref<2x320xi32, #tpu.memory_space<vmem>>
      %dma_start3A_382 = arith.constant 0 : i32
      %dma_start3A_383 = tpu.memref_slice %dma_start3A_381[%rem3A_208, %dma_start3A_382] : memref<2x320xi32, #tpu.memory_space<vmem>> -> memref<1x320xi32, #tpu.memory_space<vmem>>
      %dma_start3A_384 = tpu.memref_squeeze %dma_start3A_383 : memref<1x320xi32, #tpu.memory_space<vmem>> -> memref<320xi32, #tpu.memory_space<vmem>>
      %dma_start3A_385 = arith.constant 240 : i32
      %dma_start3A_386 = tpu.memref_slice %dma_start3A_384[%dma_start3A_385] : memref<320xi32, #tpu.memory_space<vmem>> -> memref<80xi32, #tpu.memory_space<vmem>>
      %dma_start3A_387 = arith.constant 0 : i32
      %dma_start3A_388 = arith.constant 0 : i32
      %dma_start3A_389 = tpu.memref_slice %arg12[%dma_start3A_387, %dma_start3A_388] : memref<10000x128xf32, #tpu.memory_space<vmem_shared>> -> memref<10000x128xf32, #tpu.memory_space<vmem_shared>>
      tpu.enqueue_indirect_dma source(%arg11 : memref<80x128xf32, #tpu.memory_space<vmem>>) target(%dma_start3A_389 : memref<10000x128xf32, #tpu.memory_space<vmem_shared>>) offsets(%dma_start3A_386 : memref<80xi32, #tpu.memory_space<vmem>>) semaphore(%arg18 : memref<!tpu.dma_semaphore, #tpu.memory_space<semaphore_mem>>) {add = true}
      %add3A_390 = arith.constant 1 : i32
      %add3A_391 = arith.addi %add3A_207, %add3A_390 : i32
      %lt3A_392 = arith.constant 31 : i32
      %lt3A_393 = arith.cmpi slt, %add3A_391, %lt3A_392 : i32
      %convert_element_type3A_394 = arith.extui %lt3A_393 : i1 to i32
      %cond3A_395 = arith.constant 0 : i32
      %cond3A_396 = arith.cmpi ne, %convert_element_type3A_394, %cond3A_395 : i32
      scf.if %cond3A_396 {
        %sub3A = arith.constant 1 : i32
        %sub3A_397 = arith.subi %sub3A, %rem3A_208 : i32
        %dma_wait3A_398 = arith.constant 0 : i32
        %dma_wait3A_399 = arith.constant 0 : i32
        %dma_wait3A_400 = arith.constant 0 : i32
        %dma_wait3A_401 = arith.constant 0 : i32
        %dma_wait3A_402 = tpu.memref_slice %arg6[%dma_wait3A_399, %dma_wait3A_400, %dma_wait3A_401] : memref<2x2x320xi32, #tpu.memory_space<vmem>> -> memref<1x2x320xi32, #tpu.memory_space<vmem>>
        %dma_wait3A_403 = tpu.memref_squeeze %dma_wait3A_402 : memref<1x2x320xi32, #tpu.memory_space<vmem>> -> memref<2x320xi32, #tpu.memory_space<vmem>>
        %dma_wait3A_404 = arith.constant 0 : i32
        %dma_wait3A_405 = tpu.memref_slice %dma_wait3A_403[%sub3A_397, %dma_wait3A_404] : memref<2x320xi32, #tpu.memory_space<vmem>> -> memref<1x320xi32, #tpu.memory_space<vmem>>
        %dma_wait3A_406 = tpu.memref_squeeze %dma_wait3A_405 : memref<1x320xi32, #tpu.memory_space<vmem>> -> memref<320xi32, #tpu.memory_space<vmem>>
        %dma_wait3A_407 = arith.constant 0 : i32
        %dma_wait3A_408 = tpu.memref_slice %arg4[%dma_wait3A_398, %dma_wait3A_407] : memref<2x320000xi32, #tpu.memory_space<hbm>> -> memref<1x320000xi32, #tpu.memory_space<hbm>>
        %dma_wait3A_409 = tpu.memref_squeeze %dma_wait3A_408 : memref<1x320000xi32, #tpu.memory_space<hbm>> -> memref<320000xi32, #tpu.memory_space<hbm>>
        %dma_wait3A_410 = tpu.memref_slice %dma_wait3A_409[%mul3A_2] : memref<320000xi32, #tpu.memory_space<hbm>> -> memref<320xi32, #tpu.memory_space<hbm>>
        %dma_wait3A_411 = arith.constant 0 : i32
        %dma_wait3A_412 = arith.constant 0 : i32
        %dma_wait3A_413 = tpu.memref_slice %arg6[%dma_wait3A_399, %dma_wait3A_411, %dma_wait3A_412] : memref<2x2x320xi32, #tpu.memory_space<vmem>> -> memref<1x2x320xi32, #tpu.memory_space<vmem>>
        %dma_wait3A_414 = tpu.memref_squeeze %dma_wait3A_413 : memref<1x2x320xi32, #tpu.memory_space<vmem>> -> memref<2x320xi32, #tpu.memory_space<vmem>>
        %dma_wait3A_415 = arith.constant 0 : i32
        %dma_wait3A_416 = tpu.memref_slice %dma_wait3A_414[%sub3A_397, %dma_wait3A_415] : memref<2x320xi32, #tpu.memory_space<vmem>> -> memref<1x320xi32, #tpu.memory_space<vmem>>
        %dma_wait3A_417 = tpu.memref_squeeze %dma_wait3A_416 : memref<1x320xi32, #tpu.memory_space<vmem>> -> memref<320xi32, #tpu.memory_space<vmem>>
        %dma_wait3A_418 = arith.constant 0 : i32
        %dma_wait3A_419 = tpu.memref_slice %arg4[%dma_wait3A_398, %dma_wait3A_418] : memref<2x320000xi32, #tpu.memory_space<hbm>> -> memref<1x320000xi32, #tpu.memory_space<hbm>>
        %dma_wait3A_420 = tpu.memref_squeeze %dma_wait3A_419 : memref<1x320000xi32, #tpu.memory_space<hbm>> -> memref<320000xi32, #tpu.memory_space<hbm>>
        %dma_wait3A_421 = tpu.memref_slice %dma_wait3A_420[%mul3A_2] : memref<320000xi32, #tpu.memory_space<hbm>> -> memref<320xi32, #tpu.memory_space<hbm>>
        tpu.wait_dma2 semaphore(%arg13 : memref<!tpu.dma_semaphore, #tpu.memory_space<semaphore_mem>>) src(%dma_wait3A_421 : memref<320xi32, #tpu.memory_space<hbm>>) dst(%dma_wait3A_417 : memref<320xi32, #tpu.memory_space<vmem>>)
        %sub3A_422 = arith.constant 1 : i32
        %sub3A_423 = arith.subi %sub3A_422, %rem3A_208 : i32
        %dma_wait3A_424 = arith.constant 1 : i32
        %dma_wait3A_425 = arith.constant 1 : i32
        %dma_wait3A_426 = arith.constant 0 : i32
        %dma_wait3A_427 = arith.constant 0 : i32
        %dma_wait3A_428 = tpu.memref_slice %arg6[%dma_wait3A_425, %dma_wait3A_426, %dma_wait3A_427] : memref<2x2x320xi32, #tpu.memory_space<vmem>> -> memref<1x2x320xi32, #tpu.memory_space<vmem>>
        %dma_wait3A_429 = tpu.memref_squeeze %dma_wait3A_428 : memref<1x2x320xi32, #tpu.memory_space<vmem>> -> memref<2x320xi32, #tpu.memory_space<vmem>>
        %dma_wait3A_430 = arith.constant 0 : i32
        %dma_wait3A_431 = tpu.memref_slice %dma_wait3A_429[%sub3A_423, %dma_wait3A_430] : memref<2x320xi32, #tpu.memory_space<vmem>> -> memref<1x320xi32, #tpu.memory_space<vmem>>
        %dma_wait3A_432 = tpu.memref_squeeze %dma_wait3A_431 : memref<1x320xi32, #tpu.memory_space<vmem>> -> memref<320xi32, #tpu.memory_space<vmem>>
        %dma_wait3A_433 = arith.constant 0 : i32
        %dma_wait3A_434 = tpu.memref_slice %arg4[%dma_wait3A_424, %dma_wait3A_433] : memref<2x320000xi32, #tpu.memory_space<hbm>> -> memref<1x320000xi32, #tpu.memory_space<hbm>>
        %dma_wait3A_435 = tpu.memref_squeeze %dma_wait3A_434 : memref<1x320000xi32, #tpu.memory_space<hbm>> -> memref<320000xi32, #tpu.memory_space<hbm>>
        %dma_wait3A_436 = tpu.memref_slice %dma_wait3A_435[%mul3A_2] : memref<320000xi32, #tpu.memory_space<hbm>> -> memref<320xi32, #tpu.memory_space<hbm>>
        %dma_wait3A_437 = arith.constant 0 : i32
        %dma_wait3A_438 = arith.constant 0 : i32
        %dma_wait3A_439 = tpu.memref_slice %arg6[%dma_wait3A_425, %dma_wait3A_437, %dma_wait3A_438] : memref<2x2x320xi32, #tpu.memory_space<vmem>> -> memref<1x2x320xi32, #tpu.memory_space<vmem>>
        %dma_wait3A_440 = tpu.memref_squeeze %dma_wait3A_439 : memref<1x2x320xi32, #tpu.memory_space<vmem>> -> memref<2x320xi32, #tpu.memory_space<vmem>>
        %dma_wait3A_441 = arith.constant 0 : i32
        %dma_wait3A_442 = tpu.memref_slice %dma_wait3A_440[%sub3A_423, %dma_wait3A_441] : memref<2x320xi32, #tpu.memory_space<vmem>> -> memref<1x320xi32, #tpu.memory_space<vmem>>
        %dma_wait3A_443 = tpu.memref_squeeze %dma_wait3A_442 : memref<1x320xi32, #tpu.memory_space<vmem>> -> memref<320xi32, #tpu.memory_space<vmem>>
        %dma_wait3A_444 = arith.constant 0 : i32
        %dma_wait3A_445 = tpu.memref_slice %arg4[%dma_wait3A_424, %dma_wait3A_444] : memref<2x320000xi32, #tpu.memory_space<hbm>> -> memref<1x320000xi32, #tpu.memory_space<hbm>>
        %dma_wait3A_446 = tpu.memref_squeeze %dma_wait3A_445 : memref<1x320000xi32, #tpu.memory_space<hbm>> -> memref<320000xi32, #tpu.memory_space<hbm>>
        %dma_wait3A_447 = tpu.memref_slice %dma_wait3A_446[%mul3A_2] : memref<320000xi32, #tpu.memory_space<hbm>> -> memref<320xi32, #tpu.memory_space<hbm>>
        tpu.wait_dma2 semaphore(%arg13 : memref<!tpu.dma_semaphore, #tpu.memory_space<semaphore_mem>>) src(%dma_wait3A_447 : memref<320xi32, #tpu.memory_space<hbm>>) dst(%dma_wait3A_443 : memref<320xi32, #tpu.memory_space<vmem>>)
      } else {
      }
    }
    %scan3A_112 = arith.constant 31 : i32
    %dma_wait3A_113 = arith.constant 1 : i32
    %dma_wait3A_114 = arith.constant 0 : i32
    %dma_wait3A_115 = arith.constant 0 : i32
    %dma_wait3A_116 = arith.constant 0 : i32
    %dma_wait3A_117 = tpu.memref_slice %arg6[%dma_wait3A_113, %dma_wait3A_115, %dma_wait3A_116] : memref<2x2x320xi32, #tpu.memory_space<vmem>> -> memref<1x2x320xi32, #tpu.memory_space<vmem>>
    %dma_wait3A_118 = tpu.memref_squeeze %dma_wait3A_117 : memref<1x2x320xi32, #tpu.memory_space<vmem>> -> memref<2x320xi32, #tpu.memory_space<vmem>>
    %dma_wait3A_119 = arith.constant 0 : i32
    %dma_wait3A_120 = tpu.memref_slice %dma_wait3A_118[%dma_wait3A_114, %dma_wait3A_119] : memref<2x320xi32, #tpu.memory_space<vmem>> -> memref<1x320xi32, #tpu.memory_space<vmem>>
    %dma_wait3A_121 = tpu.memref_squeeze %dma_wait3A_120 : memref<1x320xi32, #tpu.memory_space<vmem>> -> memref<320xi32, #tpu.memory_space<vmem>>
    %dma_wait3A_122 = arith.constant 0 : i32
    %dma_wait3A_123 = tpu.memref_slice %dma_wait3A_121[%dma_wait3A_122] : memref<320xi32, #tpu.memory_space<vmem>> -> memref<80xi32, #tpu.memory_space<vmem>>
    %dma_wait3A_124 = arith.constant 0 : i32
    %dma_wait3A_125 = arith.constant 0 : i32
    %dma_wait3A_126 = tpu.memref_slice %arg12[%dma_wait3A_124, %dma_wait3A_125] : memref<10000x128xf32, #tpu.memory_space<vmem_shared>> -> memref<10000x128xf32, #tpu.memory_space<vmem_shared>>
    tpu.wait_indirect_dma semaphore(%arg15 : memref<!tpu.dma_semaphore, #tpu.memory_space<semaphore_mem>>) src(%arg8 : memref<80x128xf32, #tpu.memory_space<vmem>>) dst(%dma_wait3A_126 : memref<10000x128xf32, #tpu.memory_space<vmem_shared>>)
    %dma_wait3A_127 = arith.constant 1 : i32
    %dma_wait3A_128 = arith.constant 0 : i32
    %dma_wait3A_129 = arith.constant 0 : i32
    %dma_wait3A_130 = arith.constant 0 : i32
    %dma_wait3A_131 = tpu.memref_slice %arg6[%dma_wait3A_127, %dma_wait3A_129, %dma_wait3A_130] : memref<2x2x320xi32, #tpu.memory_space<vmem>> -> memref<1x2x320xi32, #tpu.memory_space<vmem>>
    %dma_wait3A_132 = tpu.memref_squeeze %dma_wait3A_131 : memref<1x2x320xi32, #tpu.memory_space<vmem>> -> memref<2x320xi32, #tpu.memory_space<vmem>>
    %dma_wait3A_133 = arith.constant 0 : i32
    %dma_wait3A_134 = tpu.memref_slice %dma_wait3A_132[%dma_wait3A_128, %dma_wait3A_133] : memref<2x320xi32, #tpu.memory_space<vmem>> -> memref<1x320xi32, #tpu.memory_space<vmem>>
    %dma_wait3A_135 = tpu.memref_squeeze %dma_wait3A_134 : memref<1x320xi32, #tpu.memory_space<vmem>> -> memref<320xi32, #tpu.memory_space<vmem>>
    %dma_wait3A_136 = arith.constant 80 : i32
    %dma_wait3A_137 = tpu.memref_slice %dma_wait3A_135[%dma_wait3A_136] : memref<320xi32, #tpu.memory_space<vmem>> -> memref<80xi32, #tpu.memory_space<vmem>>
    %dma_wait3A_138 = arith.constant 0 : i32
    %dma_wait3A_139 = arith.constant 0 : i32
    %dma_wait3A_140 = tpu.memref_slice %arg12[%dma_wait3A_138, %dma_wait3A_139] : memref<10000x128xf32, #tpu.memory_space<vmem_shared>> -> memref<10000x128xf32, #tpu.memory_space<vmem_shared>>
    tpu.wait_indirect_dma semaphore(%arg16 : memref<!tpu.dma_semaphore, #tpu.memory_space<semaphore_mem>>) src(%arg9 : memref<80x128xf32, #tpu.memory_space<vmem>>) dst(%dma_wait3A_140 : memref<10000x128xf32, #tpu.memory_space<vmem_shared>>)
    %dma_wait3A_141 = arith.constant 1 : i32
    %dma_wait3A_142 = arith.constant 0 : i32
    %dma_wait3A_143 = arith.constant 0 : i32
    %dma_wait3A_144 = arith.constant 0 : i32
    %dma_wait3A_145 = tpu.memref_slice %arg6[%dma_wait3A_141, %dma_wait3A_143, %dma_wait3A_144] : memref<2x2x320xi32, #tpu.memory_space<vmem>> -> memref<1x2x320xi32, #tpu.memory_space<vmem>>
    %dma_wait3A_146 = tpu.memref_squeeze %dma_wait3A_145 : memref<1x2x320xi32, #tpu.memory_space<vmem>> -> memref<2x320xi32, #tpu.memory_space<vmem>>
    %dma_wait3A_147 = arith.constant 0 : i32
    %dma_wait3A_148 = tpu.memref_slice %dma_wait3A_146[%dma_wait3A_142, %dma_wait3A_147] : memref<2x320xi32, #tpu.memory_space<vmem>> -> memref<1x320xi32, #tpu.memory_space<vmem>>
    %dma_wait3A_149 = tpu.memref_squeeze %dma_wait3A_148 : memref<1x320xi32, #tpu.memory_space<vmem>> -> memref<320xi32, #tpu.memory_space<vmem>>
    %dma_wait3A_150 = arith.constant 160 : i32
    %dma_wait3A_151 = tpu.memref_slice %dma_wait3A_149[%dma_wait3A_150] : memref<320xi32, #tpu.memory_space<vmem>> -> memref<80xi32, #tpu.memory_space<vmem>>
    %dma_wait3A_152 = arith.constant 0 : i32
    %dma_wait3A_153 = arith.constant 0 : i32
    %dma_wait3A_154 = tpu.memref_slice %arg12[%dma_wait3A_152, %dma_wait3A_153] : memref<10000x128xf32, #tpu.memory_space<vmem_shared>> -> memref<10000x128xf32, #tpu.memory_space<vmem_shared>>
    tpu.wait_indirect_dma semaphore(%arg17 : memref<!tpu.dma_semaphore, #tpu.memory_space<semaphore_mem>>) src(%arg10 : memref<80x128xf32, #tpu.memory_space<vmem>>) dst(%dma_wait3A_154 : memref<10000x128xf32, #tpu.memory_space<vmem_shared>>)
    %dma_wait3A_155 = arith.constant 1 : i32
    %dma_wait3A_156 = arith.constant 0 : i32
    %dma_wait3A_157 = arith.constant 0 : i32
    %dma_wait3A_158 = arith.constant 0 : i32
    %dma_wait3A_159 = tpu.memref_slice %arg6[%dma_wait3A_155, %dma_wait3A_157, %dma_wait3A_158] : memref<2x2x320xi32, #tpu.memory_space<vmem>> -> memref<1x2x320xi32, #tpu.memory_space<vmem>>
    %dma_wait3A_160 = tpu.memref_squeeze %dma_wait3A_159 : memref<1x2x320xi32, #tpu.memory_space<vmem>> -> memref<2x320xi32, #tpu.memory_space<vmem>>
    %dma_wait3A_161 = arith.constant 0 : i32
    %dma_wait3A_162 = tpu.memref_slice %dma_wait3A_160[%dma_wait3A_156, %dma_wait3A_161] : memref<2x320xi32, #tpu.memory_space<vmem>> -> memref<1x320xi32, #tpu.memory_space<vmem>>
    %dma_wait3A_163 = tpu.memref_squeeze %dma_wait3A_162 : memref<1x320xi32, #tpu.memory_space<vmem>> -> memref<320xi32, #tpu.memory_space<vmem>>
    %dma_wait3A_164 = arith.constant 240 : i32
    %dma_wait3A_165 = tpu.memref_slice %dma_wait3A_163[%dma_wait3A_164] : memref<320xi32, #tpu.memory_space<vmem>> -> memref<80xi32, #tpu.memory_space<vmem>>
    %dma_wait3A_166 = arith.constant 0 : i32
    %dma_wait3A_167 = arith.constant 0 : i32
    %dma_wait3A_168 = tpu.memref_slice %arg12[%dma_wait3A_166, %dma_wait3A_167] : memref<10000x128xf32, #tpu.memory_space<vmem_shared>> -> memref<10000x128xf32, #tpu.memory_space<vmem_shared>>
    tpu.wait_indirect_dma semaphore(%arg18 : memref<!tpu.dma_semaphore, #tpu.memory_space<semaphore_mem>>) src(%arg11 : memref<80x128xf32, #tpu.memory_space<vmem>>) dst(%dma_wait3A_168 : memref<10000x128xf32, #tpu.memory_space<vmem_shared>>)
    %add3A_169 = arith.constant 9920 : i32
    %add3A_170 = arith.addi %mul3A_2, %add3A_169 : i32
    %run_scoped3A = arith.constant 0 : i32
    %run_scoped3A_171 = arith.constant 0 : i32
    "tpu.region"() ({
      %run_scoped3A_203 = tpu.sem_alloc : memref<!tpu.dma_semaphore, #tpu.memory_space<semaphore_mem>>
      %dma_start3A_204 = arith.constant 0 : i32
      %dma_start3A_205 = tpu.memref_slice %arg7[%run_scoped3A_171, %dma_start3A_204] : memref<2x80xi32, #tpu.memory_space<vmem>> -> memref<1x80xi32, #tpu.memory_space<vmem>>
      %dma_start3A_206 = tpu.memref_squeeze %dma_start3A_205 : memref<1x80xi32, #tpu.memory_space<vmem>> -> memref<80xi32, #tpu.memory_space<vmem>>
      %dma_start3A_207 = arith.constant 0 : i32
      %dma_start3A_208 = tpu.memref_slice %arg4[%run_scoped3A, %dma_start3A_207] : memref<2x320000xi32, #tpu.memory_space<hbm>> -> memref<1x320000xi32, #tpu.memory_space<hbm>>
      %dma_start3A_209 = tpu.memref_squeeze %dma_start3A_208 : memref<1x320000xi32, #tpu.memory_space<hbm>> -> memref<320000xi32, #tpu.memory_space<hbm>>
      %dma_start3A_210 = tpu.memref_slice %dma_start3A_209[%add3A_170] : memref<320000xi32, #tpu.memory_space<hbm>> -> memref<80xi32, #tpu.memory_space<hbm>>
      %dma_start3A_211 = arith.constant 0 : i32
      %dma_start3A_212 = tpu.memref_slice %arg7[%run_scoped3A_171, %dma_start3A_211] : memref<2x80xi32, #tpu.memory_space<vmem>> -> memref<1x80xi32, #tpu.memory_space<vmem>>
      %dma_start3A_213 = tpu.memref_squeeze %dma_start3A_212 : memref<1x80xi32, #tpu.memory_space<vmem>> -> memref<80xi32, #tpu.memory_space<vmem>>
      %dma_start3A_214 = arith.constant 0 : i32
      %dma_start3A_215 = tpu.memref_slice %arg4[%run_scoped3A, %dma_start3A_214] : memref<2x320000xi32, #tpu.memory_space<hbm>> -> memref<1x320000xi32, #tpu.memory_space<hbm>>
      %dma_start3A_216 = tpu.memref_squeeze %dma_start3A_215 : memref<1x320000xi32, #tpu.memory_space<hbm>> -> memref<320000xi32, #tpu.memory_space<hbm>>
      %dma_start3A_217 = tpu.memref_slice %dma_start3A_216[%add3A_170] : memref<320000xi32, #tpu.memory_space<hbm>> -> memref<80xi32, #tpu.memory_space<hbm>>
      tpu.enqueue_dma source(%dma_start3A_217 : memref<80xi32, #tpu.memory_space<hbm>>) target(%dma_start3A_213 : memref<80xi32, #tpu.memory_space<vmem>>) target_semaphore(%run_scoped3A_203 : memref<!tpu.dma_semaphore, #tpu.memory_space<semaphore_mem>>)
      %dma_wait3A_218 = arith.constant 0 : i32
      %dma_wait3A_219 = tpu.memref_slice %arg7[%run_scoped3A_171, %dma_wait3A_218] : memref<2x80xi32, #tpu.memory_space<vmem>> -> memref<1x80xi32, #tpu.memory_space<vmem>>
      %dma_wait3A_220 = tpu.memref_squeeze %dma_wait3A_219 : memref<1x80xi32, #tpu.memory_space<vmem>> -> memref<80xi32, #tpu.memory_space<vmem>>
      %dma_wait3A_221 = arith.constant 0 : i32
      %dma_wait3A_222 = tpu.memref_slice %arg4[%run_scoped3A, %dma_wait3A_221] : memref<2x320000xi32, #tpu.memory_space<hbm>> -> memref<1x320000xi32, #tpu.memory_space<hbm>>
      %dma_wait3A_223 = tpu.memref_squeeze %dma_wait3A_222 : memref<1x320000xi32, #tpu.memory_space<hbm>> -> memref<320000xi32, #tpu.memory_space<hbm>>
      %dma_wait3A_224 = tpu.memref_slice %dma_wait3A_223[%add3A_170] : memref<320000xi32, #tpu.memory_space<hbm>> -> memref<80xi32, #tpu.memory_space<hbm>>
      %dma_wait3A_225 = arith.constant 0 : i32
      %dma_wait3A_226 = tpu.memref_slice %arg7[%run_scoped3A_171, %dma_wait3A_225] : memref<2x80xi32, #tpu.memory_space<vmem>> -> memref<1x80xi32, #tpu.memory_space<vmem>>
      %dma_wait3A_227 = tpu.memref_squeeze %dma_wait3A_226 : memref<1x80xi32, #tpu.memory_space<vmem>> -> memref<80xi32, #tpu.memory_space<vmem>>
      %dma_wait3A_228 = arith.constant 0 : i32
      %dma_wait3A_229 = tpu.memref_slice %arg4[%run_scoped3A, %dma_wait3A_228] : memref<2x320000xi32, #tpu.memory_space<hbm>> -> memref<1x320000xi32, #tpu.memory_space<hbm>>
      %dma_wait3A_230 = tpu.memref_squeeze %dma_wait3A_229 : memref<1x320000xi32, #tpu.memory_space<hbm>> -> memref<320000xi32, #tpu.memory_space<hbm>>
      %dma_wait3A_231 = tpu.memref_slice %dma_wait3A_230[%add3A_170] : memref<320000xi32, #tpu.memory_space<hbm>> -> memref<80xi32, #tpu.memory_space<hbm>>
      tpu.wait_dma2 semaphore(%run_scoped3A_203 : memref<!tpu.dma_semaphore, #tpu.memory_space<semaphore_mem>>) src(%dma_wait3A_231 : memref<80xi32, #tpu.memory_space<hbm>>) dst(%dma_wait3A_227 : memref<80xi32, #tpu.memory_space<vmem>>)
      tpu.yield
    }) : () -> ()
    %run_scoped3A_172 = arith.constant 1 : i32
    %run_scoped3A_173 = arith.constant 1 : i32
    "tpu.region"() ({
      %run_scoped3A_203 = tpu.sem_alloc : memref<!tpu.dma_semaphore, #tpu.memory_space<semaphore_mem>>
      %dma_start3A_204 = arith.constant 0 : i32
      %dma_start3A_205 = tpu.memref_slice %arg7[%run_scoped3A_173, %dma_start3A_204] : memref<2x80xi32, #tpu.memory_space<vmem>> -> memref<1x80xi32, #tpu.memory_space<vmem>>
      %dma_start3A_206 = tpu.memref_squeeze %dma_start3A_205 : memref<1x80xi32, #tpu.memory_space<vmem>> -> memref<80xi32, #tpu.memory_space<vmem>>
      %dma_start3A_207 = arith.constant 0 : i32
      %dma_start3A_208 = tpu.memref_slice %arg4[%run_scoped3A_172, %dma_start3A_207] : memref<2x320000xi32, #tpu.memory_space<hbm>> -> memref<1x320000xi32, #tpu.memory_space<hbm>>
      %dma_start3A_209 = tpu.memref_squeeze %dma_start3A_208 : memref<1x320000xi32, #tpu.memory_space<hbm>> -> memref<320000xi32, #tpu.memory_space<hbm>>
      %dma_start3A_210 = tpu.memref_slice %dma_start3A_209[%add3A_170] : memref<320000xi32, #tpu.memory_space<hbm>> -> memref<80xi32, #tpu.memory_space<hbm>>
      %dma_start3A_211 = arith.constant 0 : i32
      %dma_start3A_212 = tpu.memref_slice %arg7[%run_scoped3A_173, %dma_start3A_211] : memref<2x80xi32, #tpu.memory_space<vmem>> -> memref<1x80xi32, #tpu.memory_space<vmem>>
      %dma_start3A_213 = tpu.memref_squeeze %dma_start3A_212 : memref<1x80xi32, #tpu.memory_space<vmem>> -> memref<80xi32, #tpu.memory_space<vmem>>
      %dma_start3A_214 = arith.constant 0 : i32
      %dma_start3A_215 = tpu.memref_slice %arg4[%run_scoped3A_172, %dma_start3A_214] : memref<2x320000xi32, #tpu.memory_space<hbm>> -> memref<1x320000xi32, #tpu.memory_space<hbm>>
      %dma_start3A_216 = tpu.memref_squeeze %dma_start3A_215 : memref<1x320000xi32, #tpu.memory_space<hbm>> -> memref<320000xi32, #tpu.memory_space<hbm>>
      %dma_start3A_217 = tpu.memref_slice %dma_start3A_216[%add3A_170] : memref<320000xi32, #tpu.memory_space<hbm>> -> memref<80xi32, #tpu.memory_space<hbm>>
      tpu.enqueue_dma source(%dma_start3A_217 : memref<80xi32, #tpu.memory_space<hbm>>) target(%dma_start3A_213 : memref<80xi32, #tpu.memory_space<vmem>>) target_semaphore(%run_scoped3A_203 : memref<!tpu.dma_semaphore, #tpu.memory_space<semaphore_mem>>)
      %dma_wait3A_218 = arith.constant 0 : i32
      %dma_wait3A_219 = tpu.memref_slice %arg7[%run_scoped3A_173, %dma_wait3A_218] : memref<2x80xi32, #tpu.memory_space<vmem>> -> memref<1x80xi32, #tpu.memory_space<vmem>>
      %dma_wait3A_220 = tpu.memref_squeeze %dma_wait3A_219 : memref<1x80xi32, #tpu.memory_space<vmem>> -> memref<80xi32, #tpu.memory_space<vmem>>
      %dma_wait3A_221 = arith.constant 0 : i32
      %dma_wait3A_222 = tpu.memref_slice %arg4[%run_scoped3A_172, %dma_wait3A_221] : memref<2x320000xi32, #tpu.memory_space<hbm>> -> memref<1x320000xi32, #tpu.memory_space<hbm>>
      %dma_wait3A_223 = tpu.memref_squeeze %dma_wait3A_222 : memref<1x320000xi32, #tpu.memory_space<hbm>> -> memref<320000xi32, #tpu.memory_space<hbm>>
      %dma_wait3A_224 = tpu.memref_slice %dma_wait3A_223[%add3A_170] : memref<320000xi32, #tpu.memory_space<hbm>> -> memref<80xi32, #tpu.memory_space<hbm>>
      %dma_wait3A_225 = arith.constant 0 : i32
      %dma_wait3A_226 = tpu.memref_slice %arg7[%run_scoped3A_173, %dma_wait3A_225] : memref<2x80xi32, #tpu.memory_space<vmem>> -> memref<1x80xi32, #tpu.memory_space<vmem>>
      %dma_wait3A_227 = tpu.memref_squeeze %dma_wait3A_226 : memref<1x80xi32, #tpu.memory_space<vmem>> -> memref<80xi32, #tpu.memory_space<vmem>>
      %dma_wait3A_228 = arith.constant 0 : i32
      %dma_wait3A_229 = tpu.memref_slice %arg4[%run_scoped3A_172, %dma_wait3A_228] : memref<2x320000xi32, #tpu.memory_space<hbm>> -> memref<1x320000xi32, #tpu.memory_space<hbm>>
      %dma_wait3A_230 = tpu.memref_squeeze %dma_wait3A_229 : memref<1x320000xi32, #tpu.memory_space<hbm>> -> memref<320000xi32, #tpu.memory_space<hbm>>
      %dma_wait3A_231 = tpu.memref_slice %dma_wait3A_230[%add3A_170] : memref<320000xi32, #tpu.memory_space<hbm>> -> memref<80xi32, #tpu.memory_space<hbm>>
      tpu.wait_dma2 semaphore(%run_scoped3A_203 : memref<!tpu.dma_semaphore, #tpu.memory_space<semaphore_mem>>) src(%dma_wait3A_231 : memref<80xi32, #tpu.memory_space<hbm>>) dst(%dma_wait3A_227 : memref<80xi32, #tpu.memory_space<vmem>>)
      tpu.yield
    }) : () -> ()
    %dma_start3A_174 = arith.constant 0 : i32
    %dma_start3A_175 = arith.constant 0 : i32
    %dma_start3A_176 = arith.constant 0 : i32
    %dma_start3A_177 = tpu.memref_slice %arg8[%dma_start3A_175, %dma_start3A_176] : memref<80x128xf32, #tpu.memory_space<vmem>> -> memref<80x128xf32, #tpu.memory_space<vmem>>
    %dma_start3A_178 = arith.constant 0 : i32
    %dma_start3A_179 = tpu.memref_slice %arg7[%dma_start3A_174, %dma_start3A_178] : memref<2x80xi32, #tpu.memory_space<vmem>> -> memref<1x80xi32, #tpu.memory_space<vmem>>
    %dma_start3A_180 = tpu.memref_squeeze %dma_start3A_179 : memref<1x80xi32, #tpu.memory_space<vmem>> -> memref<80xi32, #tpu.memory_space<vmem>>
    %dma_start3A_181 = arith.constant 0 : i32
    %dma_start3A_182 = arith.constant 0 : i32
    %dma_start3A_183 = tpu.memref_slice %arg2[%dma_start3A_181, %dma_start3A_182] : memref<10000x128xf32, #tpu.memory_space<hbm>> -> memref<10000x128xf32, #tpu.memory_space<hbm>>
    tpu.enqueue_indirect_dma source(%dma_start3A_183 : memref<10000x128xf32, #tpu.memory_space<hbm>>) target(%dma_start3A_177 : memref<80x128xf32, #tpu.memory_space<vmem>>) offsets(%dma_start3A_180 : memref<80xi32, #tpu.memory_space<vmem>>) semaphore(%arg14 : memref<!tpu.dma_semaphore, #tpu.memory_space<semaphore_mem>>)
    %dma_wait3A_184 = arith.constant 0 : i32
    %dma_wait3A_185 = arith.constant 0 : i32
    %dma_wait3A_186 = arith.constant 0 : i32
    %dma_wait3A_187 = tpu.memref_slice %arg8[%dma_wait3A_185, %dma_wait3A_186] : memref<80x128xf32, #tpu.memory_space<vmem>> -> memref<80x128xf32, #tpu.memory_space<vmem>>
    %dma_wait3A_188 = arith.constant 0 : i32
    %dma_wait3A_189 = tpu.memref_slice %arg7[%dma_wait3A_184, %dma_wait3A_188] : memref<2x80xi32, #tpu.memory_space<vmem>> -> memref<1x80xi32, #tpu.memory_space<vmem>>
    %dma_wait3A_190 = tpu.memref_squeeze %dma_wait3A_189 : memref<1x80xi32, #tpu.memory_space<vmem>> -> memref<80xi32, #tpu.memory_space<vmem>>
    %dma_wait3A_191 = arith.constant 0 : i32
    %dma_wait3A_192 = arith.constant 0 : i32
    %dma_wait3A_193 = tpu.memref_slice %arg2[%dma_wait3A_191, %dma_wait3A_192] : memref<10000x128xf32, #tpu.memory_space<hbm>> -> memref<10000x128xf32, #tpu.memory_space<hbm>>
    tpu.wait_indirect_dma semaphore(%arg14 : memref<!tpu.dma_semaphore, #tpu.memory_space<semaphore_mem>>) src(%dma_wait3A_193 : memref<10000x128xf32, #tpu.memory_space<hbm>>) dst(%dma_wait3A_187 : memref<80x128xf32, #tpu.memory_space<vmem>>)
    %run_scoped3A_194 = arith.constant 1 : i32
    "tpu.region"() ({
      %run_scoped3A_203 = tpu.sem_alloc : memref<!tpu.dma_semaphore, #tpu.memory_space<semaphore_mem>>
      %dma_start3A_204 = arith.constant 0 : i32
      %dma_start3A_205 = arith.constant 0 : i32
      %dma_start3A_206 = tpu.memref_slice %arg8[%dma_start3A_204, %dma_start3A_205] : memref<80x128xf32, #tpu.memory_space<vmem>> -> memref<80x128xf32, #tpu.memory_space<vmem>>
      %dma_start3A_207 = arith.constant 0 : i32
      %dma_start3A_208 = tpu.memref_slice %arg7[%run_scoped3A_194, %dma_start3A_207] : memref<2x80xi32, #tpu.memory_space<vmem>> -> memref<1x80xi32, #tpu.memory_space<vmem>>
      %dma_start3A_209 = tpu.memref_squeeze %dma_start3A_208 : memref<1x80xi32, #tpu.memory_space<vmem>> -> memref<80xi32, #tpu.memory_space<vmem>>
      %dma_start3A_210 = arith.constant 0 : i32
      %dma_start3A_211 = arith.constant 0 : i32
      %dma_start3A_212 = tpu.memref_slice %arg12[%dma_start3A_210, %dma_start3A_211] : memref<10000x128xf32, #tpu.memory_space<vmem_shared>> -> memref<10000x128xf32, #tpu.memory_space<vmem_shared>>
      tpu.enqueue_indirect_dma source(%dma_start3A_206 : memref<80x128xf32, #tpu.memory_space<vmem>>) target(%dma_start3A_212 : memref<10000x128xf32, #tpu.memory_space<vmem_shared>>) offsets(%dma_start3A_209 : memref<80xi32, #tpu.memory_space<vmem>>) semaphore(%run_scoped3A_203 : memref<!tpu.dma_semaphore, #tpu.memory_space<semaphore_mem>>) {add = true}
      %dma_wait3A_213 = arith.constant 0 : i32
      %dma_wait3A_214 = arith.constant 0 : i32
      %dma_wait3A_215 = tpu.memref_slice %arg8[%dma_wait3A_213, %dma_wait3A_214] : memref<80x128xf32, #tpu.memory_space<vmem>> -> memref<80x128xf32, #tpu.memory_space<vmem>>
      %dma_wait3A_216 = arith.constant 0 : i32
      %dma_wait3A_217 = tpu.memref_slice %arg7[%run_scoped3A_194, %dma_wait3A_216] : memref<2x80xi32, #tpu.memory_space<vmem>> -> memref<1x80xi32, #tpu.memory_space<vmem>>
      %dma_wait3A_218 = tpu.memref_squeeze %dma_wait3A_217 : memref<1x80xi32, #tpu.memory_space<vmem>> -> memref<80xi32, #tpu.memory_space<vmem>>
      %dma_wait3A_219 = arith.constant 0 : i32
      %dma_wait3A_220 = arith.constant 0 : i32
      %dma_wait3A_221 = tpu.memref_slice %arg12[%dma_wait3A_219, %dma_wait3A_220] : memref<10000x128xf32, #tpu.memory_space<vmem_shared>> -> memref<10000x128xf32, #tpu.memory_space<vmem_shared>>
      tpu.wait_indirect_dma semaphore(%run_scoped3A_203 : memref<!tpu.dma_semaphore, #tpu.memory_space<semaphore_mem>>) src(%dma_wait3A_215 : memref<80x128xf32, #tpu.memory_space<vmem>>) dst(%dma_wait3A_221 : memref<10000x128xf32, #tpu.memory_space<vmem_shared>>)
      tpu.yield
    }) : () -> ()
    %barrier3A_195 = arith.constant 0 : index
    tpu.barrier barrier_id(%barrier3A_195)
    %mul3A_196 = arith.constant 624 : i32
    %mul3A_197 = arith.muli %arg1, %mul3A_196 : i32
    "tpu.region"() ({
      %run_scoped3A_203 = tpu.sem_alloc : memref<!tpu.dma_semaphore, #tpu.memory_space<semaphore_mem>>
      %dma_start3A_204 = arith.constant 0 : i32
      %dma_start3A_205 = arith.constant 0 : i32
      %dma_start3A_206 = tpu.memref_slice %arg5[%arg0, %dma_start3A_204, %dma_start3A_205] : memref<2x10000x128xf32, #tpu.memory_space<hbm>> -> memref<1x10000x128xf32, #tpu.memory_space<hbm>>
      %dma_start3A_207 = tpu.memref_squeeze %dma_start3A_206 : memref<1x10000x128xf32, #tpu.memory_space<hbm>> -> memref<10000x128xf32, #tpu.memory_space<hbm>>
      %dma_start3A_208 = arith.constant 0 : i32
      %dma_start3A_209 = tpu.memref_slice %dma_start3A_207[%mul3A_197, %dma_start3A_208] : memref<10000x128xf32, #tpu.memory_space<hbm>> -> memref<624x128xf32, #tpu.memory_space<hbm>>
      %dma_start3A_210 = arith.constant 0 : i32
      %dma_start3A_211 = tpu.memref_slice %arg12[%mul3A_197, %dma_start3A_210] : memref<10000x128xf32, #tpu.memory_space<vmem_shared>> -> memref<624x128xf32, #tpu.memory_space<vmem_shared>>
      tpu.enqueue_dma source(%dma_start3A_211 : memref<624x128xf32, #tpu.memory_space<vmem_shared>>) target(%dma_start3A_209 : memref<624x128xf32, #tpu.memory_space<hbm>>) target_semaphore(%run_scoped3A_203 : memref<!tpu.dma_semaphore, #tpu.memory_space<semaphore_mem>>)
      %dma_wait3A_212 = arith.constant 0 : i32
      %dma_wait3A_213 = arith.constant 0 : i32
      %dma_wait3A_214 = tpu.memref_slice %arg5[%arg0, %dma_wait3A_212, %dma_wait3A_213] : memref<2x10000x128xf32, #tpu.memory_space<hbm>> -> memref<1x10000x128xf32, #tpu.memory_space<hbm>>
      %dma_wait3A_215 = tpu.memref_squeeze %dma_wait3A_214 : memref<1x10000x128xf32, #tpu.memory_space<hbm>> -> memref<10000x128xf32, #tpu.memory_space<hbm>>
      %dma_wait3A_216 = arith.constant 0 : i32
      %dma_wait3A_217 = tpu.memref_slice %dma_wait3A_215[%mul3A_197, %dma_wait3A_216] : memref<10000x128xf32, #tpu.memory_space<hbm>> -> memref<624x128xf32, #tpu.memory_space<hbm>>
      %dma_wait3A_218 = arith.constant 0 : i32
      %dma_wait3A_219 = tpu.memref_slice %arg12[%mul3A_197, %dma_wait3A_218] : memref<10000x128xf32, #tpu.memory_space<vmem_shared>> -> memref<624x128xf32, #tpu.memory_space<vmem_shared>>
      tpu.wait_dma2 semaphore(%run_scoped3A_203 : memref<!tpu.dma_semaphore, #tpu.memory_space<semaphore_mem>>) src(%dma_wait3A_219 : memref<624x128xf32, #tpu.memory_space<vmem_shared>>) dst(%dma_wait3A_217 : memref<624x128xf32, #tpu.memory_space<hbm>>)
      tpu.yield
    }) : () -> ()
    %eq3A_198 = arith.constant 0 : i32
    %eq3A_199 = arith.cmpi eq, %arg1, %eq3A_198 : i32
    %convert_element_type3A_200 = arith.extui %eq3A_199 : i1 to i32
    %cond3A_201 = arith.constant 0 : i32
    %cond3A_202 = arith.cmpi ne, %convert_element_type3A_200, %cond3A_201 : i32
    scf.if %cond3A_202 {
      "tpu.region"() ({
        %run_scoped3A_203 = tpu.sem_alloc : memref<!tpu.dma_semaphore, #tpu.memory_space<semaphore_mem>>
        %dma_start3A_204 = arith.constant 0 : i32
        %dma_start3A_205 = arith.constant 0 : i32
        %dma_start3A_206 = tpu.memref_slice %arg5[%arg0, %dma_start3A_204, %dma_start3A_205] : memref<2x10000x128xf32, #tpu.memory_space<hbm>> -> memref<1x10000x128xf32, #tpu.memory_space<hbm>>
        %dma_start3A_207 = tpu.memref_squeeze %dma_start3A_206 : memref<1x10000x128xf32, #tpu.memory_space<hbm>> -> memref<10000x128xf32, #tpu.memory_space<hbm>>
        %dma_start3A_208 = arith.constant 9984 : i32
        %dma_start3A_209 = arith.constant 0 : i32
        %dma_start3A_210 = tpu.memref_slice %dma_start3A_207[%dma_start3A_208, %dma_start3A_209] : memref<10000x128xf32, #tpu.memory_space<hbm>> -> memref<16x128xf32, #tpu.memory_space<hbm>>
        %dma_start3A_211 = arith.constant 9984 : i32
        %dma_start3A_212 = arith.constant 0 : i32
        %dma_start3A_213 = tpu.memref_slice %arg12[%dma_start3A_211, %dma_start3A_212] : memref<10000x128xf32, #tpu.memory_space<vmem_shared>> -> memref<16x128xf32, #tpu.memory_space<vmem_shared>>
        tpu.enqueue_dma source(%dma_start3A_213 : memref<16x128xf32, #tpu.memory_space<vmem_shared>>) target(%dma_start3A_210 : memref<16x128xf32, #tpu.memory_space<hbm>>) target_semaphore(%run_scoped3A_203 : memref<!tpu.dma_semaphore, #tpu.memory_space<semaphore_mem>>)
        %dma_wait3A_214 = arith.constant 0 : i32
        %dma_wait3A_215 = arith.constant 0 : i32
        %dma_wait3A_216 = tpu.memref_slice %arg5[%arg0, %dma_wait3A_214, %dma_wait3A_215] : memref<2x10000x128xf32, #tpu.memory_space<hbm>> -> memref<1x10000x128xf32, #tpu.memory_space<hbm>>
        %dma_wait3A_217 = tpu.memref_squeeze %dma_wait3A_216 : memref<1x10000x128xf32, #tpu.memory_space<hbm>> -> memref<10000x128xf32, #tpu.memory_space<hbm>>
        %dma_wait3A_218 = arith.constant 9984 : i32
        %dma_wait3A_219 = arith.constant 0 : i32
        %dma_wait3A_220 = tpu.memref_slice %dma_wait3A_217[%dma_wait3A_218, %dma_wait3A_219] : memref<10000x128xf32, #tpu.memory_space<hbm>> -> memref<16x128xf32, #tpu.memory_space<hbm>>
        %dma_wait3A_221 = arith.constant 9984 : i32
        %dma_wait3A_222 = arith.constant 0 : i32
        %dma_wait3A_223 = tpu.memref_slice %arg12[%dma_wait3A_221, %dma_wait3A_222] : memref<10000x128xf32, #tpu.memory_space<vmem_shared>> -> memref<16x128xf32, #tpu.memory_space<vmem_shared>>
        tpu.wait_dma2 semaphore(%run_scoped3A_203 : memref<!tpu.dma_semaphore, #tpu.memory_space<semaphore_mem>>) src(%dma_wait3A_223 : memref<16x128xf32, #tpu.memory_space<vmem_shared>>) dst(%dma_wait3A_220 : memref<16x128xf32, #tpu.memory_space<hbm>>)
        tpu.yield
      }) : () -> ()
    } else {
    }
    return
  }
}

module attributes {stable_mosaic.version = 14 : i64} {
  func.func @body(%arg0: memref<2x10000x16xf32, #tpu.memory_space<vmem>>, %arg1: memref<10000x128xf32, #tpu.memory_space<vmem>>, %arg2: memref<128x128xf32, #tpu.memory_space<vmem>>, %arg3: memref<10000x128xf32, #tpu.memory_space<vmem>>, %arg4: memref<10000x1xf32, #tpu.memory_space<vmem>>) attributes {dimension_semantics = [], scalar_prefetch = 0 : i64, scratch_operands = 0 : i64, tpu.core_type = #tpu.core_type<tc>} {
    %get3A = arith.constant 0 : index
    %get3A_0 = arith.constant 0 : index
    %get3A_1 = arith.constant 0 : index
    %get3A_2 = vector.load %arg0[%get3A, %get3A_0, %get3A_1] : memref<2x10000x16xf32, #tpu.memory_space<vmem>>, vector<1x10000x1xf32>
    %get3A_3 = vector.shape_cast %get3A_2 : vector<1x10000x1xf32> to vector<10000x1xf32>
    %get3A_4 = arith.constant 1 : index
    %get3A_5 = arith.constant 0 : index
    %get3A_6 = arith.constant 0 : index
    %get3A_7 = vector.load %arg0[%get3A_4, %get3A_5, %get3A_6] : memref<2x10000x16xf32, #tpu.memory_space<vmem>>, vector<1x10000x1xf32>
    %get3A_8 = vector.shape_cast %get3A_7 : vector<1x10000x1xf32> to vector<10000x1xf32>
    %add3A = arith.addf %get3A_3, %get3A_8 : vector<10000x1xf32>
    %add3A_9 = arith.constant 1.000000e+00 : f32
    %add3A_10 = vector.broadcast %add3A_9 : f32 to vector<10000x1xf32>
    %add3A_11 = arith.addf %add3A, %add3A_10 : vector<10000x1xf32>
    %rsqrt3A = math.rsqrt %add3A_11 : vector<10000x1xf32>
    %swap3A = arith.constant 0 : index
    %swap3A_12 = arith.constant 0 : index
    %swap3A_13 = vector.load %arg4[%swap3A, %swap3A_12] : memref<10000x1xf32, #tpu.memory_space<vmem>>, vector<10000x1xf32>
    tpu.vector_store %arg4[%swap3A, %swap3A_12], %rsqrt3A {strides = array<i32>} : memref<10000x1xf32, #tpu.memory_space<vmem>>, vector<10000x1xf32>,
    %get3A_14 = arith.constant 0 : index
    %get3A_15 = arith.constant 0 : index
    %get3A_16 = vector.load %arg1[%get3A_14, %get3A_15] : memref<10000x128xf32, #tpu.memory_space<vmem>>, vector<10000x128xf32>
    %get3A_17 = arith.constant 0 : index
    %get3A_18 = arith.constant 0 : index
    %get3A_19 = vector.load %arg2[%get3A_17, %get3A_18] : memref<128x128xf32, #tpu.memory_space<vmem>>, vector<128x128xf32>
    %dot_general3A = arith.constant dense<0.000000e+00> : vector<10000x128xf32>
    %dot_general3A_20 = tpu.matmul %get3A_16, %get3A_19, %dot_general3A {dimension_numbers = #tpu.dot_dimension_numbers<[1], [0], [0], [1], [0, 0, 1, 1], [], []>, transpose_lhs_hint = false} : vector<10000x128xf32>, vector<128x128xf32>, vector<10000x128xf32> -> vector<10000x128xf32>
    %mul3A = vector.broadcast %rsqrt3A : vector<10000x1xf32> to vector<10000x128xf32>
    %mul3A_21 = arith.mulf %mul3A, %dot_general3A_20 : vector<10000x128xf32>
    %swap3A_22 = arith.constant 0 : index
    %swap3A_23 = arith.constant 0 : index
    %swap3A_24 = vector.load %arg3[%swap3A_22, %swap3A_23] : memref<10000x128xf32, #tpu.memory_space<vmem>>, vector<10000x128xf32>
    tpu.vector_store %arg3[%swap3A_22, %swap3A_23], %mul3A_21 {strides = array<i32>} : memref<10000x128xf32, #tpu.memory_space<vmem>>, vector<10000x128xf32>,
    return
  }
}

module attributes {stable_mosaic.version = 14 : i64} {
  func.func @body(%arg0: memref<2x10000x128xf32, #tpu.memory_space<vmem>>, %arg1: memref<10000x1xf32, #tpu.memory_space<vmem>>, %arg2: memref<1x128xf32, #tpu.memory_space<vmem>>, %arg3: memref<128x128xf32, #tpu.memory_space<vmem>>, %arg4: memref<10000x128xf32, #tpu.memory_space<vmem>>) attributes {dimension_semantics = [], scalar_prefetch = 0 : i64, scratch_operands = 0 : i64, tpu.core_type = #tpu.core_type<tc>} {
    %get3A = arith.constant 0 : index
    %get3A_0 = arith.constant 0 : index
    %get3A_1 = vector.load %arg1[%get3A, %get3A_0] : memref<10000x1xf32, #tpu.memory_space<vmem>>, vector<10000x1xf32>
    %get3A_2 = arith.constant 0 : index
    %get3A_3 = arith.constant 0 : index
    %get3A_4 = arith.constant 0 : index
    %get3A_5 = vector.load %arg0[%get3A_2, %get3A_3, %get3A_4] : memref<2x10000x128xf32, #tpu.memory_space<vmem>>, vector<1x10000x128xf32>
    %get3A_6 = vector.shape_cast %get3A_5 : vector<1x10000x128xf32> to vector<10000x128xf32>
    %get3A_7 = arith.constant 1 : index
    %get3A_8 = arith.constant 0 : index
    %get3A_9 = arith.constant 0 : index
    %get3A_10 = vector.load %arg0[%get3A_7, %get3A_8, %get3A_9] : memref<2x10000x128xf32, #tpu.memory_space<vmem>>, vector<1x10000x128xf32>
    %get3A_11 = vector.shape_cast %get3A_10 : vector<1x10000x128xf32> to vector<10000x128xf32>
    %add3A = arith.addf %get3A_6, %get3A_11 : vector<10000x128xf32>
    %mul3A = vector.broadcast %get3A_1 : vector<10000x1xf32> to vector<10000x128xf32>
    %mul3A_12 = arith.mulf %mul3A, %add3A : vector<10000x128xf32>
    %get3A_13 = arith.constant 0 : index
    %get3A_14 = arith.constant 0 : index
    %get3A_15 = vector.load %arg2[%get3A_13, %get3A_14] : memref<1x128xf32, #tpu.memory_space<vmem>>, vector<1x128xf32>
    %add3A_16 = vector.broadcast %get3A_15 : vector<1x128xf32> to vector<10000x128xf32>
    %add3A_17 = arith.addf %mul3A_12, %add3A_16 : vector<10000x128xf32>
    %get3A_18 = arith.constant 0 : index
    %get3A_19 = arith.constant 0 : index
    %get3A_20 = vector.load %arg3[%get3A_18, %get3A_19] : memref<128x128xf32, #tpu.memory_space<vmem>>, vector<128x128xf32>
    %dot_general3A = arith.constant dense<0.000000e+00> : vector<10000x128xf32>
    %dot_general3A_21 = tpu.matmul %add3A_17, %get3A_20, %dot_general3A {dimension_numbers = #tpu.dot_dimension_numbers<[1], [0], [0], [1], [0, 0, 1, 1], [], []>, transpose_lhs_hint = false} : vector<10000x128xf32>, vector<128x128xf32>, vector<10000x128xf32> -> vector<10000x128xf32>
    %mul3A_22 = vector.broadcast %get3A_1 : vector<10000x1xf32> to vector<10000x128xf32>
    %mul3A_23 = arith.mulf %mul3A_22, %dot_general3A_21 : vector<10000x128xf32>
    %swap3A = arith.constant 0 : index
    %swap3A_24 = arith.constant 0 : index
    %swap3A_25 = vector.load %arg4[%swap3A, %swap3A_24] : memref<10000x128xf32, #tpu.memory_space<vmem>>, vector<10000x128xf32>
    tpu.vector_store %arg4[%swap3A, %swap3A_24], %mul3A_23 {strides = array<i32>} : memref<10000x128xf32, #tpu.memory_space<vmem>>, vector<10000x128xf32>,
    return
  }
}

module attributes {stable_mosaic.version = 14 : i64} {
  func.func @body(%arg0: memref<2x10000x128xf32, #tpu.memory_space<vmem>>, %arg1: memref<10000x1xf32, #tpu.memory_space<vmem>>, %arg2: memref<1x128xf32, #tpu.memory_space<vmem>>, %arg3: memref<10000x64xf32, #tpu.memory_space<vmem>>, %arg4: memref<10000x64xf32, #tpu.memory_space<vmem>>) attributes {dimension_semantics = [], scalar_prefetch = 0 : i64, scratch_operands = 0 : i64, tpu.core_type = #tpu.core_type<tc>} {
    %get3A = arith.constant 0 : index
    %get3A_0 = arith.constant 0 : index
    %get3A_1 = vector.load %arg1[%get3A, %get3A_0] : memref<10000x1xf32, #tpu.memory_space<vmem>>, vector<10000x1xf32>
    %get3A_2 = arith.constant 0 : index
    %get3A_3 = arith.constant 0 : index
    %get3A_4 = arith.constant 0 : index
    %get3A_5 = vector.load %arg0[%get3A_2, %get3A_3, %get3A_4] : memref<2x10000x128xf32, #tpu.memory_space<vmem>>, vector<1x10000x128xf32>
    %get3A_6 = vector.shape_cast %get3A_5 : vector<1x10000x128xf32> to vector<10000x128xf32>
    %get3A_7 = arith.constant 1 : index
    %get3A_8 = arith.constant 0 : index
    %get3A_9 = arith.constant 0 : index
    %get3A_10 = vector.load %arg0[%get3A_7, %get3A_8, %get3A_9] : memref<2x10000x128xf32, #tpu.memory_space<vmem>>, vector<1x10000x128xf32>
    %get3A_11 = vector.shape_cast %get3A_10 : vector<1x10000x128xf32> to vector<10000x128xf32>
    %add3A = arith.addf %get3A_6, %get3A_11 : vector<10000x128xf32>
    %mul3A = vector.broadcast %get3A_1 : vector<10000x1xf32> to vector<10000x128xf32>
    %mul3A_12 = arith.mulf %mul3A, %add3A : vector<10000x128xf32>
    %get3A_13 = arith.constant 0 : index
    %get3A_14 = arith.constant 0 : index
    %get3A_15 = vector.load %arg2[%get3A_13, %get3A_14] : memref<1x128xf32, #tpu.memory_space<vmem>>, vector<1x128xf32>
    %add3A_16 = vector.broadcast %get3A_15 : vector<1x128xf32> to vector<10000x128xf32>
    %add3A_17 = arith.addf %mul3A_12, %add3A_16 : vector<10000x128xf32>
    %slice3A = vector.extract_strided_slice %add3A_17 {offsets = [0, 0], sizes = [10000, 64], strides = [1, 1]} : vector<10000x128xf32> to vector<10000x64xf32>
    %slice3A_18 = vector.extract_strided_slice %add3A_17 {offsets = [0, 64], sizes = [10000, 64], strides = [1, 1]} : vector<10000x128xf32> to vector<10000x64xf32>
    %get3A_19 = arith.constant 0 : index
    %get3A_20 = arith.constant 0 : index
    %get3A_21 = vector.load %arg3[%get3A_19, %get3A_20] : memref<10000x64xf32, #tpu.memory_space<vmem>>, vector<10000x64xf32>
    %exp3A = math.exp %slice3A_18 : vector<10000x64xf32>
    %mul3A_22 = arith.mulf %get3A_21, %exp3A : vector<10000x64xf32>
    %add3A_23 = arith.addf %slice3A, %mul3A_22 : vector<10000x64xf32>
    %swap3A = arith.constant 0 : index
    %swap3A_24 = arith.constant 0 : index
    %swap3A_25 = vector.load %arg4[%swap3A, %swap3A_24] : memref<10000x64xf32, #tpu.memory_space<vmem>>, vector<10000x64xf32>
    tpu.vector_store %arg4[%swap3A, %swap3A_24], %add3A_23 {strides = array<i32>} : memref<10000x64xf32, #tpu.memory_space<vmem>>, vector<10000x64xf32>,
    return
  }
}

</mosaic_0001>

<sc_bundles>
// kernel: kernel.11.cloned.1.call-start
scs
__scs_entry_jumppad:
0x0: {  	(pc) =	sbr.rel $0x88, $3  }
0x1: {  	(tag) =	ssettag $0x0;
	lr =	simm.s32 $0x1  }
0x2: {  	[smem:$0x3F98] =	sst lr;
	_ =	strace $0xD0000000  }
0x3: {  	_ = 	snop  }
0x4: {  	_ = 	snop  }
0x5: {  	_ = 	snop  }
0x6: {  	_ = 	snop  }
0x7: {  	_ = 	snop  }
__scs_overlays_trampoline_lowered:
0x8: {  	[smem:$0x3FA7] =	sst s0  }
0x9: {  	[smem:$0x3FA8] =	sst s1  }
0xa: {  	[smem:$0x3FA9] =	sst s2  }
0xb: {  	[smem:$0x3FAA] =	sst s3  }
0xc: {  	[smem:$0x3FAB] =	sst s4  }
0xd: {  	[smem:$0x3FAC] =	sst s5  }
0xe: {  	[smem:$0x3FAD] =	sst s6  }
0xf: {  	[smem:$0x3FAE] =	sst s7  }
0x10: {  	[smem:$0x3FAF] =	sst s8  }
0x11: {  	[smem:$0x3FB0] =	sst s9;
	s0 =	simm.s32 @!p0 $0x0  }
0x12: {  	s1 =	sld [smem:$0x3F96];
	s0 =	simm.s32 @p0 $0x1  }
0x13: {  	[smem:$0x3FB1] =	sst s0;
	s0 =	simm.s32 @!p1 $0x0  }
0x14: {  	s2 =	sld [smem:$0x3F95];
	s0 =	simm.s32 @p1 $0x1  }
0x15: {  	[smem:$0x3FB2] =	sst s0;
	s0 =	simm.s32 @!p2 $0x0  }
0x16: {  	s3 =	sld [smem:$0x3FDB];
	s0 =	simm.s32 @p2 $0x1  }
0x17: {  	s4 =	simm.s32 $0x1BF5;
	[smem:$0x3FB4] =	sst s0  }
0x18: {  	s0 =	sld [smem:$0x3F97];
	_ =	swait.ge [sflag:s4], $0x0  }
0x19: {  	s7 =	sld [smem:$0x3F98]  }
0x1a: {  	s8 =	sadd.s32 $0xFFFFE003, lr  }
0x1b: {  	s9 =	sadd.s32 $0xFFFFFEF7, lr;
	s5 =	simm.s32 $0xFFFFFFFF;
	p2 =	slt.u32 s8, $0xFFFFF086  }
0x1c: {  	p1 =	slt.u32 s9, $0xF7A;
	s5 =	simm.s32 @!p2 $0x0  }
0x1d: {  	s5 =	simm.s32 @p1 $0x1;
	p0 =	seq.s32 s7, s2  }
0x1e: {  	s7 =	smul.u32 @!p0 $0xF7A, s2;
	p2 =	seq.s32 @!p0 s5, $0x0  }
0x1f: {  	s9 =	smul.u32 $0xF7A, s1;
	s8 =	simm.s32 @!p0 $0x1BF5;
	p2 =	por !p2, p0  }
0x20: {  	[sflag:s8] =	ssyncset.s32 @!p0 $0xFFFFF086;
	s6 =	sadd.s32 @!p0 s3, s7;
	s7 =	simm.s32 @!p0 $0x108  }
0x21: {  	s3 =	sadd.s32 s3, s9;
	s6 =	sadd.s32 @!p0 $0x88, s6;
	s7 =	simm.s32 @p2 $0x1082  }
0x22: {  	[simem:s7], [sflag:s8] =	dma.local @!p0 [hbm:s6], $0xF7A  }
0x23: {  	s9 =	sor.u32 $0xD0000000, s2;
	s6 =	simm.s32 $0x108;
	_ =	swait.ge @!p0 [sflag:s8], $0x0  }
0x24: {  	s3 =	sadd.s32 $0x88, s3;
	s6 =	simm.s32 @!p1 $0x1082;
	[sflag:s4] =	ssyncset.s32 $0xFFFFF086  }
0x25: {  	[simem:s6], [sflag:s4] =	dma.local [hbm:s3], $0xF7A  }
0x26: {  	[smem:$0x3F98] =	sst s1;
	(tag) =	ssettag s2;
	_ =	strace s9  }
0x27: {  	s1 =	sld [smem:$0x3FA8]  }
0x28: {  	s2 =	sld [smem:$0x3FA9]  }
0x29: {  	s4 =	sld [smem:$0x3FAB]  }
0x2a: {  	p0 =	seq.s32 s5, $0x0;
	s5 =	sld [smem:$0x3FAC]  }
0x2b: {  	s6 =	sld [smem:$0x3FAD]  }
0x2c: {  	s7 =	sld [smem:$0x3FAE]  }
0x2d: {  	s3 =	simm.s32 $0x108;
	s8 =	sld [smem:$0x3FAF]  }
0x2e: {  	s3 =	simm.s32 @!p0 $0x1082;
	s9 =	sld [smem:$0x3FB0]  }
0x2f: {  	lr =	sadd.s32 s0, s3;
	s0 =	sld [smem:$0x3FA7]  }
0x30: {  	s3 =	sld [smem:$0x3FAA]  }
0x31: {  	[smem:$0x3FB3] =	sst s10  }
0x32: {  	s10 =	sld [smem:$0x3FB1];
	_ =	sdelay $0x3  }
0x33: {  	p0 =	seq.s32 s10, $0x1;
	s10 =	sld [smem:$0x3FB3];
	_ =	sdelay $0x3  }
0x34: {  	[smem:$0x3FB3] =	sst s10  }
0x35: {  	s10 =	sld [smem:$0x3FB2];
	_ =	sdelay $0x3  }
0x36: {  	p1 =	seq.s32 s10, $0x1;
	s10 =	sld [smem:$0x3FB3];
	_ =	sdelay $0x3  }
0x37: {  	[smem:$0x3FB3] =	sst s10  }
0x38: {  	s10 =	sld [smem:$0x3FB4]  }
0x39: {  	_ = 	snop;
	(pc) =	sbr.ind lr, $3  }
0x3a: {  	_ = 	snop  }
0x3b: {  	_ = 	snop  }
0x3c: {  	p2 =	seq.s32 s10, $0x1;
	s10 =	sld [smem:$0x3FB3]  }
0x3d: {  	_ =	shalt  }
0x3e: {  	_ =	shalt  }
0x3f: {  	_ =	shalt  }
0x40: {  	_ =	shalt  }
0x41: {  	_ =	shalt  }
0x42: {  	_ =	shalt  }
0x43: {  	_ =	shalt  }
0x44: {  	_ =	shalt  }
0x45: {  	_ =	shalt  }
0x46: {  	_ =	shalt  }
0x47: {  	_ =	shalt  }
0x48: {  	_ =	shalt  }
0x49: {  	_ =	shalt  }
0x4a: {  	_ =	shalt  }
0x4b: {  	_ =	shalt  }
0x4c: {  	_ =	shalt  }
0x4d: {  	_ =	shalt  }
0x4e: {  	_ =	shalt  }
0x4f: {  	_ =	shalt  }
0x50: {  	_ =	shalt  }
0x51: {  	_ =	shalt  }
0x52: {  	_ =	shalt  }
0x53: {  	_ =	shalt  }
0x54: {  	_ =	shalt  }
0x55: {  	_ =	shalt  }
0x56: {  	_ =	shalt  }
0x57: {  	_ =	shalt  }
0x58: {  	_ =	shalt  }
0x59: {  	_ =	shalt  }
0x5a: {  	_ =	shalt  }
0x5b: {  	_ =	shalt  }
0x5c: {  	_ =	shalt  }
0x5d: {  	_ =	shalt  }
0x5e: {  	_ =	shalt  }
0x5f: {  	_ =	shalt  }
0x60: {  	_ =	shalt  }
0x61: {  	_ =	shalt  }
0x62: {  	_ =	shalt  }
0x63: {  	_ =	shalt  }
0x64: {  	_ =	shalt  }
0x65: {  	_ =	shalt  }
0x66: {  	_ =	shalt  }
0x67: {  	_ =	shalt  }
0x68: {  	_ =	shalt  }
0x69: {  	_ =	shalt  }
0x6a: {  	_ =	shalt  }
0x6b: {  	_ =	shalt  }
0x6c: {  	_ =	shalt  }
0x6d: {  	_ =	shalt  }
0x6e: {  	_ =	shalt  }
0x6f: {  	_ =	shalt  }
0x70: {  	_ =	shalt  }
0x71: {  	_ =	shalt  }
0x72: {  	_ =	shalt  }
0x73: {  	_ =	shalt  }
0x74: {  	_ =	shalt  }
0x75: {  	_ =	shalt  }
0x76: {  	_ =	shalt  }
0x77: {  	_ =	shalt  }
0x78: {  	_ =	shalt  }
0x79: {  	_ =	shalt  }
0x7a: {  	_ =	shalt  }
0x7b: {  	_ =	shalt  }
0x7c: {  	_ =	shalt  }
0x7d: {  	_ =	shalt  }
0x7e: {  	_ =	shalt  }
0x7f: {  	_ =	shalt  }
0x80: {  	_ =	shalt  }
0x81: {  	_ =	shalt  }
0x82: {  	_ =	shalt  }
0x83: {  	_ =	shalt  }
0x84: {  	_ =	shalt  }
0x85: {  	_ =	shalt  }
0x86: {  	_ =	shalt  }
0x87: {  	_ =	shalt  }
.Lfunc_end0:
.L_simem_size_0:
called_computation.1_lowered:
.L_overlay_start_0:
0x88: {  	s2 =	sld [smem:$0x3FD9]  }
0x89: {  	s3 =	sld [smem:$0x3FFE];
	_ =	sdelay $0x1  }
0x8a: {  	s1 =	srdreg.scid  }
0x8b: {  	s0 =	sand.u32 $0x1, s1  }
0x8c: {  	s17 =	sshll.u32 s0, $0xA;
	s2 =	sadd.s32 s3, s2  }
0x8d: {  	s2 =	sadd.s32 s2, s17  }
0x8e: {  	[smem:$0x3FBF] =	sst s2  }
0x8f: {  	_ = 	snop  }
0x90: {  	s2 =	sld [smem:$0x3FD0];
	(tm) =	ssettm $0x1  }
0x91: {  	s18 =	sld [smem:$0x3FFB];
	_ =	sdelay $0x3  }
0x92: {  	_ =	strace s18  }
0x93: {  	s3 =	sld [smem:$0x3FFC];
	_ =	sdelay $0x3  }
0x94: {  	_ =	strace s3  }
0x95: {  	s3 =	sld [smem:$0x3FFD];
	_ =	sdelay $0x3  }
0x96: {  	_ =	strace s3  }
0x97: {  	_ =	strace $0x8FFFFFFF  }
0x98: {  	s19 =	sld [smem:$0x3FDB];
	_ =	sdelay $0x1  }
0x99: {  	s4 =	simm.s32 $_scs_section_size  }
0x9a: {  	s5 =	simm.s32 $_size__tile_overlayer_lowered;
	s6 =	simm.s32 $_tile_overlayer_lowered  }
0x9b: {  	s22 =	simm.s32 $0x1BFF;
	s21 =	sshll.u32 s6, $0x1;
	s3 =	sadd.s32 s4, s19  }
0x9c: {  	s7 =	simm.s32 $0x0;
	s20 =	sshll.u32 s5, $0x1;
	s5 =	sadd.s32 s21, s3  }
0x9d: {  	[timem:s7], [sflag:s22] =	dma.local [hbm:s5], s20  }
0x9e: {  	_ =	swait.ge [sflag:s22], s20  }
0x9f: {  	s4 =	ssub.s32 $0x0, s20;
	[sflag:s22] =	ssyncset.done $0x0  }
0xa0: {  	[sflag:s22] =	ssyncadd.s32 s4;
	_ =	sdelay $0x1  }
0xa1: {  	s23 =	simm.s32 $0x1B8B  }
0xa2: {  	_ =	swait.ge [sflag:s23], $0x1  }
0xa3: {  	[sflag:s23] =	ssyncset.done $0x0  }
0xa4: {  	s25 =	simm.s32 $0x1B8E;
	s24 =	sld [smem:$0x3FFE];
	[sflag:s23] =	ssyncadd.s32 $0xFFFFFFFF  }
0xa5: {  	s26 =	simm.s32 $execute0_lowered;
	[smem:$0x3FD2] =	sst s25  }
0xa6: {  	s5 =	sshll.u32 s26, $0x1;
	_ =	strace $0x80000049;
	[dreg:$0x1] =	wrdreg $0xFFFFFFFF  }
0xa7: {  	s28 =	simm.s32 $_size_execute0_lowered;
	s3 =	sadd.s32 s3, s5;
	[dreg:$0x0] =	wrdreg $0x0  }
0xa8: {  	s5 =	sshll.u32 s28, $0x1;
	[dreg:$0x2] =	wrdreg s3  }
0xa9: {  	[dreg:$0x3] =	wrdreg s5  }
0xaa: {  	[dreg:$0x4] =	wrdreg $0xC0  }
0xab: {  	_ =	task [dreg:s7], $0x5FFFF  }
0xac: {  	[dreg:$0x1] =	wrdreg $0xFFFFFFFF  }
0xad: {  	[dreg:$0x0] =	wrdreg $0x60  }
0xae: {  	[dreg:$0x2] =	wrdreg s24  }
0xaf: {  	[dreg:$0x3] =	wrdreg s2  }
0xb0: {  	[dreg:$0x4] =	wrdreg $0xA5A00  }
0xb1: {  	[dreg:$0x5] =	wrdreg $0x9  }
0xb2: {  	_ =	task.clear_ibuf [dreg:s7], $0x6FFFF;
	_ =	strace $0x90000049  }
0xb3: {  	s29 =	simm.s32 $0x9;
	_ =	strace $0x8000004B  }
0xb4: {  	_ =	swait.ge [sflag:s29], $0x1  }
0xb5: {  	[sflag:s29] =	ssyncadd.s32 $0xFFFFFFFF  }
0xb6: {  	_ =	strace $0x9000004B  }
0xb7: {  	_ =	sfence  }
0xb8: {  	s30 =	sld [smem:$0x0];
	_ =	sdelay $0x2  }
0xb9: {  	s31 =	sshll.u32 s1, $0xD;
	s1 =	sshrl.u32 s1, $0x2  }
0xba: {  	s3 =	sand.u32 $0x4000, s31;
	s1 =	sadd.s32 s1, s30  }
0xbb: {  	s0 =	sor.u32 s3, s0;
	s1 =	sshll.u32 s1, $0x11  }
0xbc: {  	s0 =	sor.u32 s1, s0  }
0xbd: {  	s0 =	sadd.s32 $0x8F2B, s0  }
0xbe: {  	[sflag:s0] =	ssyncadd.remote.s32 $0x1  }
0xbf: {  	_ =	sfence.sel $0xFFFF  }
0xc0: {  	[dreg:$0x0] =	wrdreg $0xFFFFFFFF;
	(pc) =	sbr.abs _section_cstart, $3  }
0xc1: {  	[dreg:$0x1] =	wrdreg $0xFFFFFFFF  }
0xc2: {  	_ =	task.clear_ibuf [dreg:s7], $0x2FFFF;
	_ =	strace $0x9FFFFFFF  }
0xc3: {  	(tm) =	ssettm $0x7FFFFFFF  }
tec
execute0_lowered:
.L_overlay_start_1:
0x0: {  	(tag) =	ssettag $0x1  }
0x1: {  	s0 =	rddreg [dreg:$0x0]  }
0x2: {  	s1 =	rddreg [dreg:$0x1]  }
0x3: {  	s2 =	rddreg [dreg:$0x2];
	s4 =	srdreg.scid;
	s3 =	simm.s32 $0x0  }
0x4: {  	s7 =	stileid.u32;
	s22 =	simm.s32 $0x7;
	s28 =	simm.s32 $0x2DA0  }
0x5: {  	s29 =	simm.s32 $0x55A0;
	s30 =	simm.s32 $0x7DA0;
	s31 =	simm.s32 $0x2  }
0x6: {  	s6 =	sand.u32 $0x1, s4;
	[smem:$0x7FF] =	sst s3;
	s12 =	sadd.s32 $0x29C00, s0  }
0x7: {  	s11 =	smul.u32 $0x13800, s7;
	s19 =	sadd.s32 $0x138000, s2;
	p2 =	seq.s32 s7, $0x0  }
0x8: {  	p1 =	sne.s32 s7, $0x0;
	s4 =	sshll.u32 s6, $0x4;
	_ =	strace $0x8000004A  }
0x9: {  	s8 =	smul.u32 $0x27100, s6;
	s9 =	ssub.s32 $0x2, s6;
	[dreg:$0x4] =	wrdreg s12  }
0xa: {  	p0 =	sne.s32 s6, $0x0;
	s26 =	sshrl.u32 s19, $0x3;
	s6 =	simm.s32 $0x550  }
0xb: {  	s5 =	sor.u32 s7, s4;
	s4 =	sadd.s32 $0x2A00, s0;
	s10 =	sshrl.u32 s9, $0x1  }
0xc: {  	s18 =	sshrl.u32 s11, $0x3;
	s11 =	sadd.s32 s11, s2;
	[dreg:$0xd] =	wrdreg s26  }
0xd: {  	s26 =	simm.s32 $0x5A0;
	s5 =	smul.u32 $0x2710, s5;
	s0 =	sadd.s32 s8, s0  }
0xe: {  	s10 =	ssub.s32 s9, s10;
	s8 =	sadd.s32 $0x9C40, s1;
	s12 =	sadd.s32 s12, s18  }
0xf: {  	[dreg:$0x8] =	wrdreg s18;
	s9 =	sadd.s32 s4, s18;
	s18 =	sshll.u32 s7, $0x6  }
0x10: {  	s21 =	sshrl.u32 s11, $0x3;
	s11 =	simm.s32 $0x5;
	[dreg:$0x7] =	wrdreg s12  }
0x11: {  	s7 =	simm.s32 $0x0;
	[dreg:$0x9] =	wrdreg s9;
	s16 =	sadd.s32 $0x50E00, s0  }
0x12: {  	s25 =	smax.u32 s10, $0x1;
	s20 =	sor.u32 $0x1C07, s18;
	s9 =	smov.u32 s19  }
0x13: {  	s0 =	simm.s32 $0x3;
	s19 =	simm.s32 $0x500;
	s13 =	sshrl.u32 s5, $0x3  }
.Ltmp0:
0x14: {  	[dreg:$0xc] =	wrdreg s25;
	s17 =	sadd.s32 s1, s13;
	(pc) =	sbr.rel .LBB2_1-.Ltmp0, $4  }
0x15: {  	s14 =	sadd.s32 s13, s8;
	s13 =	sadd.s32 $0x4D8, s13;
	[dreg:$0x5] =	wrdreg s17  }
0x16: {  	s25 =	simm.s32 $0x50;
	[dreg:$0x6] =	wrdreg s14;
	s23 =	sadd.s32 s1, s13  }
0x17: {  	s24 =	sadd.s32 s13, s8;
	s13 =	simm.s32 $0x6;
	[dreg:$0xa] =	wrdreg s23  }
0x18: {  	[dreg:$0xb] =	wrdreg s24;
	s24 =	simm.s32 $0x1;
	s23 =	simm.s32 $0x4  }
.LBB2_12:
0x19: {  	_ =	swait.ge [sflag:s0], $0x2800  }
0x1a: {  	[sflag:s0] =	ssyncset.done $0x0  }
0x1b: {  	[sflag:s0] =	ssyncadd.s32 $0xFFFFD800  }
0x1c: {  	_ =	swait.ge [sflag:s23], $0x2800  }
0x1d: {  	[sflag:s23] =	ssyncset.done $0x0  }
0x1e: {  	[sflag:s23] =	ssyncadd.s32 $0xFFFFD800  }
0x1f: {  	_ =	swait.ge [sflag:s11], $0x2800  }
0x20: {  	[sflag:s11] =	ssyncset.done $0x0  }
0x21: {  	[sflag:s11] =	ssyncadd.s32 $0xFFFFD800  }
0x22: {  	_ =	swait.ge [sflag:s13], $0x2800  }
0x23: {  	[sflag:s13] =	ssyncset.done $0x0  }
0x24: {  	s10 =	rddreg [dreg:$0xa];
	[sflag:s13] =	ssyncadd.s32 $0xFFFFD800  }
0x25: {  	[tilespmem:s19], [sflag:$0x7] =	stream.linear.gather [hbm4b:s10+s3], $0x50, $0x38;
	[tilespmem:$0x1DE20] =	vst v63  }
0x26: {  	_ =	swait.ge [sflag:s22], $0x50  }
0x27: {  	[sflag:s22] =	ssyncset.done $0x0  }
0x28: {  	s14 =	rddreg [dreg:$0xb];
	[sflag:s22] =	ssyncadd.s32 $0xFFFFFFB0  }
0x29: {  	[tilespmem:s6], [sflag:$0x7] =	stream.linear.gather [hbm4b:s14+s3], $0x50, $0x38;
	[tilespmem:$0x1DE20] =	vst v63  }
0x2a: {  	_ =	swait.ge [sflag:s22], $0x50  }
0x2b: {  	[sflag:s22] =	ssyncset.done $0x0  }
0x2c: {  	[sflag:s22] =	ssyncadd.s32 $0xFFFFFFB0  }
0x2d: {  	[tilespmem:s26], [sflag:$0x2] =	stream.indirect.gather [hbm4b:s4+s25], $0x80, s19, s25, $0xb8;
	[tilespmem:$0x1DE20] =	vst v63  }
0x2e: {  	_ =	swait.ge [sflag:s31], $0x2800  }
0x2f: {  	[sflag:s31] =	ssyncset.done $0x0  }
0x30: {  	[sflag:s31] =	ssyncadd.s32 $0xFFFFD800  }
0x31: {  	[spmem:s2] =	stream.indirect.scatter.add.f32 [tilespmem:s26], [sflag:$0x7], $0x80, s6, s25, $0xb8;
	[tilespmem:$0x1DE20] =	vst v63  }
0x32: {  	_ =	swait.ge [sflag:s22], $0x2800  }
0x33: {  	[sflag:s22] =	ssyncset.done $0x0  }
0x34: {  	[sflag:s22] =	ssyncadd.s32 $0xFFFFD800  }
0x35: {  	[bflag:$0x0] =	sbarrier.arrive $0xFFFF  }
0x36: {  	s15 =	rddreg [dreg:$0x8]  }
0x37: {  	s12 =	sor.u32 $0x1C07, s18;
	s10 =	sadd.s32 s15, s16  }
0x38: {  	[hbm:s10], [sflag:s12] =	dma.local [spmem:s21], $0x2700  }
0x39: {  	_ =	swait.ge [sflag:s22], $0x2700  }
0x3a: {  	[sflag:s22] =	ssyncset.done $0x0  }
0x3b: {  	s14 =	sshrl.u32 @!p1 s9, $0x3;
	s10 =	sadd.s32 @!p1 $0x27000, s16;
	[sflag:s22] =	ssyncadd.s32 $0xFFFFD900  }
0x3c: {  	[hbm:s10], [sflag:s12] =	dma.local @!p1 [spmem:s14], $0x100  }
0x3d: {  	s10 =	simm.s32 @!p1 $0x7  }
0x3e: {  	_ =	swait.ge @!p1 [sflag:s10], $0x100  }
0x3f: {  	s7 =	sadd.s32 $0x1, s7;
	s17 =	rddreg [dreg:$0xc]  }
0x40: {  	p3 =	sne.s32 s7, s17  }
.Ltmp1:
0x41: {  	_ = 	snop;
	(pc) =	sbr.rel @!p3 .LBB2_13-.Ltmp1, $3  }
0x42: {  	_ =	sdelay $0x1  }
0x43: {  	[sflag:s10] =	ssyncset.done @!p1 $0x0  }
0x44: {  	[sflag:s10] =	ssyncadd.s32 @!p1 $0xFFFFFF00  }
.LBB2_1:
.Ltmp2:
0x45: {  	(pc) =	sbr.rel @p0 .LBB2_3-.Ltmp2, $4  }
0x46: {  	s10 =	rddreg [dreg:$0x5]  }
0x47: {  	[tilespmem:s3], [sflag:$0x1] =	stream.linear.gather [hbm4b:s10+s3], $0x140, $0x38;
	[tilespmem:$0x1DE20] =	vst v63  }
0x48: {  	s17 =	rddreg [dreg:$0x6];
	s12 =	simm.s32 $0x280  }
0x49: {  	[tilespmem:s12], [sflag:$0x1] =	stream.linear.gather [hbm4b:s17+s3], $0x140, $0x38;
	[tilespmem:$0x1DE20] =	vst v63  }
0x4a: {  	s10 =	rddreg [dreg:$0x9]  }
0x4b: {  	[spmem:s21], [sflag:s20] =	dma.local [hbm:s10], $0x2700  }
.Ltmp3:
0x4c: {  	_ = 	snop;
	(pc) =	sbr.rel @!p2 .LBB2_5-.Ltmp3, $4  }
.Ltmp4:
0x4d: {  	_ = 	snop;
	(pc) =	sbr.rel @p2 .LBB2_4-.Ltmp4, $4  }
0x4e: {  	_ =	swait.ge [sflag:s22], $0x2700  }
0x4f: {  	[sflag:s22] =	ssyncset.done $0x0  }
0x50: {  	s14 =	smov.u32 s4;
	s10 =	smov.u32 s20;
	[sflag:s22] =	ssyncadd.s32 $0xFFFFD900  }
0x51: {  	_ = 	snop  }
.LBB2_3:
.Ltmp5:
0x52: {  	s10 =	sor.u32 $0x1C07, s18;
	s12 =	rddreg [dreg:$0x7];
	(pc) =	sbr.rel @p1 .LBB2_5-.Ltmp5, $4  }
0x53: {  	[spmem:s21], [sflag:s10] =	dma.local [hbm:s12], $0x2700  }
0x54: {  	_ =	swait.ge [sflag:s22], $0x2700  }
0x55: {  	[sflag:s22] =	ssyncset.done $0x0  }
0x56: {  	s14 =	rddreg [dreg:$0x4];
	[sflag:s22] =	ssyncadd.s32 $0xFFFFD900  }
.LBB2_4:
0x57: {  	s14 =	sadd.s32 $0x27000, s14;
	s12 =	rddreg [dreg:$0xd]  }
0x58: {  	[spmem:s12], [sflag:s10] =	dma.local [hbm:s14], $0x100  }
0x59: {  	_ =	swait.ge [sflag:s22], $0x100  }
0x5a: {  	[sflag:s22] =	ssyncset.done $0x0  }
0x5b: {  	[sflag:s22] =	ssyncadd.s32 $0xFFFFFF00  }
.LBB2_5:
0x5c: {  	_ =	swait.ge [sflag:s24], $0x140  }
0x5d: {  	[sflag:s24] =	ssyncset.done $0x0  }
0x5e: {  	[sflag:s24] =	ssyncadd.s32 $0xFFFFFEC0  }
.Ltmp6:
0x5f: {  	_ =	swait.ge [sflag:s24], $0x140;
	(pc) =	sbr.rel .LBB2_6-.Ltmp6, $4  }
0x60: {  	[sflag:s24] =	ssyncset.done $0x0  }
0x61: {  	[sflag:s24] =	ssyncadd.s32 $0xFFFFFEC0  }
0x62: {  	[bflag:$0x0] =	sbarrier.arrive $0xFFFF  }
0x63: {  	s10 =	simm.s32 $0x0  }
.LBB2_14:
0x64: {  	s10 =	simm.s32 $0x1F;
	p3 =	por $0x1, $0x1  }
.LBB2_11:
0x65: {  	_ =	swait.ge [sflag:s31], $0x2800  }
0x66: {  	[sflag:s31] =	ssyncset.done $0x0  }
0x67: {  	s12 =	sadd.s32 $0x280, s14;
	[sflag:s31] =	ssyncadd.s32 $0xFFFFD800  }
0x68: {  	[spmem:s2] =	stream.indirect.scatter.add.f32 [tilespmem:s26], [sflag:$0x3], $0x80, s12, s25, $0xb8;
	[tilespmem:$0x1DE20] =	vst v63  }
0x69: {  	_ =	swait.ge [sflag:s31], $0x2800  }
0x6a: {  	[sflag:s31] =	ssyncset.done $0x0  }
0x6b: {  	s17 =	sadd.s32 $0x2D0, s14;
	[sflag:s31] =	ssyncadd.s32 $0xFFFFD800  }
0x6c: {  	[spmem:s2] =	stream.indirect.scatter.add.f32 [tilespmem:s28], [sflag:$0x4], $0x80, s17, s25, $0xb8;
	[tilespmem:$0x1DE20] =	vst v63  }
0x6d: {  	_ =	swait.ge [sflag:s31], $0x2800  }
0x6e: {  	[sflag:s31] =	ssyncset.done $0x0  }
0x6f: {  	s15 =	sadd.s32 $0x320, s14;
	[sflag:s31] =	ssyncadd.s32 $0xFFFFD800  }
0x70: {  	[spmem:s2] =	stream.indirect.scatter.add.f32 [tilespmem:s29], [sflag:$0x5], $0x80, s15, s25, $0xb8;
	[tilespmem:$0x1DE20] =	vst v63  }
0x71: {  	_ =	swait.ge [sflag:s31], $0x2800  }
0x72: {  	[sflag:s31] =	ssyncset.done $0x0  }
0x73: {  	s12 =	simm.s32 @!p3 $0x1;
	s17 =	sadd.s32 $0x370, s14;
	[sflag:s31] =	ssyncadd.s32 $0xFFFFD800  }
0x74: {  	[spmem:s2] =	stream.indirect.scatter.add.f32 [tilespmem:s30], [sflag:$0x6], $0x80, s17, s25, $0xb8;
	[tilespmem:$0x1DE20] =	vst v63  }
0x75: {  	p4 =	slt.u32 s10, $0x1F;
	_ =	swait.ge @!p3 [sflag:s12], $0x140  }
.Ltmp7:
0x76: {  	[sflag:s12] =	ssyncset.done @!p3 $0x0;
	(pc) =	sbr.rel @!p4 .LBB2_12-.Ltmp7, $4  }
0x77: {  	[sflag:s12] =	ssyncadd.s32 @!p3 $0xFFFFFEC0  }
0x78: {  	_ =	swait.ge @!p3 [sflag:s12], $0x140  }
0x79: {  	[sflag:s12] =	ssyncset.done @!p3 $0x0  }
0x7a: {  	[sflag:s12] =	ssyncadd.s32 @!p3 $0xFFFFFEC0  }
.LBB2_6:
0x7b: {  	p3 =	sne.s32 s10, $0x0  }
.Ltmp8:
0x7c: {  	_ = 	snop;
	(pc) =	sbr.rel @!p3 .LBB2_7-.Ltmp8, $2  }
0x7d: {  	_ =	sdelay $0x2  }
0x7e: {  	s15 =	sand.u32 $0x1, s10  }
0x7f: {  	_ =	swait.ge [sflag:s0], $0x2800  }
0x80: {  	s14 =	smul.u32 $0x140, s15;
	[sflag:s0] =	ssyncset.done $0x0  }
0x81: {  	[sflag:s0] =	ssyncadd.s32 $0xFFFFD800  }
0x82: {  	[tilespmem:s26], [sflag:$0x2] =	stream.indirect.gather [hbm4b:s4+s25], $0x80, s14, s25, $0xb8;
	[tilespmem:$0x1DE20] =	vst v63  }
0x83: {  	_ =	swait.ge [sflag:s23], $0x2800  }
0x84: {  	[sflag:s23] =	ssyncset.done $0x0  }
0x85: {  	s17 =	sadd.s32 $0x50, s14;
	[sflag:s23] =	ssyncadd.s32 $0xFFFFD800  }
0x86: {  	[tilespmem:s28], [sflag:$0x2] =	stream.indirect.gather [hbm4b:s4+s25], $0x80, s17, s25, $0xb8;
	[tilespmem:$0x1DE20] =	vst v63  }
0x87: {  	_ =	swait.ge [sflag:s11], $0x2800  }
0x88: {  	[sflag:s11] =	ssyncset.done $0x0  }
0x89: {  	p3 =	seq.s32 s10, $0x1E;
	s12 =	sadd.s32 $0xA0, s14;
	[sflag:s11] =	ssyncadd.s32 $0xFFFFD800  }
0x8a: {  	[tilespmem:s29], [sflag:$0x2] =	stream.indirect.gather [hbm4b:s4+s25], $0x80, s12, s25, $0xb8;
	[tilespmem:$0x1DE20] =	vst v63  }
.Ltmp9:
0x8b: {  	_ = 	snop;
	(pc) =	sbr.rel @p3 .LBB2_14-.Ltmp9, $4  }
0x8c: {  	_ =	swait.ge [sflag:s13], $0x2800  }
0x8d: {  	[sflag:s13] =	ssyncset.done $0x0  }
0x8e: {  	s12 =	sadd.s32 $0xF0, s14;
	[sflag:s13] =	ssyncadd.s32 $0xFFFFD800  }
0x8f: {  	[tilespmem:s30], [sflag:$0x2] =	stream.indirect.gather [hbm4b:s4+s25], $0x80, s12, s25, $0xb8;
	[tilespmem:$0x1DE20] =	vst v63  }
.Ltmp10:
0x90: {  	(pc) =	sbr.rel .LBB2_10-.Ltmp10, $2  }
0x91: {  	_ =	sdelay $0x2  }
0x92: {  	s10 =	sadd.s32 $0x1, s10  }
.LBB2_7:
0x93: {  	s10 =	smul.u32 $0x500, s15;
	_ =	sdelay $0x1  }
0x94: {  	s10 =	sshrl.u32 s10, $0x2  }
0x95: {  	[tilespmem:s26], [sflag:$0x2] =	stream.indirect.gather [hbm4b:s4+s25], $0x80, s10, s25, $0xb8;
	[tilespmem:$0x1DE20] =	vst v63  }
0x96: {  	s14 =	sadd.s32 $0x50, s10  }
0x97: {  	[tilespmem:s28], [sflag:$0x2] =	stream.indirect.gather [hbm4b:s4+s25], $0x80, s14, s25, $0xb8;
	[tilespmem:$0x1DE20] =	vst v63  }
0x98: {  	s17 =	sadd.s32 $0xA0, s10  }
0x99: {  	[tilespmem:s29], [sflag:$0x2] =	stream.indirect.gather [hbm4b:s4+s25], $0x80, s17, s25, $0xb8;
	[tilespmem:$0x1DE20] =	vst v63  }
0x9a: {  	s10 =	sadd.s32 $0xF0, s10  }
0x9b: {  	[tilespmem:s30], [sflag:$0x2] =	stream.indirect.gather [hbm4b:s4+s25], $0x80, s10, s25, $0xb8;
	[tilespmem:$0x1DE20] =	vst v63  }
0x9c: {  	s14 =	simm.s32 $0x0;
	s10 =	simm.s32 $0x1  }
.LBB2_10:
0x9d: {  	s17 =	smul.u32 $0x140, s10  }
0x9e: {  	s15 =	sxor.u32 $0x1, s15  }
0x9f: {  	s15 =	smul.u32 $0x140, s15;
	s17 =	sadd.s32 s5, s17  }
.Ltmp11:
0xa0: {  	s17 =	sshrl.u32 s17, $0x3;
	(pc) =	sbr.rel .LBB2_11-.Ltmp11, $4  }
0xa1: {  	s12 =	sadd.s32 s1, s17  }
0xa2: {  	[tilespmem:s15], [sflag:$0x1] =	stream.linear.gather [hbm4b:s12+s3], $0x140, $0x38;
	[tilespmem:$0x1DE20] =	vst v63  }
0xa3: {  	p3 =	por $0x0, $0x0;
	s17 =	sadd.s32 s8, s17;
	s15 =	sadd.s32 $0x280, s15  }
0xa4: {  	[tilespmem:s15], [sflag:$0x1] =	stream.linear.gather [hbm4b:s17+s3], $0x140, $0x38;
	[tilespmem:$0x1DE20] =	vst v63  }
.LBB2_13:
0xa5: {  	_ =	sfence.sel $0x180000  }
0xa6: {  	[bflag:$0x0] =	sbarrier.arrive $0xFFFF  }
0xa7: {  	_ =	strace $0x9000004A  }
0xa8: {  	[bflag:$0x2] =	sbarrier.arrive $0xFFFF  }
0xa9: {  	s0 =	rddreg [dreg:$0x3]  }
0xaa: {  	s0 =	sadd.s32 @!p1 $0x100000, s0  }
0xab: {  	[sflag:s0] =	ssyncadd.tile.s32 @!p1 $0x1;
	_ =	shalt  }
.Lfunc_end2:
_tile_overlayer_lowered:
.L_overlay_start_2:
0xac: {  	(tag) =	ssettag $0x2  }
0xad: {  	s0 =	rddreg [dreg:$0x0];
	s2 =	stileid.u32  }
0xae: {  	s1 =	rddreg [dreg:$0x1];
	p0 =	sne.s32 s2, $0x0  }
0xaf: {  	s3 =	rddreg [dreg:$0x2];
	[bflag:$0x3] =	sbarrier.arrive $0xFFFF;
	s2 =	simm.s32 @!p0 $0x1C07  }
0xb0: {  	[timem:s3], [sflag:s2] =	dma.local @!p0 [hbm:s0], s1  }
0xb1: {  	s0 =	simm.s32 @!p0 $0x7  }
0xb2: {  	_ =	swait.ge @!p0 [sflag:s0], s1  }
0xb3: {  	s1 =	ssub.s32 @!p0 $0x0, s1;
	[sflag:s0] =	ssyncset.done @!p0 $0x0  }
0xb4: {  	[sflag:s0] =	ssyncadd.s32 @!p0 s1  }
0xb5: {  	[bflag:$0x3] =	sbarrier.arrive $0xFFFF  }
0xb6: {  	_ =	shalt  }

// kernel: kernel.14.cloned.1.call-start
scs
__scs_entry_jumppad:
0x0: {  	(pc) =	sbr.rel $0x88, $3  }
0x1: {  	(tag) =	ssettag $0x0;
	lr =	simm.s32 $0x1  }
0x2: {  	[smem:$0x3F98] =	sst lr;
	_ =	strace $0xD0000000  }
0x3: {  	_ = 	snop  }
0x4: {  	_ = 	snop  }
0x5: {  	_ = 	snop  }
0x6: {  	_ = 	snop  }
0x7: {  	_ = 	snop  }
__scs_overlays_trampoline_lowered:
0x8: {  	[smem:$0x3FA7] =	sst s0  }
0x9: {  	[smem:$0x3FA8] =	sst s1  }
0xa: {  	[smem:$0x3FA9] =	sst s2  }
0xb: {  	[smem:$0x3FAA] =	sst s3  }
0xc: {  	[smem:$0x3FAB] =	sst s4  }
0xd: {  	[smem:$0x3FAC] =	sst s5  }
0xe: {  	[smem:$0x3FAD] =	sst s6  }
0xf: {  	[smem:$0x3FAE] =	sst s7  }
0x10: {  	[smem:$0x3FAF] =	sst s8  }
0x11: {  	[smem:$0x3FB0] =	sst s9;
	s0 =	simm.s32 @!p0 $0x0  }
0x12: {  	s1 =	sld [smem:$0x3F96];
	s0 =	simm.s32 @p0 $0x1  }
0x13: {  	[smem:$0x3FB1] =	sst s0;
	s0 =	simm.s32 @!p1 $0x0  }
0x14: {  	s2 =	sld [smem:$0x3F95];
	s0 =	simm.s32 @p1 $0x1  }
0x15: {  	[smem:$0x3FB2] =	sst s0;
	s0 =	simm.s32 @!p2 $0x0  }
0x16: {  	s3 =	sld [smem:$0x3FDB];
	s0 =	simm.s32 @p2 $0x1  }
0x17: {  	s4 =	simm.s32 $0x1BF5;
	[smem:$0x3FB4] =	sst s0  }
0x18: {  	s0 =	sld [smem:$0x3F97];
	_ =	swait.ge [sflag:s4], $0x0  }
0x19: {  	s7 =	sld [smem:$0x3F98]  }
0x1a: {  	s8 =	sadd.s32 $0xFFFFE003, lr  }
0x1b: {  	s9 =	sadd.s32 $0xFFFFFEF7, lr;
	s5 =	simm.s32 $0xFFFFFFFF;
	p2 =	slt.u32 s8, $0xFFFFF086  }
0x1c: {  	p1 =	slt.u32 s9, $0xF7A;
	s5 =	simm.s32 @!p2 $0x0  }
0x1d: {  	s5 =	simm.s32 @p1 $0x1;
	p0 =	seq.s32 s7, s2  }
0x1e: {  	s7 =	smul.u32 @!p0 $0xF7A, s2;
	p2 =	seq.s32 @!p0 s5, $0x0  }
0x1f: {  	s9 =	smul.u32 $0xF7A, s1;
	s8 =	simm.s32 @!p0 $0x1BF5;
	p2 =	por !p2, p0  }
0x20: {  	[sflag:s8] =	ssyncset.s32 @!p0 $0xFFFFF086;
	s6 =	sadd.s32 @!p0 s3, s7;
	s7 =	simm.s32 @!p0 $0x108  }
0x21: {  	s3 =	sadd.s32 s3, s9;
	s6 =	sadd.s32 @!p0 $0x88, s6;
	s7 =	simm.s32 @p2 $0x1082  }
0x22: {  	[simem:s7], [sflag:s8] =	dma.local @!p0 [hbm:s6], $0xF7A  }
0x23: {  	s9 =	sor.u32 $0xD0000000, s2;
	s6 =	simm.s32 $0x108;
	_ =	swait.ge @!p0 [sflag:s8], $0x0  }
0x24: {  	s3 =	sadd.s32 $0x88, s3;
	s6 =	simm.s32 @!p1 $0x1082;
	[sflag:s4] =	ssyncset.s32 $0xFFFFF086  }
0x25: {  	[simem:s6], [sflag:s4] =	dma.local [hbm:s3], $0xF7A  }
0x26: {  	[smem:$0x3F98] =	sst s1;
	(tag) =	ssettag s2;
	_ =	strace s9  }
0x27: {  	s1 =	sld [smem:$0x3FA8]  }
0x28: {  	s2 =	sld [smem:$0x3FA9]  }
0x29: {  	s4 =	sld [smem:$0x3FAB]  }
0x2a: {  	p0 =	seq.s32 s5, $0x0;
	s5 =	sld [smem:$0x3FAC]  }
0x2b: {  	s6 =	sld [smem:$0x3FAD]  }
0x2c: {  	s7 =	sld [smem:$0x3FAE]  }
0x2d: {  	s3 =	simm.s32 $0x108;
	s8 =	sld [smem:$0x3FAF]  }
0x2e: {  	s3 =	simm.s32 @!p0 $0x1082;
	s9 =	sld [smem:$0x3FB0]  }
0x2f: {  	lr =	sadd.s32 s0, s3;
	s0 =	sld [smem:$0x3FA7]  }
0x30: {  	s3 =	sld [smem:$0x3FAA]  }
0x31: {  	[smem:$0x3FB3] =	sst s10  }
0x32: {  	s10 =	sld [smem:$0x3FB1];
	_ =	sdelay $0x3  }
0x33: {  	p0 =	seq.s32 s10, $0x1;
	s10 =	sld [smem:$0x3FB3];
	_ =	sdelay $0x3  }
0x34: {  	[smem:$0x3FB3] =	sst s10  }
0x35: {  	s10 =	sld [smem:$0x3FB2];
	_ =	sdelay $0x3  }
0x36: {  	p1 =	seq.s32 s10, $0x1;
	s10 =	sld [smem:$0x3FB3];
	_ =	sdelay $0x3  }
0x37: {  	[smem:$0x3FB3] =	sst s10  }
0x38: {  	s10 =	sld [smem:$0x3FB4]  }
0x39: {  	_ = 	snop;
	(pc) =	sbr.ind lr, $3  }
0x3a: {  	_ = 	snop  }
0x3b: {  	_ = 	snop  }
0x3c: {  	p2 =	seq.s32 s10, $0x1;
	s10 =	sld [smem:$0x3FB3]  }
0x3d: {  	_ =	shalt  }
0x3e: {  	_ =	shalt  }
0x3f: {  	_ =	shalt  }
0x40: {  	_ =	shalt  }
0x41: {  	_ =	shalt  }
0x42: {  	_ =	shalt  }
0x43: {  	_ =	shalt  }
0x44: {  	_ =	shalt  }
0x45: {  	_ =	shalt  }
0x46: {  	_ =	shalt  }
0x47: {  	_ =	shalt  }
0x48: {  	_ =	shalt  }
0x49: {  	_ =	shalt  }
0x4a: {  	_ =	shalt  }
0x4b: {  	_ =	shalt  }
0x4c: {  	_ =	shalt  }
0x4d: {  	_ =	shalt  }
0x4e: {  	_ =	shalt  }
0x4f: {  	_ =	shalt  }
0x50: {  	_ =	shalt  }
0x51: {  	_ =	shalt  }
0x52: {  	_ =	shalt  }
0x53: {  	_ =	shalt  }
0x54: {  	_ =	shalt  }
0x55: {  	_ =	shalt  }
0x56: {  	_ =	shalt  }
0x57: {  	_ =	shalt  }
0x58: {  	_ =	shalt  }
0x59: {  	_ =	shalt  }
0x5a: {  	_ =	shalt  }
0x5b: {  	_ =	shalt  }
0x5c: {  	_ =	shalt  }
0x5d: {  	_ =	shalt  }
0x5e: {  	_ =	shalt  }
0x5f: {  	_ =	shalt  }
0x60: {  	_ =	shalt  }
0x61: {  	_ =	shalt  }
0x62: {  	_ =	shalt  }
0x63: {  	_ =	shalt  }
0x64: {  	_ =	shalt  }
0x65: {  	_ =	shalt  }
0x66: {  	_ =	shalt  }
0x67: {  	_ =	shalt  }
0x68: {  	_ =	shalt  }
0x69: {  	_ =	shalt  }
0x6a: {  	_ =	shalt  }
0x6b: {  	_ =	shalt  }
0x6c: {  	_ =	shalt  }
0x6d: {  	_ =	shalt  }
0x6e: {  	_ =	shalt  }
0x6f: {  	_ =	shalt  }
0x70: {  	_ =	shalt  }
0x71: {  	_ =	shalt  }
0x72: {  	_ =	shalt  }
0x73: {  	_ =	shalt  }
0x74: {  	_ =	shalt  }
0x75: {  	_ =	shalt  }
0x76: {  	_ =	shalt  }
0x77: {  	_ =	shalt  }
0x78: {  	_ =	shalt  }
0x79: {  	_ =	shalt  }
0x7a: {  	_ =	shalt  }
0x7b: {  	_ =	shalt  }
0x7c: {  	_ =	shalt  }
0x7d: {  	_ =	shalt  }
0x7e: {  	_ =	shalt  }
0x7f: {  	_ =	shalt  }
0x80: {  	_ =	shalt  }
0x81: {  	_ =	shalt  }
0x82: {  	_ =	shalt  }
0x83: {  	_ =	shalt  }
0x84: {  	_ =	shalt  }
0x85: {  	_ =	shalt  }
0x86: {  	_ =	shalt  }
0x87: {  	_ =	shalt  }
.Lfunc_end0:
.L_simem_size_0:
called_computation.2_lowered:
.L_overlay_start_0:
0x88: {  	s2 =	sld [smem:$0x3FD9]  }
0x89: {  	s3 =	sld [smem:$0x3FFE];
	_ =	sdelay $0x1  }
0x8a: {  	s1 =	srdreg.scid  }
0x8b: {  	s0 =	sand.u32 $0x1, s1  }
0x8c: {  	s17 =	sshll.u32 s0, $0xA;
	s2 =	sadd.s32 s3, s2  }
0x8d: {  	s2 =	sadd.s32 s2, s17  }
0x8e: {  	[smem:$0x3FBF] =	sst s2  }
0x8f: {  	_ = 	snop  }
0x90: {  	s2 =	sld [smem:$0x3FD0];
	(tm) =	ssettm $0x1  }
0x91: {  	s18 =	sld [smem:$0x3FFB];
	_ =	sdelay $0x3  }
0x92: {  	_ =	strace s18  }
0x93: {  	s3 =	sld [smem:$0x3FFC];
	_ =	sdelay $0x3  }
0x94: {  	_ =	strace s3  }
0x95: {  	s3 =	sld [smem:$0x3FFD];
	_ =	sdelay $0x3  }
0x96: {  	_ =	strace s3  }
0x97: {  	_ =	strace $0x8FFFFFFF  }
0x98: {  	s19 =	sld [smem:$0x3FDB];
	_ =	sdelay $0x1  }
0x99: {  	s4 =	simm.s32 $_scs_section_size  }
0x9a: {  	s5 =	simm.s32 $_size__tile_overlayer_lowered;
	s6 =	simm.s32 $_tile_overlayer_lowered  }
0x9b: {  	s22 =	simm.s32 $0x1BFF;
	s21 =	sshll.u32 s6, $0x1;
	s3 =	sadd.s32 s4, s19  }
0x9c: {  	s7 =	simm.s32 $0x0;
	s20 =	sshll.u32 s5, $0x1;
	s5 =	sadd.s32 s21, s3  }
0x9d: {  	[timem:s7], [sflag:s22] =	dma.local [hbm:s5], s20  }
0x9e: {  	_ =	swait.ge [sflag:s22], s20  }
0x9f: {  	s4 =	ssub.s32 $0x0, s20;
	[sflag:s22] =	ssyncset.done $0x0  }
0xa0: {  	[sflag:s22] =	ssyncadd.s32 s4;
	_ =	sdelay $0x1  }
0xa1: {  	s23 =	simm.s32 $0x1B8B  }
0xa2: {  	_ =	swait.ge [sflag:s23], $0x1  }
0xa3: {  	[sflag:s23] =	ssyncset.done $0x0  }
0xa4: {  	s25 =	simm.s32 $0x1B8E;
	s24 =	sld [smem:$0x3FFE];
	[sflag:s23] =	ssyncadd.s32 $0xFFFFFFFF  }
0xa5: {  	s26 =	simm.s32 $execute0_lowered;
	[smem:$0x3FD2] =	sst s25  }
0xa6: {  	s5 =	sshll.u32 s26, $0x1;
	_ =	strace $0x8000004C;
	[dreg:$0x1] =	wrdreg $0xFFFFFFFF  }
0xa7: {  	s28 =	simm.s32 $_size_execute0_lowered;
	s3 =	sadd.s32 s3, s5;
	[dreg:$0x0] =	wrdreg $0x0  }
0xa8: {  	s5 =	sshll.u32 s28, $0x1;
	[dreg:$0x2] =	wrdreg s3  }
0xa9: {  	[dreg:$0x3] =	wrdreg s5  }
0xaa: {  	[dreg:$0x4] =	wrdreg $0xC0  }
0xab: {  	_ =	task [dreg:s7], $0x5FFFF  }
0xac: {  	[dreg:$0x1] =	wrdreg $0xFFFFFFFF  }
0xad: {  	[dreg:$0x0] =	wrdreg $0x60  }
0xae: {  	[dreg:$0x2] =	wrdreg s24  }
0xaf: {  	[dreg:$0x3] =	wrdreg s2  }
0xb0: {  	[dreg:$0x4] =	wrdreg $0xA5A00  }
0xb1: {  	[dreg:$0x5] =	wrdreg $0x9  }
0xb2: {  	_ =	task.clear_ibuf [dreg:s7], $0x6FFFF;
	_ =	strace $0x9000004C  }
0xb3: {  	s29 =	simm.s32 $0x9;
	_ =	strace $0x8000004E  }
0xb4: {  	_ =	swait.ge [sflag:s29], $0x1  }
0xb5: {  	[sflag:s29] =	ssyncadd.s32 $0xFFFFFFFF  }
0xb6: {  	_ =	strace $0x9000004E  }
0xb7: {  	_ =	sfence  }
0xb8: {  	s30 =	sld [smem:$0x0];
	_ =	sdelay $0x2  }
0xb9: {  	s31 =	sshll.u32 s1, $0xD;
	s1 =	sshrl.u32 s1, $0x2  }
0xba: {  	s3 =	sand.u32 $0x4000, s31;
	s1 =	sadd.s32 s1, s30  }
0xbb: {  	s0 =	sor.u32 s3, s0;
	s1 =	sshll.u32 s1, $0x11  }
0xbc: {  	s0 =	sor.u32 s1, s0  }
0xbd: {  	s0 =	sadd.s32 $0x8F2B, s0  }
0xbe: {  	[sflag:s0] =	ssyncadd.remote.s32 $0x1  }
0xbf: {  	_ =	sfence.sel $0xFFFF  }
0xc0: {  	[dreg:$0x0] =	wrdreg $0xFFFFFFFF;
	(pc) =	sbr.abs _section_cstart, $3  }
0xc1: {  	[dreg:$0x1] =	wrdreg $0xFFFFFFFF  }
0xc2: {  	_ =	task.clear_ibuf [dreg:s7], $0x2FFFF;
	_ =	strace $0x9FFFFFFF  }
0xc3: {  	(tm) =	ssettm $0x7FFFFFFF  }
tec
execute0_lowered:
.L_overlay_start_1:
0x0: {  	(tag) =	ssettag $0x1  }
0x1: {  	s0 =	rddreg [dreg:$0x0]  }
0x2: {  	s1 =	rddreg [dreg:$0x1]  }
0x3: {  	s2 =	rddreg [dreg:$0x2];
	s4 =	srdreg.scid;
	s3 =	simm.s32 $0x0  }
0x4: {  	s7 =	stileid.u32;
	s22 =	simm.s32 $0x7;
	s28 =	simm.s32 $0x2DA0  }
0x5: {  	s29 =	simm.s32 $0x55A0;
	s30 =	simm.s32 $0x7DA0;
	s31 =	simm.s32 $0x2  }
0x6: {  	s6 =	sand.u32 $0x1, s4;
	[smem:$0x7FF] =	sst s3;
	s12 =	sadd.s32 $0x29C00, s0  }
0x7: {  	s11 =	smul.u32 $0x13800, s7;
	s19 =	sadd.s32 $0x138000, s2;
	p2 =	seq.s32 s7, $0x0  }
0x8: {  	p1 =	sne.s32 s7, $0x0;
	s4 =	sshll.u32 s6, $0x4;
	_ =	strace $0x8000004D  }
0x9: {  	s8 =	smul.u32 $0x27100, s6;
	s9 =	ssub.s32 $0x2, s6;
	[dreg:$0x4] =	wrdreg s12  }
0xa: {  	p0 =	sne.s32 s6, $0x0;
	s26 =	sshrl.u32 s19, $0x3;
	s6 =	simm.s32 $0x550  }
0xb: {  	s5 =	sor.u32 s7, s4;
	s4 =	sadd.s32 $0x2A00, s0;
	s10 =	sshrl.u32 s9, $0x1  }
0xc: {  	s18 =	sshrl.u32 s11, $0x3;
	s11 =	sadd.s32 s11, s2;
	[dreg:$0xd] =	wrdreg s26  }
0xd: {  	s26 =	simm.s32 $0x5A0;
	s5 =	smul.u32 $0x2710, s5;
	s0 =	sadd.s32 s8, s0  }
0xe: {  	s10 =	ssub.s32 s9, s10;
	s8 =	sadd.s32 $0x9C40, s1;
	s12 =	sadd.s32 s12, s18  }
0xf: {  	[dreg:$0x8] =	wrdreg s18;
	s9 =	sadd.s32 s4, s18;
	s18 =	sshll.u32 s7, $0x6  }
0x10: {  	s21 =	sshrl.u32 s11, $0x3;
	s11 =	simm.s32 $0x5;
	[dreg:$0x7] =	wrdreg s12  }
0x11: {  	s7 =	simm.s32 $0x0;
	[dreg:$0x9] =	wrdreg s9;
	s16 =	sadd.s32 $0x50E00, s0  }
0x12: {  	s25 =	smax.u32 s10, $0x1;
	s20 =	sor.u32 $0x1C07, s18;
	s9 =	smov.u32 s19  }
0x13: {  	s0 =	simm.s32 $0x3;
	s19 =	simm.s32 $0x500;
	s13 =	sshrl.u32 s5, $0x3  }
.Ltmp0:
0x14: {  	[dreg:$0xc] =	wrdreg s25;
	s17 =	sadd.s32 s1, s13;
	(pc) =	sbr.rel .LBB2_1-.Ltmp0, $4  }
0x15: {  	s14 =	sadd.s32 s13, s8;
	s13 =	sadd.s32 $0x4D8, s13;
	[dreg:$0x5] =	wrdreg s17  }
0x16: {  	s25 =	simm.s32 $0x50;
	[dreg:$0x6] =	wrdreg s14;
	s23 =	sadd.s32 s1, s13  }
0x17: {  	s24 =	sadd.s32 s13, s8;
	s13 =	simm.s32 $0x6;
	[dreg:$0xa] =	wrdreg s23  }
0x18: {  	[dreg:$0xb] =	wrdreg s24;
	s24 =	simm.s32 $0x1;
	s23 =	simm.s32 $0x4  }
.LBB2_12:
0x19: {  	_ =	swait.ge [sflag:s0], $0x2800  }
0x1a: {  	[sflag:s0] =	ssyncset.done $0x0  }
0x1b: {  	[sflag:s0] =	ssyncadd.s32 $0xFFFFD800  }
0x1c: {  	_ =	swait.ge [sflag:s23], $0x2800  }
0x1d: {  	[sflag:s23] =	ssyncset.done $0x0  }
0x1e: {  	[sflag:s23] =	ssyncadd.s32 $0xFFFFD800  }
0x1f: {  	_ =	swait.ge [sflag:s11], $0x2800  }
0x20: {  	[sflag:s11] =	ssyncset.done $0x0  }
0x21: {  	[sflag:s11] =	ssyncadd.s32 $0xFFFFD800  }
0x22: {  	_ =	swait.ge [sflag:s13], $0x2800  }
0x23: {  	[sflag:s13] =	ssyncset.done $0x0  }
0x24: {  	s10 =	rddreg [dreg:$0xa];
	[sflag:s13] =	ssyncadd.s32 $0xFFFFD800  }
0x25: {  	[tilespmem:s19], [sflag:$0x7] =	stream.linear.gather [hbm4b:s10+s3], $0x50, $0x38;
	[tilespmem:$0x1DE20] =	vst v63  }
0x26: {  	_ =	swait.ge [sflag:s22], $0x50  }
0x27: {  	[sflag:s22] =	ssyncset.done $0x0  }
0x28: {  	s14 =	rddreg [dreg:$0xb];
	[sflag:s22] =	ssyncadd.s32 $0xFFFFFFB0  }
0x29: {  	[tilespmem:s6], [sflag:$0x7] =	stream.linear.gather [hbm4b:s14+s3], $0x50, $0x38;
	[tilespmem:$0x1DE20] =	vst v63  }
0x2a: {  	_ =	swait.ge [sflag:s22], $0x50  }
0x2b: {  	[sflag:s22] =	ssyncset.done $0x0  }
0x2c: {  	[sflag:s22] =	ssyncadd.s32 $0xFFFFFFB0  }
0x2d: {  	[tilespmem:s26], [sflag:$0x2] =	stream.indirect.gather [hbm4b:s4+s25], $0x80, s19, s25, $0xb8;
	[tilespmem:$0x1DE20] =	vst v63  }
0x2e: {  	_ =	swait.ge [sflag:s31], $0x2800  }
0x2f: {  	[sflag:s31] =	ssyncset.done $0x0  }
0x30: {  	[sflag:s31] =	ssyncadd.s32 $0xFFFFD800  }
0x31: {  	[spmem:s2] =	stream.indirect.scatter.add.f32 [tilespmem:s26], [sflag:$0x7], $0x80, s6, s25, $0xb8;
	[tilespmem:$0x1DE20] =	vst v63  }
0x32: {  	_ =	swait.ge [sflag:s22], $0x2800  }
0x33: {  	[sflag:s22] =	ssyncset.done $0x0  }
0x34: {  	[sflag:s22] =	ssyncadd.s32 $0xFFFFD800  }
0x35: {  	[bflag:$0x0] =	sbarrier.arrive $0xFFFF  }
0x36: {  	s15 =	rddreg [dreg:$0x8]  }
0x37: {  	s12 =	sor.u32 $0x1C07, s18;
	s10 =	sadd.s32 s15, s16  }
0x38: {  	[hbm:s10], [sflag:s12] =	dma.local [spmem:s21], $0x2700  }
0x39: {  	_ =	swait.ge [sflag:s22], $0x2700  }
0x3a: {  	[sflag:s22] =	ssyncset.done $0x0  }
0x3b: {  	s14 =	sshrl.u32 @!p1 s9, $0x3;
	s10 =	sadd.s32 @!p1 $0x27000, s16;
	[sflag:s22] =	ssyncadd.s32 $0xFFFFD900  }
0x3c: {  	[hbm:s10], [sflag:s12] =	dma.local @!p1 [spmem:s14], $0x100  }
0x3d: {  	s10 =	simm.s32 @!p1 $0x7  }
0x3e: {  	_ =	swait.ge @!p1 [sflag:s10], $0x100  }
0x3f: {  	s7 =	sadd.s32 $0x1, s7;
	s17 =	rddreg [dreg:$0xc]  }
0x40: {  	p3 =	sne.s32 s7, s17  }
.Ltmp1:
0x41: {  	_ = 	snop;
	(pc) =	sbr.rel @!p3 .LBB2_13-.Ltmp1, $3  }
0x42: {  	_ =	sdelay $0x1  }
0x43: {  	[sflag:s10] =	ssyncset.done @!p1 $0x0  }
0x44: {  	[sflag:s10] =	ssyncadd.s32 @!p1 $0xFFFFFF00  }
.LBB2_1:
.Ltmp2:
0x45: {  	(pc) =	sbr.rel @p0 .LBB2_3-.Ltmp2, $4  }
0x46: {  	s10 =	rddreg [dreg:$0x5]  }
0x47: {  	[tilespmem:s3], [sflag:$0x1] =	stream.linear.gather [hbm4b:s10+s3], $0x140, $0x38;
	[tilespmem:$0x1DE20] =	vst v63  }
0x48: {  	s17 =	rddreg [dreg:$0x6];
	s12 =	simm.s32 $0x280  }
0x49: {  	[tilespmem:s12], [sflag:$0x1] =	stream.linear.gather [hbm4b:s17+s3], $0x140, $0x38;
	[tilespmem:$0x1DE20] =	vst v63  }
0x4a: {  	s10 =	rddreg [dreg:$0x9]  }
0x4b: {  	[spmem:s21], [sflag:s20] =	dma.local [hbm:s10], $0x2700  }
.Ltmp3:
0x4c: {  	_ = 	snop;
	(pc) =	sbr.rel @!p2 .LBB2_5-.Ltmp3, $4  }
.Ltmp4:
0x4d: {  	_ = 	snop;
	(pc) =	sbr.rel @p2 .LBB2_4-.Ltmp4, $4  }
0x4e: {  	_ =	swait.ge [sflag:s22], $0x2700  }
0x4f: {  	[sflag:s22] =	ssyncset.done $0x0  }
0x50: {  	s14 =	smov.u32 s4;
	s10 =	smov.u32 s20;
	[sflag:s22] =	ssyncadd.s32 $0xFFFFD900  }
0x51: {  	_ = 	snop  }
.LBB2_3:
.Ltmp5:
0x52: {  	s10 =	sor.u32 $0x1C07, s18;
	s12 =	rddreg [dreg:$0x7];
	(pc) =	sbr.rel @p1 .LBB2_5-.Ltmp5, $4  }
0x53: {  	[spmem:s21], [sflag:s10] =	dma.local [hbm:s12], $0x2700  }
0x54: {  	_ =	swait.ge [sflag:s22], $0x2700  }
0x55: {  	[sflag:s22] =	ssyncset.done $0x0  }
0x56: {  	s14 =	rddreg [dreg:$0x4];
	[sflag:s22] =	ssyncadd.s32 $0xFFFFD900  }
.LBB2_4:
0x57: {  	s14 =	sadd.s32 $0x27000, s14;
	s12 =	rddreg [dreg:$0xd]  }
0x58: {  	[spmem:s12], [sflag:s10] =	dma.local [hbm:s14], $0x100  }
0x59: {  	_ =	swait.ge [sflag:s22], $0x100  }
0x5a: {  	[sflag:s22] =	ssyncset.done $0x0  }
0x5b: {  	[sflag:s22] =	ssyncadd.s32 $0xFFFFFF00  }
.LBB2_5:
0x5c: {  	_ =	swait.ge [sflag:s24], $0x140  }
0x5d: {  	[sflag:s24] =	ssyncset.done $0x0  }
0x5e: {  	[sflag:s24] =	ssyncadd.s32 $0xFFFFFEC0  }
.Ltmp6:
0x5f: {  	_ =	swait.ge [sflag:s24], $0x140;
	(pc) =	sbr.rel .LBB2_6-.Ltmp6, $4  }
0x60: {  	[sflag:s24] =	ssyncset.done $0x0  }
0x61: {  	[sflag:s24] =	ssyncadd.s32 $0xFFFFFEC0  }
0x62: {  	[bflag:$0x0] =	sbarrier.arrive $0xFFFF  }
0x63: {  	s10 =	simm.s32 $0x0  }
.LBB2_14:
0x64: {  	s10 =	simm.s32 $0x1F;
	p3 =	por $0x1, $0x1  }
.LBB2_11:
0x65: {  	_ =	swait.ge [sflag:s31], $0x2800  }
0x66: {  	[sflag:s31] =	ssyncset.done $0x0  }
0x67: {  	s12 =	sadd.s32 $0x280, s14;
	[sflag:s31] =	ssyncadd.s32 $0xFFFFD800  }
0x68: {  	[spmem:s2] =	stream.indirect.scatter.add.f32 [tilespmem:s26], [sflag:$0x3], $0x80, s12, s25, $0xb8;
	[tilespmem:$0x1DE20] =	vst v63  }
0x69: {  	_ =	swait.ge [sflag:s31], $0x2800  }
0x6a: {  	[sflag:s31] =	ssyncset.done $0x0  }
0x6b: {  	s17 =	sadd.s32 $0x2D0, s14;
	[sflag:s31] =	ssyncadd.s32 $0xFFFFD800  }
0x6c: {  	[spmem:s2] =	stream.indirect.scatter.add.f32 [tilespmem:s28], [sflag:$0x4], $0x80, s17, s25, $0xb8;
	[tilespmem:$0x1DE20] =	vst v63  }
0x6d: {  	_ =	swait.ge [sflag:s31], $0x2800  }
0x6e: {  	[sflag:s31] =	ssyncset.done $0x0  }
0x6f: {  	s15 =	sadd.s32 $0x320, s14;
	[sflag:s31] =	ssyncadd.s32 $0xFFFFD800  }
0x70: {  	[spmem:s2] =	stream.indirect.scatter.add.f32 [tilespmem:s29], [sflag:$0x5], $0x80, s15, s25, $0xb8;
	[tilespmem:$0x1DE20] =	vst v63  }
0x71: {  	_ =	swait.ge [sflag:s31], $0x2800  }
0x72: {  	[sflag:s31] =	ssyncset.done $0x0  }
0x73: {  	s12 =	simm.s32 @!p3 $0x1;
	s17 =	sadd.s32 $0x370, s14;
	[sflag:s31] =	ssyncadd.s32 $0xFFFFD800  }
0x74: {  	[spmem:s2] =	stream.indirect.scatter.add.f32 [tilespmem:s30], [sflag:$0x6], $0x80, s17, s25, $0xb8;
	[tilespmem:$0x1DE20] =	vst v63  }
0x75: {  	p4 =	slt.u32 s10, $0x1F;
	_ =	swait.ge @!p3 [sflag:s12], $0x140  }
.Ltmp7:
0x76: {  	[sflag:s12] =	ssyncset.done @!p3 $0x0;
	(pc) =	sbr.rel @!p4 .LBB2_12-.Ltmp7, $4  }
0x77: {  	[sflag:s12] =	ssyncadd.s32 @!p3 $0xFFFFFEC0  }
0x78: {  	_ =	swait.ge @!p3 [sflag:s12], $0x140  }
0x79: {  	[sflag:s12] =	ssyncset.done @!p3 $0x0  }
0x7a: {  	[sflag:s12] =	ssyncadd.s32 @!p3 $0xFFFFFEC0  }
.LBB2_6:
0x7b: {  	p3 =	sne.s32 s10, $0x0  }
.Ltmp8:
0x7c: {  	_ = 	snop;
	(pc) =	sbr.rel @!p3 .LBB2_7-.Ltmp8, $2  }
0x7d: {  	_ =	sdelay $0x2  }
0x7e: {  	s15 =	sand.u32 $0x1, s10  }
0x7f: {  	_ =	swait.ge [sflag:s0], $0x2800  }
0x80: {  	s14 =	smul.u32 $0x140, s15;
	[sflag:s0] =	ssyncset.done $0x0  }
0x81: {  	[sflag:s0] =	ssyncadd.s32 $0xFFFFD800  }
0x82: {  	[tilespmem:s26], [sflag:$0x2] =	stream.indirect.gather [hbm4b:s4+s25], $0x80, s14, s25, $0xb8;
	[tilespmem:$0x1DE20] =	vst v63  }
0x83: {  	_ =	swait.ge [sflag:s23], $0x2800  }
0x84: {  	[sflag:s23] =	ssyncset.done $0x0  }
0x85: {  	s17 =	sadd.s32 $0x50, s14;
	[sflag:s23] =	ssyncadd.s32 $0xFFFFD800  }
0x86: {  	[tilespmem:s28], [sflag:$0x2] =	stream.indirect.gather [hbm4b:s4+s25], $0x80, s17, s25, $0xb8;
	[tilespmem:$0x1DE20] =	vst v63  }
0x87: {  	_ =	swait.ge [sflag:s11], $0x2800  }
0x88: {  	[sflag:s11] =	ssyncset.done $0x0  }
0x89: {  	p3 =	seq.s32 s10, $0x1E;
	s12 =	sadd.s32 $0xA0, s14;
	[sflag:s11] =	ssyncadd.s32 $0xFFFFD800  }
0x8a: {  	[tilespmem:s29], [sflag:$0x2] =	stream.indirect.gather [hbm4b:s4+s25], $0x80, s12, s25, $0xb8;
	[tilespmem:$0x1DE20] =	vst v63  }
.Ltmp9:
0x8b: {  	_ = 	snop;
	(pc) =	sbr.rel @p3 .LBB2_14-.Ltmp9, $4  }
0x8c: {  	_ =	swait.ge [sflag:s13], $0x2800  }
0x8d: {  	[sflag:s13] =	ssyncset.done $0x0  }
0x8e: {  	s12 =	sadd.s32 $0xF0, s14;
	[sflag:s13] =	ssyncadd.s32 $0xFFFFD800  }
0x8f: {  	[tilespmem:s30], [sflag:$0x2] =	stream.indirect.gather [hbm4b:s4+s25], $0x80, s12, s25, $0xb8;
	[tilespmem:$0x1DE20] =	vst v63  }
.Ltmp10:
0x90: {  	(pc) =	sbr.rel .LBB2_10-.Ltmp10, $2  }
0x91: {  	_ =	sdelay $0x2  }
0x92: {  	s10 =	sadd.s32 $0x1, s10  }
.LBB2_7:
0x93: {  	s10 =	smul.u32 $0x500, s15;
	_ =	sdelay $0x1  }
0x94: {  	s10 =	sshrl.u32 s10, $0x2  }
0x95: {  	[tilespmem:s26], [sflag:$0x2] =	stream.indirect.gather [hbm4b:s4+s25], $0x80, s10, s25, $0xb8;
	[tilespmem:$0x1DE20] =	vst v63  }
0x96: {  	s14 =	sadd.s32 $0x50, s10  }
0x97: {  	[tilespmem:s28], [sflag:$0x2] =	stream.indirect.gather [hbm4b:s4+s25], $0x80, s14, s25, $0xb8;
	[tilespmem:$0x1DE20] =	vst v63  }
0x98: {  	s17 =	sadd.s32 $0xA0, s10  }
0x99: {  	[tilespmem:s29], [sflag:$0x2] =	stream.indirect.gather [hbm4b:s4+s25], $0x80, s17, s25, $0xb8;
	[tilespmem:$0x1DE20] =	vst v63  }
0x9a: {  	s10 =	sadd.s32 $0xF0, s10  }
0x9b: {  	[tilespmem:s30], [sflag:$0x2] =	stream.indirect.gather [hbm4b:s4+s25], $0x80, s10, s25, $0xb8;
	[tilespmem:$0x1DE20] =	vst v63  }
0x9c: {  	s14 =	simm.s32 $0x0;
	s10 =	simm.s32 $0x1  }
.LBB2_10:
0x9d: {  	s17 =	smul.u32 $0x140, s10  }
0x9e: {  	s15 =	sxor.u32 $0x1, s15  }
0x9f: {  	s15 =	smul.u32 $0x140, s15;
	s17 =	sadd.s32 s5, s17  }
.Ltmp11:
0xa0: {  	s17 =	sshrl.u32 s17, $0x3;
	(pc) =	sbr.rel .LBB2_11-.Ltmp11, $4  }
0xa1: {  	s12 =	sadd.s32 s1, s17  }
0xa2: {  	[tilespmem:s15], [sflag:$0x1] =	stream.linear.gather [hbm4b:s12+s3], $0x140, $0x38;
	[tilespmem:$0x1DE20] =	vst v63  }
0xa3: {  	p3 =	por $0x0, $0x0;
	s17 =	sadd.s32 s8, s17;
	s15 =	sadd.s32 $0x280, s15  }
0xa4: {  	[tilespmem:s15], [sflag:$0x1] =	stream.linear.gather [hbm4b:s17+s3], $0x140, $0x38;
	[tilespmem:$0x1DE20] =	vst v63  }
.LBB2_13:
0xa5: {  	_ =	sfence.sel $0x180000  }
0xa6: {  	[bflag:$0x0] =	sbarrier.arrive $0xFFFF  }
0xa7: {  	_ =	strace $0x9000004D  }
0xa8: {  	[bflag:$0x2] =	sbarrier.arrive $0xFFFF  }
0xa9: {  	s0 =	rddreg [dreg:$0x3]  }
0xaa: {  	s0 =	sadd.s32 @!p1 $0x100000, s0  }
0xab: {  	[sflag:s0] =	ssyncadd.tile.s32 @!p1 $0x1;
	_ =	shalt  }
.Lfunc_end2:
_tile_overlayer_lowered:
.L_overlay_start_2:
0xac: {  	(tag) =	ssettag $0x2  }
0xad: {  	s0 =	rddreg [dreg:$0x0];
	s2 =	stileid.u32  }
0xae: {  	s1 =	rddreg [dreg:$0x1];
	p0 =	sne.s32 s2, $0x0  }
0xaf: {  	s3 =	rddreg [dreg:$0x2];
	[bflag:$0x3] =	sbarrier.arrive $0xFFFF;
	s2 =	simm.s32 @!p0 $0x1C07  }
0xb0: {  	[timem:s3], [sflag:s2] =	dma.local @!p0 [hbm:s0], s1  }
0xb1: {  	s0 =	simm.s32 @!p0 $0x7  }
0xb2: {  	_ =	swait.ge @!p0 [sflag:s0], s1  }
0xb3: {  	s1 =	ssub.s32 @!p0 $0x0, s1;
	[sflag:s0] =	ssyncset.done @!p0 $0x0  }
0xb4: {  	[sflag:s0] =	ssyncadd.s32 @!p0 s1  }
0xb5: {  	[bflag:$0x3] =	sbarrier.arrive $0xFFFF  }
0xb6: {  	_ =	shalt  }

// kernel: kernel.8.cloned.1.call-start
scs
__scs_entry_jumppad:
0x0: {  	(pc) =	sbr.rel $0x88, $3  }
0x1: {  	(tag) =	ssettag $0x0;
	lr =	simm.s32 $0x1  }
0x2: {  	[smem:$0x3F98] =	sst lr;
	_ =	strace $0xD0000000  }
0x3: {  	_ = 	snop  }
0x4: {  	_ = 	snop  }
0x5: {  	_ = 	snop  }
0x6: {  	_ = 	snop  }
0x7: {  	_ = 	snop  }
__scs_overlays_trampoline_lowered:
0x8: {  	[smem:$0x3FA7] =	sst s0  }
0x9: {  	[smem:$0x3FA8] =	sst s1  }
0xa: {  	[smem:$0x3FA9] =	sst s2  }
0xb: {  	[smem:$0x3FAA] =	sst s3  }
0xc: {  	[smem:$0x3FAB] =	sst s4  }
0xd: {  	[smem:$0x3FAC] =	sst s5  }
0xe: {  	[smem:$0x3FAD] =	sst s6  }
0xf: {  	[smem:$0x3FAE] =	sst s7  }
0x10: {  	[smem:$0x3FAF] =	sst s8  }
0x11: {  	[smem:$0x3FB0] =	sst s9;
	s0 =	simm.s32 @!p0 $0x0  }
0x12: {  	s1 =	sld [smem:$0x3F96];
	s0 =	simm.s32 @p0 $0x1  }
0x13: {  	[smem:$0x3FB1] =	sst s0;
	s0 =	simm.s32 @!p1 $0x0  }
0x14: {  	s2 =	sld [smem:$0x3F95];
	s0 =	simm.s32 @p1 $0x1  }
0x15: {  	[smem:$0x3FB2] =	sst s0;
	s0 =	simm.s32 @!p2 $0x0  }
0x16: {  	s3 =	sld [smem:$0x3FDB];
	s0 =	simm.s32 @p2 $0x1  }
0x17: {  	s4 =	simm.s32 $0x1BF5;
	[smem:$0x3FB4] =	sst s0  }
0x18: {  	s0 =	sld [smem:$0x3F97];
	_ =	swait.ge [sflag:s4], $0x0  }
0x19: {  	s7 =	sld [smem:$0x3F98]  }
0x1a: {  	s8 =	sadd.s32 $0xFFFFE003, lr  }
0x1b: {  	s9 =	sadd.s32 $0xFFFFFEF7, lr;
	s5 =	simm.s32 $0xFFFFFFFF;
	p2 =	slt.u32 s8, $0xFFFFF086  }
0x1c: {  	p1 =	slt.u32 s9, $0xF7A;
	s5 =	simm.s32 @!p2 $0x0  }
0x1d: {  	s5 =	simm.s32 @p1 $0x1;
	p0 =	seq.s32 s7, s2  }
0x1e: {  	s7 =	smul.u32 @!p0 $0xF7A, s2;
	p2 =	seq.s32 @!p0 s5, $0x0  }
0x1f: {  	s9 =	smul.u32 $0xF7A, s1;
	s8 =	simm.s32 @!p0 $0x1BF5;
	p2 =	por !p2, p0  }
0x20: {  	[sflag:s8] =	ssyncset.s32 @!p0 $0xFFFFF086;
	s6 =	sadd.s32 @!p0 s3, s7;
	s7 =	simm.s32 @!p0 $0x108  }
0x21: {  	s3 =	sadd.s32 s3, s9;
	s6 =	sadd.s32 @!p0 $0x88, s6;
	s7 =	simm.s32 @p2 $0x1082  }
0x22: {  	[simem:s7], [sflag:s8] =	dma.local @!p0 [hbm:s6], $0xF7A  }
0x23: {  	s9 =	sor.u32 $0xD0000000, s2;
	s6 =	simm.s32 $0x108;
	_ =	swait.ge @!p0 [sflag:s8], $0x0  }
0x24: {  	s3 =	sadd.s32 $0x88, s3;
	s6 =	simm.s32 @!p1 $0x1082;
	[sflag:s4] =	ssyncset.s32 $0xFFFFF086  }
0x25: {  	[simem:s6], [sflag:s4] =	dma.local [hbm:s3], $0xF7A  }
0x26: {  	[smem:$0x3F98] =	sst s1;
	(tag) =	ssettag s2;
	_ =	strace s9  }
0x27: {  	s1 =	sld [smem:$0x3FA8]  }
0x28: {  	s2 =	sld [smem:$0x3FA9]  }
0x29: {  	s4 =	sld [smem:$0x3FAB]  }
0x2a: {  	p0 =	seq.s32 s5, $0x0;
	s5 =	sld [smem:$0x3FAC]  }
0x2b: {  	s6 =	sld [smem:$0x3FAD]  }
0x2c: {  	s7 =	sld [smem:$0x3FAE]  }
0x2d: {  	s3 =	simm.s32 $0x108;
	s8 =	sld [smem:$0x3FAF]  }
0x2e: {  	s3 =	simm.s32 @!p0 $0x1082;
	s9 =	sld [smem:$0x3FB0]  }
0x2f: {  	lr =	sadd.s32 s0, s3;
	s0 =	sld [smem:$0x3FA7]  }
0x30: {  	s3 =	sld [smem:$0x3FAA]  }
0x31: {  	[smem:$0x3FB3] =	sst s10  }
0x32: {  	s10 =	sld [smem:$0x3FB1];
	_ =	sdelay $0x3  }
0x33: {  	p0 =	seq.s32 s10, $0x1;
	s10 =	sld [smem:$0x3FB3];
	_ =	sdelay $0x3  }
0x34: {  	[smem:$0x3FB3] =	sst s10  }
0x35: {  	s10 =	sld [smem:$0x3FB2];
	_ =	sdelay $0x3  }
0x36: {  	p1 =	seq.s32 s10, $0x1;
	s10 =	sld [smem:$0x3FB3];
	_ =	sdelay $0x3  }
0x37: {  	[smem:$0x3FB3] =	sst s10  }
0x38: {  	s10 =	sld [smem:$0x3FB4]  }
0x39: {  	_ = 	snop;
	(pc) =	sbr.ind lr, $3  }
0x3a: {  	_ = 	snop  }
0x3b: {  	_ = 	snop  }
0x3c: {  	p2 =	seq.s32 s10, $0x1;
	s10 =	sld [smem:$0x3FB3]  }
0x3d: {  	_ =	shalt  }
0x3e: {  	_ =	shalt  }
0x3f: {  	_ =	shalt  }
0x40: {  	_ =	shalt  }
0x41: {  	_ =	shalt  }
0x42: {  	_ =	shalt  }
0x43: {  	_ =	shalt  }
0x44: {  	_ =	shalt  }
0x45: {  	_ =	shalt  }
0x46: {  	_ =	shalt  }
0x47: {  	_ =	shalt  }
0x48: {  	_ =	shalt  }
0x49: {  	_ =	shalt  }
0x4a: {  	_ =	shalt  }
0x4b: {  	_ =	shalt  }
0x4c: {  	_ =	shalt  }
0x4d: {  	_ =	shalt  }
0x4e: {  	_ =	shalt  }
0x4f: {  	_ =	shalt  }
0x50: {  	_ =	shalt  }
0x51: {  	_ =	shalt  }
0x52: {  	_ =	shalt  }
0x53: {  	_ =	shalt  }
0x54: {  	_ =	shalt  }
0x55: {  	_ =	shalt  }
0x56: {  	_ =	shalt  }
0x57: {  	_ =	shalt  }
0x58: {  	_ =	shalt  }
0x59: {  	_ =	shalt  }
0x5a: {  	_ =	shalt  }
0x5b: {  	_ =	shalt  }
0x5c: {  	_ =	shalt  }
0x5d: {  	_ =	shalt  }
0x5e: {  	_ =	shalt  }
0x5f: {  	_ =	shalt  }
0x60: {  	_ =	shalt  }
0x61: {  	_ =	shalt  }
0x62: {  	_ =	shalt  }
0x63: {  	_ =	shalt  }
0x64: {  	_ =	shalt  }
0x65: {  	_ =	shalt  }
0x66: {  	_ =	shalt  }
0x67: {  	_ =	shalt  }
0x68: {  	_ =	shalt  }
0x69: {  	_ =	shalt  }
0x6a: {  	_ =	shalt  }
0x6b: {  	_ =	shalt  }
0x6c: {  	_ =	shalt  }
0x6d: {  	_ =	shalt  }
0x6e: {  	_ =	shalt  }
0x6f: {  	_ =	shalt  }
0x70: {  	_ =	shalt  }
0x71: {  	_ =	shalt  }
0x72: {  	_ =	shalt  }
0x73: {  	_ =	shalt  }
0x74: {  	_ =	shalt  }
0x75: {  	_ =	shalt  }
0x76: {  	_ =	shalt  }
0x77: {  	_ =	shalt  }
0x78: {  	_ =	shalt  }
0x79: {  	_ =	shalt  }
0x7a: {  	_ =	shalt  }
0x7b: {  	_ =	shalt  }
0x7c: {  	_ =	shalt  }
0x7d: {  	_ =	shalt  }
0x7e: {  	_ =	shalt  }
0x7f: {  	_ =	shalt  }
0x80: {  	_ =	shalt  }
0x81: {  	_ =	shalt  }
0x82: {  	_ =	shalt  }
0x83: {  	_ =	shalt  }
0x84: {  	_ =	shalt  }
0x85: {  	_ =	shalt  }
0x86: {  	_ =	shalt  }
0x87: {  	_ =	shalt  }
.Lfunc_end0:
.L_simem_size_0:
called_computation_lowered:
.L_overlay_start_0:
0x88: {  	s2 =	sld [smem:$0x3FD9]  }
0x89: {  	s3 =	sld [smem:$0x3FFE];
	_ =	sdelay $0x1  }
0x8a: {  	s1 =	srdreg.scid  }
0x8b: {  	s0 =	sand.u32 $0x1, s1  }
0x8c: {  	s17 =	sshll.u32 s0, $0xA;
	s2 =	sadd.s32 s3, s2  }
0x8d: {  	s2 =	sadd.s32 s2, s17  }
0x8e: {  	[smem:$0x3FBF] =	sst s2  }
0x8f: {  	_ = 	snop  }
0x90: {  	s2 =	sld [smem:$0x3FD0];
	(tm) =	ssettm $0x1  }
0x91: {  	s18 =	sld [smem:$0x3FFB];
	_ =	sdelay $0x3  }
0x92: {  	_ =	strace s18  }
0x93: {  	s3 =	sld [smem:$0x3FFC];
	_ =	sdelay $0x3  }
0x94: {  	_ =	strace s3  }
0x95: {  	s3 =	sld [smem:$0x3FFD];
	_ =	sdelay $0x3  }
0x96: {  	_ =	strace s3  }
0x97: {  	_ =	strace $0x8FFFFFFF  }
0x98: {  	s19 =	sld [smem:$0x3FDB];
	_ =	sdelay $0x1  }
0x99: {  	s4 =	simm.s32 $_scs_section_size  }
0x9a: {  	s5 =	simm.s32 $_size__tile_overlayer_lowered;
	s6 =	simm.s32 $_tile_overlayer_lowered  }
0x9b: {  	s22 =	simm.s32 $0x1BFF;
	s21 =	sshll.u32 s6, $0x1;
	s3 =	sadd.s32 s4, s19  }
0x9c: {  	s7 =	simm.s32 $0x0;
	s20 =	sshll.u32 s5, $0x1;
	s5 =	sadd.s32 s21, s3  }
0x9d: {  	[timem:s7], [sflag:s22] =	dma.local [hbm:s5], s20  }
0x9e: {  	_ =	swait.ge [sflag:s22], s20  }
0x9f: {  	s4 =	ssub.s32 $0x0, s20;
	[sflag:s22] =	ssyncset.done $0x0  }
0xa0: {  	[sflag:s22] =	ssyncadd.s32 s4;
	_ =	sdelay $0x1  }
0xa1: {  	s23 =	simm.s32 $0x1B8B  }
0xa2: {  	_ =	swait.ge [sflag:s23], $0x1  }
0xa3: {  	[sflag:s23] =	ssyncset.done $0x0  }
0xa4: {  	s25 =	simm.s32 $0x1B8E;
	s24 =	sld [smem:$0x3FFE];
	[sflag:s23] =	ssyncadd.s32 $0xFFFFFFFF  }
0xa5: {  	s26 =	simm.s32 $execute0_lowered;
	[smem:$0x3FD2] =	sst s25  }
0xa6: {  	s5 =	sshll.u32 s26, $0x1;
	_ =	strace $0x80000046;
	[dreg:$0x1] =	wrdreg $0xFFFFFFFF  }
0xa7: {  	s28 =	simm.s32 $_size_execute0_lowered;
	s3 =	sadd.s32 s3, s5;
	[dreg:$0x0] =	wrdreg $0x0  }
0xa8: {  	s5 =	sshll.u32 s28, $0x1;
	[dreg:$0x2] =	wrdreg s3  }
0xa9: {  	[dreg:$0x3] =	wrdreg s5  }
0xaa: {  	[dreg:$0x4] =	wrdreg $0xC0  }
0xab: {  	_ =	task [dreg:s7], $0x5FFFF  }
0xac: {  	[dreg:$0x1] =	wrdreg $0xFFFFFFFF  }
0xad: {  	[dreg:$0x0] =	wrdreg $0x60  }
0xae: {  	[dreg:$0x2] =	wrdreg s2  }
0xaf: {  	[dreg:$0x3] =	wrdreg s24  }
0xb0: {  	[dreg:$0x4] =	wrdreg $0x2C100  }
0xb1: {  	[dreg:$0x5] =	wrdreg $0x9  }
0xb2: {  	_ =	task.clear_ibuf [dreg:s7], $0x6FFFF;
	_ =	strace $0x90000046  }
0xb3: {  	s29 =	simm.s32 $0x9;
	_ =	strace $0x80000048  }
0xb4: {  	_ =	swait.ge [sflag:s29], $0x1  }
0xb5: {  	[sflag:s29] =	ssyncadd.s32 $0xFFFFFFFF  }
0xb6: {  	_ =	strace $0x90000048  }
0xb7: {  	_ =	sfence  }
0xb8: {  	s30 =	sld [smem:$0x0];
	_ =	sdelay $0x2  }
0xb9: {  	s31 =	sshll.u32 s1, $0xD;
	s1 =	sshrl.u32 s1, $0x2  }
0xba: {  	s3 =	sand.u32 $0x4000, s31;
	s1 =	sadd.s32 s1, s30  }
0xbb: {  	s0 =	sor.u32 s3, s0;
	s1 =	sshll.u32 s1, $0x11  }
0xbc: {  	s0 =	sor.u32 s1, s0  }
0xbd: {  	s0 =	sadd.s32 $0x8F2B, s0  }
0xbe: {  	[sflag:s0] =	ssyncadd.remote.s32 $0x1  }
0xbf: {  	_ =	sfence.sel $0xFFFF  }
0xc0: {  	[dreg:$0x0] =	wrdreg $0xFFFFFFFF;
	(pc) =	sbr.abs _section_cstart, $3  }
0xc1: {  	[dreg:$0x1] =	wrdreg $0xFFFFFFFF  }
0xc2: {  	_ =	task.clear_ibuf [dreg:s7], $0x2FFFF;
	_ =	strace $0x9FFFFFFF  }
0xc3: {  	(tm) =	ssettm $0x7FFFFFFF  }
tec
execute0_lowered:
.L_overlay_start_1:
0x0: {  	(tag) =	ssettag $0x1  }
0x1: {  	s4 =	rddreg [dreg:$0x0]  }
0x2: {  	s6 =	rddreg [dreg:$0x1]  }
0x3: {  	s1 =	rddreg [dreg:$0x2];
	s2 =	srdreg.scid  }
0x4: {  	s0 =	rddreg [dreg:$0x3];
	s10 =	stileid.u32;
	s14 =	simm.s32 $0x50  }
0x5: {  	s15 =	simm.s32 $0x2;
	s18 =	simm.s32 $0x0;
	s5 =	sand.u32 $0x1, s2  }
0x6: {  	s2 =	simm.s32 $0x0;
	s7 =	smul.u32 $0x2700, s10;
	s13 =	sadd.s32 $0x27000, s1  }
0x7: {  	p0 =	sne.s32 s10, $0x0;
	s3 =	sshll.u32 s5, $0x4;
	[smem:$0x7FF] =	sst s2  }
0x8: {  	s8 =	smul.u32 $0x4E20, s5;
	s5 =	ssub.s32 $0x2, s5;
	s3 =	sor.u32 s10, s3  }
0x9: {  	_ =	strace $0x80000047;
	s16 =	sshrl.u32 s7, $0x3;
	s12 =	sshrl.u32 s5, $0x1  }
0xa: {  	s31 =	sadd.s32 s7, s1;
	s10 =	sshll.u32 s10, $0x6;
	s9 =	smul.u32 $0x4E2, s3  }
0xb: {  	s3 =	sadd.s32 $0x7A00, s6;
	s11 =	sadd.s32 s16, s6;
	s8 =	sadd.s32 s8, s6  }
0xc: {  	s30 =	ssub.s32 s5, s12;
	s6 =	sadd.s32 $0x7800, s6;
	s10 =	sor.u32 $0x1C03, s10  }
0xd: {  	s12 =	sshrl.u32 @!p0 s13, $0x3;
	s13 =	simm.s32 $0x1;
	s5 =	sadd.s32 $0x2A00, s11  }
0xe: {  	s17 =	sadd.s32 $0x7C00, s8;
	s7 =	smax.u32 s30, $0x1;
	s8 =	simm.s32 $0x2710  }
0xf: {  	s11 =	sshrl.u32 s31, $0x3;
	s4 =	sadd.s32 s9, s4;
	s9 =	simm.s32 $0x3  }
0x10: {  	s16 =	sadd.s32 s16, s17;
	s17 =	sadd.s32 @!p0 $0x4E00, s17;
	s4 =	sadd.s32 $0x9C40, s4  }
.LBB2_1:
0x11: {  	[tilespmem:s2], [sflag:$0x1] =	stream.linear.gather [hbm4b:s4+s2], $0x2710, $0x38;
	[tilespmem:$0x5320] =	vst v63  }
0x12: {  	_ = 	snop  }
0x13: {  	[tilespmem:s8], [sflag:$0x3] =	stream.linear.gather [hbm4b:s3+s2], $0x500, $0x38;
	[tilespmem:$0x5320] =	vst v63  }
0x14: {  	_ =	swait.ge [sflag:s9], $0x500  }
0x15: {  	[sflag:s9] =	ssyncset.done $0x0  }
0x16: {  	[sflag:s9] =	ssyncadd.s32 $0xFFFFFB00  }
0x17: {  	[spmem:s11], [sflag:s10] =	dma.local [hbm:s5], $0x4E0  }
0x18: {  	_ =	swait.ge [sflag:s9], $0x4E0  }
0x19: {  	[sflag:s9] =	ssyncset.done $0x0  }
0x1a: {  	s19 =	simm.s32 @!p0 $0x3;
	[sflag:s9] =	ssyncadd.s32 $0xFFFFFB20  }
0x1b: {  	[spmem:s12], [sflag:s10] =	dma.local @!p0 [hbm:s6], $0x20  }
0x1c: {  	_ =	swait.ge @!p0 [sflag:s19], $0x20  }
0x1d: {  	[sflag:s19] =	ssyncset.done @!p0 $0x0  }
0x1e: {  	[sflag:s19] =	ssyncadd.s32 @!p0 $0xFFFFFFE0  }
0x1f: {  	_ =	swait.ge [sflag:s13], $0x2710  }
0x20: {  	[sflag:s13] =	ssyncset.done $0x0  }
0x21: {  	[sflag:s13] =	ssyncadd.s32 $0xFFFFD8F0  }
0x22: {  	s26 =	simm.s32 $0x0;
	[bflag:$0x0] =	sbarrier.arrive $0xFFFF  }
0x23: {  	[spmem:s1] =	stream.indirect.scatter.add.f32 [tilespmem:s8], [sflag:$0x2], $0x10, s26, s14, $0xb8;
	[tilespmem:$0x5320] =	vst v63  }
0x24: {  	s28 =	simm.s32 $0x50  }
0x25: {  	[spmem:s1] =	stream.indirect.scatter.add.f32 [tilespmem:s8], [sflag:$0x2], $0x10, s28, s14, $0xb8;
	[tilespmem:$0x5320] =	vst v63  }
0x26: {  	s29 =	simm.s32 $0xA0  }
0x27: {  	[spmem:s1] =	stream.indirect.scatter.add.f32 [tilespmem:s8], [sflag:$0x2], $0x10, s29, s14, $0xb8;
	[tilespmem:$0x5320] =	vst v63  }
0x28: {  	s30 =	simm.s32 $0xF0  }
0x29: {  	[spmem:s1] =	stream.indirect.scatter.add.f32 [tilespmem:s8], [sflag:$0x2], $0x10, s30, s14, $0xb8;
	[tilespmem:$0x5320] =	vst v63  }
0x2a: {  	s31 =	simm.s32 $0x140  }
0x2b: {  	[spmem:s1] =	stream.indirect.scatter.add.f32 [tilespmem:s8], [sflag:$0x2], $0x10, s31, s14, $0xb8;
	[tilespmem:$0x5320] =	vst v63  }
0x2c: {  	_ =	swait.ge [sflag:s15], $0x500  }
0x2d: {  	[sflag:s15] =	ssyncset.done $0x0  }
0x2e: {  	[sflag:s15] =	ssyncadd.s32 $0xFFFFFB00  }
0x2f: {  	_ =	swait.ge [sflag:s15], $0x500  }
0x30: {  	[sflag:s15] =	ssyncset.done $0x0  }
0x31: {  	[sflag:s15] =	ssyncadd.s32 $0xFFFFFB00  }
0x32: {  	_ =	swait.ge [sflag:s15], $0x500  }
0x33: {  	[sflag:s15] =	ssyncset.done $0x0  }
0x34: {  	[sflag:s15] =	ssyncadd.s32 $0xFFFFFB00  }
0x35: {  	_ =	swait.ge [sflag:s15], $0x500  }
0x36: {  	[sflag:s15] =	ssyncset.done $0x0  }
0x37: {  	[sflag:s15] =	ssyncadd.s32 $0xFFFFFB00  }
0x38: {  	_ =	swait.ge [sflag:s15], $0x500  }
0x39: {  	s20 =	simm.s32 $0xC80;
	s19 =	simm.s32 $0x640;
	[sflag:s15] =	ssyncset.done $0x0  }
.LBB2_2:
0x3a: {  	s21 =	sshra.s32 s19, $0x2  }
0x3b: {  	[sflag:s15] =	ssyncadd.s32 $0xFFFFFB00;
	s19 =	smov.u32 s20;
	s22 =	sadd.s32 $0x640, s20  }
0x3c: {  	[spmem:s1] =	stream.indirect.scatter.add.f32 [tilespmem:s8], [sflag:$0x2], $0x10, s21, s14, $0xb8;
	[tilespmem:$0x5320] =	vst v63  }
0x3d: {  	p1 =	sne.s32 s20, $0x9600;
	s20 =	sadd.s32 $0x50, s21  }
0x3e: {  	[spmem:s1] =	stream.indirect.scatter.add.f32 [tilespmem:s8], [sflag:$0x2], $0x10, s20, s14, $0xb8;
	[tilespmem:$0x5320] =	vst v63  }
0x3f: {  	s20 =	sadd.s32 $0xA0, s21  }
0x40: {  	[spmem:s1] =	stream.indirect.scatter.add.f32 [tilespmem:s8], [sflag:$0x2], $0x10, s20, s14, $0xb8;
	[tilespmem:$0x5320] =	vst v63  }
0x41: {  	s20 =	sadd.s32 $0xF0, s21  }
0x42: {  	[spmem:s1] =	stream.indirect.scatter.add.f32 [tilespmem:s8], [sflag:$0x2], $0x10, s20, s14, $0xb8;
	[tilespmem:$0x5320] =	vst v63  }
0x43: {  	s20 =	sadd.s32 $0x140, s21  }
0x44: {  	[spmem:s1] =	stream.indirect.scatter.add.f32 [tilespmem:s8], [sflag:$0x2], $0x10, s20, s14, $0xb8;
	[tilespmem:$0x5320] =	vst v63  }
0x45: {  	_ =	swait.ge [sflag:s15], $0x500  }
0x46: {  	[sflag:s15] =	ssyncset.done $0x0  }
0x47: {  	[sflag:s15] =	ssyncadd.s32 $0xFFFFFB00  }
0x48: {  	_ =	swait.ge [sflag:s15], $0x500  }
0x49: {  	[sflag:s15] =	ssyncset.done $0x0  }
0x4a: {  	[sflag:s15] =	ssyncadd.s32 $0xFFFFFB00  }
0x4b: {  	_ =	swait.ge [sflag:s15], $0x500  }
0x4c: {  	[sflag:s15] =	ssyncset.done $0x0  }
0x4d: {  	[sflag:s15] =	ssyncadd.s32 $0xFFFFFB00  }
.Ltmp0:
0x4e: {  	_ =	swait.ge [sflag:s15], $0x500;
	(pc) =	sbr.rel @p1 .LBB2_2-.Ltmp0, $4  }
0x4f: {  	[sflag:s15] =	ssyncset.done $0x0  }
0x50: {  	[sflag:s15] =	ssyncadd.s32 $0xFFFFFB00  }
0x51: {  	_ =	swait.ge [sflag:s15], $0x500  }
0x52: {  	s20 =	smov.u32 s22;
	[sflag:s15] =	ssyncset.done $0x0  }
0x53: {  	s19 =	sshra.s32 s19, $0x2;
	[sflag:s15] =	ssyncadd.s32 $0xFFFFFB00  }
0x54: {  	[spmem:s1] =	stream.indirect.scatter.add.f32 [tilespmem:s8], [sflag:$0x2], $0x10, s19, s14, $0xb8;
	[tilespmem:$0x5320] =	vst v63  }
0x55: {  	s20 =	sadd.s32 $0x50, s19  }
0x56: {  	[spmem:s1] =	stream.indirect.scatter.add.f32 [tilespmem:s8], [sflag:$0x2], $0x10, s20, s14, $0xb8;
	[tilespmem:$0x5320] =	vst v63  }
0x57: {  	s30 =	sadd.s32 $0xA0, s19  }
0x58: {  	[spmem:s1] =	stream.indirect.scatter.add.f32 [tilespmem:s8], [sflag:$0x2], $0x10, s30, s14, $0xb8;
	[tilespmem:$0x5320] =	vst v63  }
0x59: {  	s31 =	sadd.s32 $0xF0, s19  }
0x5a: {  	[spmem:s1] =	stream.indirect.scatter.add.f32 [tilespmem:s8], [sflag:$0x2], $0x10, s31, s14, $0xb8;
	[tilespmem:$0x5320] =	vst v63  }
0x5b: {  	s19 =	sadd.s32 $0x140, s19  }
0x5c: {  	[spmem:s1] =	stream.indirect.scatter.add.f32 [tilespmem:s8], [sflag:$0x2], $0x10, s19, s14, $0xb8;
	[tilespmem:$0x5320] =	vst v63  }
0x5d: {  	_ =	swait.ge [sflag:s15], $0x500  }
0x5e: {  	[sflag:s15] =	ssyncset.done $0x0  }
0x5f: {  	[sflag:s15] =	ssyncadd.s32 $0xFFFFFB00  }
0x60: {  	_ =	swait.ge [sflag:s15], $0x500  }
0x61: {  	[sflag:s15] =	ssyncset.done $0x0  }
0x62: {  	[sflag:s15] =	ssyncadd.s32 $0xFFFFFB00  }
0x63: {  	_ =	swait.ge [sflag:s15], $0x500  }
0x64: {  	[sflag:s15] =	ssyncset.done $0x0  }
0x65: {  	[sflag:s15] =	ssyncadd.s32 $0xFFFFFB00  }
0x66: {  	_ =	swait.ge [sflag:s15], $0x500  }
0x67: {  	[sflag:s15] =	ssyncset.done $0x0  }
0x68: {  	[sflag:s15] =	ssyncadd.s32 $0xFFFFFB00  }
0x69: {  	_ =	swait.ge [sflag:s15], $0x500  }
0x6a: {  	[sflag:s15] =	ssyncset.done $0x0  }
0x6b: {  	[sflag:s15] =	ssyncadd.s32 $0xFFFFFB00  }
0x6c: {  	[bflag:$0x0] =	sbarrier.arrive $0xFFFF  }
0x6d: {  	[hbm:s16], [sflag:s10] =	dma.local [spmem:s11], $0x4E0  }
0x6e: {  	s18 =	sadd.s32 $0x1, s18;
	_ =	swait.ge [sflag:s9], $0x4E0  }
0x6f: {  	p1 =	sne.s32 s18, s7;
	[sflag:s9] =	ssyncset.done $0x0  }
.Ltmp1:
0x70: {  	s19 =	simm.s32 @!p0 $0x3;
	[sflag:s9] =	ssyncadd.s32 $0xFFFFFB20;
	(pc) =	sbr.rel @p1 .LBB2_1-.Ltmp1, $4  }
0x71: {  	[hbm:s17], [sflag:s10] =	dma.local @!p0 [spmem:s12], $0x20  }
0x72: {  	_ =	swait.ge @!p0 [sflag:s19], $0x20  }
0x73: {  	[sflag:s19] =	ssyncset.done @!p0 $0x0  }
0x74: {  	[sflag:s19] =	ssyncadd.s32 @!p0 $0xFFFFFFE0  }
0x75: {  	_ =	sfence.sel $0x180000  }
0x76: {  	[bflag:$0x0] =	sbarrier.arrive $0xFFFF  }
0x77: {  	_ =	strace $0x90000047  }
0x78: {  	s0 =	sadd.s32 @!p0 $0x100000, s0;
	[bflag:$0x2] =	sbarrier.arrive $0xFFFF  }
0x79: {  	[sflag:s0] =	ssyncadd.tile.s32 @!p0 $0x1;
	_ =	shalt  }
.Lfunc_end2:
_tile_overlayer_lowered:
.L_overlay_start_2:
0x7a: {  	(tag) =	ssettag $0x2  }
0x7b: {  	s0 =	rddreg [dreg:$0x0];
	s2 =	stileid.u32  }
0x7c: {  	s1 =	rddreg [dreg:$0x1];
	p0 =	sne.s32 s2, $0x0  }
0x7d: {  	s3 =	rddreg [dreg:$0x2];
	[bflag:$0x3] =	sbarrier.arrive $0xFFFF;
	s2 =	simm.s32 @!p0 $0x1C03  }
0x7e: {  	[timem:s3], [sflag:s2] =	dma.local @!p0 [hbm:s0], s1  }
0x7f: {  	s0 =	simm.s32 @!p0 $0x3  }
0x80: {  	_ =	swait.ge @!p0 [sflag:s0], s1  }
0x81: {  	s1 =	ssub.s32 @!p0 $0x0, s1;
	[sflag:s0] =	ssyncset.done @!p0 $0x0  }
0x82: {  	[sflag:s0] =	ssyncadd.s32 @!p0 s1  }
0x83: {  	[bflag:$0x3] =	sbarrier.arrive $0xFFFF  }
0x84: {  	_ =	shalt  }

</sc_bundles>
